<compile_context>
chip_gen: v7x
topology: tpu7x:2x2x1
jax: 0.10.2.dev20260603
libtpu: 0.0.44.dev20260713+nightly
codegen_flags: <defaults>
</compile_context>

<pallas_src>
import functools

import jax
import jax.numpy as jnp
from jax import lax
from jax.experimental import pallas as pl
from jax.experimental.pallas import tpu as pltpu
from jax.experimental.pallas import tpu_sc as plsc

F32 = jnp.float32

_N0, _N1, _N2 = 16384, 4096, 1024
_D = 512
_G = 128
_B = 128
_NSUB = 16


def _make_sc_agg(n_edges, n_tgt):
  e_per_tile = n_edges // _NSUB
  n_batches = e_per_tile // _B
  rows_per_tile = n_tgt // _NSUB

  mesh = plsc.VectorSubcoreMesh(core_axis_name="c", subcore_axis_name="s")

  @functools.partial(
      pl.kernel,
      mesh=mesh,
      out_type=(
          jax.ShapeDtypeStruct((4, n_tgt, _G), F32),
          jax.ShapeDtypeStruct((2, _NSUB, n_tgt // 16, 16), F32),
      ),
      scratch_types=[
          pltpu.VMEM_SHARED((n_tgt, _G), F32),
          pltpu.VMEM((_B, _G), F32),
          pltpu.VMEM((n_tgt // 16, 16), F32),
          pltpu.VMEM((_B,), jnp.int32),
          pltpu.VMEM((_B,), jnp.int32),
          pltpu.VMEM((_B,), jnp.int32),
          pltpu.SemaphoreType.DMA,
      ],
  )
  def agg(x4, src, dst, out_sum, out_cnt, acc, rows_v, cntp,
          src_v, dst_v, idx_v, sem):
    c = lax.axis_index("c")
    s = lax.axis_index("s")

    zero16 = jnp.zeros((16,), F32)
    lane16 = lax.iota(jnp.int32, 16)

    def _zrow(r, carry):
      for j in range(_G // 16):
        rows_v[r, pl.ds(j * 16, 16)] = zero16
      return carry

    lax.fori_loop(0, _B, _zrow, 0)

    def _zcnt(r, carry):
      cntp[r, :] = zero16
      return carry

    lax.fori_loop(0, n_tgt // 16, _zcnt, 0)

    r0 = s * rows_per_tile

    for gpass in range(2):
      g = 2 * c + gpass

      for k in range(0, rows_per_tile, _B):
        blk = min(_B, rows_per_tile - k)
        pltpu.sync_copy(rows_v.at[pl.ds(0, blk)], acc.at[pl.ds(r0 + k, blk)])

      plsc.subcore_barrier()

      def _batch(t, carry):
        base = s * e_per_tile + t * _B
        pltpu.sync_copy(src.at[pl.ds(base, _B)], src_v)
        pltpu.sync_copy(dst.at[pl.ds(base, _B)], dst_v)
        for j in range(_B // 16):
          sl = pl.ds(j * 16, 16)
          idx_v[sl] = src_v[sl] * 4 + g
        pltpu.async_copy(x4.at[idx_v], rows_v, sem).wait()
        pltpu.sync_copy(rows_v, acc.at[dst_v], add=True)

        if gpass == 0:
          @pl.when(t % 2 == c)
          def _count():
            def _chunk(j, carry2):
              dv = dst_v[pl.ds(j * 16, 16)]
              for l in range(16):
                d = dv[l]
                row = d >> 4
                oh = jnp.where(lane16 == (d & 15), 1.0, 0.0).astype(F32)
                cntp[row, :] = cntp[row, :] + oh
              return carry2

            lax.fori_loop(0, _B // 16, _chunk, 0)

      def _batch_wrap(t, carry):
        _batch(t, carry)
        return carry

      lax.fori_loop(0, n_batches, _batch_wrap, 0)

      plsc.subcore_barrier()

      pltpu.sync_copy(acc.at[pl.ds(r0, rows_per_tile)],
                      out_sum.at[g, pl.ds(r0, rows_per_tile), :])

      if gpass == 0:
        def _rezero(r, carry):
          for j in range(_G // 16):
            rows_v[r, pl.ds(j * 16, 16)] = zero16
          return carry

        lax.fori_loop(0, _B, _rezero, 0)

    pltpu.sync_copy(cntp, out_cnt.at[c, s])

  return agg


_agg0 = _make_sc_agg(_N1 * 16, _N1)
_agg1 = _make_sc_agg(_N2 * 16, _N2)


def _sage_dense(summed4, cnt32, x_tgt, w_l, w_r, b, bm):
  n_tgt, d_in = x_tgt.shape
  d_out = w_l.shape[1]

  def body(s_ref, c_ref, xt_ref, wl_ref, wr_ref, b_ref, o_ref):
    cnt = jnp.maximum(jnp.sum(c_ref[...], axis=0), 1.0)[:, None]
    acc = jnp.dot(xt_ref[...], wr_ref[...], preferred_element_type=F32)
    for g in range(4):
      acc += jnp.dot(s_ref[g] / cnt, wl_ref[pl.ds(g * _G, _G), :],
                     preferred_element_type=F32)
    o_ref[...] = jnp.maximum(acc + b_ref[...], 0.0)

  return pl.pallas_call(
      body,
      grid=(n_tgt // bm,),
      in_specs=[
          pl.BlockSpec((4, bm, _G), lambda i: (0, i, 0)),
          pl.BlockSpec((32, bm), lambda i: (0, i)),
          pl.BlockSpec((bm, d_in), lambda i: (i, 0)),
          pl.BlockSpec((d_in, d_out), lambda i: (0, 0)),
          pl.BlockSpec((d_in, d_out), lambda i: (0, 0)),
          pl.BlockSpec((1, d_out), lambda i: (0, 0)),
      ],
      out_specs=pl.BlockSpec((bm, d_out), lambda i: (i, 0)),
      out_shape=jax.ShapeDtypeStruct((n_tgt, d_out), F32),
  )(summed4, cnt32, x_tgt, w_l, w_r, b)


def _final(summed4, cnt32, h0c, w_l, w_r, b, att, w_out, b_out, bm):
  n_tgt, d_in = h0c.shape
  d_out = w_out.shape[1]

  def body(s_ref, c_ref, h0_ref, wl_ref, wr_ref, b_ref, att_ref, wo_ref,
           bo_ref, o_ref):
    cnt = jnp.maximum(jnp.sum(c_ref[...], axis=0), 1.0)[:, None]
    h0b = h0_ref[...]
    acc = jnp.dot(h0b, wr_ref[...], preferred_element_type=F32)
    for g in range(4):
      acc += jnp.dot(s_ref[g] / cnt, wl_ref[pl.ds(g * _G, _G), :],
                     preferred_element_type=F32)
    h1 = jnp.maximum(acc + b_ref[...], 0.0)
    a = att_ref[...]
    sc0 = jnp.sum(jnp.tanh(h0b) * a, axis=1, keepdims=True)
    sc1 = jnp.sum(jnp.tanh(h1) * a, axis=1, keepdims=True)
    m = jnp.maximum(sc0, sc1)
    e0 = jnp.exp(sc0 - m)
    e1 = jnp.exp(sc1 - m)
    inv = 1.0 / (e0 + e1)
    h = (e0 * inv) * h0b + (e1 * inv) * h1
    o_ref[...] = jnp.dot(h, wo_ref[...], preferred_element_type=F32) + bo_ref[...]

  return pl.pallas_call(
      body,
      grid=(n_tgt // bm,),
      in_specs=[
          pl.BlockSpec((4, bm, _G), lambda i: (0, i, 0)),
          pl.BlockSpec((32, bm), lambda i: (0, i)),
          pl.BlockSpec((bm, d_in), lambda i: (i, 0)),
          pl.BlockSpec((d_in, d_in), lambda i: (0, 0)),
          pl.BlockSpec((d_in, d_in), lambda i: (0, 0)),
          pl.BlockSpec((1, d_in), lambda i: (0, 0)),
          pl.BlockSpec((1, d_in), lambda i: (0, 0)),
          pl.BlockSpec((d_in, d_out), lambda i: (0, 0)),
          pl.BlockSpec((1, d_out), lambda i: (0, 0)),
      ],
      out_specs=pl.BlockSpec((bm, d_out), lambda i: (i, 0)),
      out_shape=jax.ShapeDtypeStruct((n_tgt, d_out), F32),
  )(summed4, cnt32, h0c, w_l, w_r, b, att, w_out, b_out)


def kernel(x, edge_index_0, edge_index_1, W_l0, b0, W_r0, W_l1, b1, W_r1,
           att, W_out, b_out):
  x4 = x.reshape(4 * _N0, _G)
  s0, c0 = _agg0(x4, edge_index_0[0], edge_index_0[1])
  h0 = _sage_dense(s0, c0.reshape(32, _N1), x[:_N1], W_l0, W_r0,
                   b0.reshape(1, _D), bm=512)
  h04 = h0.reshape(4 * _N1, _G)
  s1, c1 = _agg1(h04, edge_index_1[0], edge_index_1[1])
  return _final(s1, c1.reshape(32, _N2), h0[:_N2], W_l1, W_r1,
                b1.reshape(1, _D), att.reshape(1, _D), W_out,
                b_out.reshape(1, -1), bm=512)

# --- scband reference (transcript-rebuilt; emitter-appended) ---
"""Pipeline reference for scband-summarize-sage-60258391163613 (READ-ONLY COPY).

The authoritative reference and input builder live on the scoring server;
editing this copy changes nothing except your own understanding.
"""

import jax, jax.numpy as jnp
import numpy as np

N0, N1, N2 = 16384, 4096, 1024
D_FEAT, N_HID, N_CLASS = 512, 512, 64
DEG = 16
E0, E1 = N1 * DEG, N2 * DEG


def setup_inputs(seed: int = 0):
    key = jax.random.key(seed)
    ks = jax.random.split(key, 14)
    x = jax.random.normal(ks[0], (N0, D_FEAT), dtype=jnp.float32)
    src0 = jax.random.randint(ks[1], (E0,), 0, N0, dtype=jnp.int32)
    dst0 = jax.random.randint(ks[2], (E0,), 0, N1, dtype=jnp.int32)
    edge_index_0 = jnp.stack([src0, dst0], axis=0)
    src1 = jax.random.randint(ks[3], (E1,), 0, N1, dtype=jnp.int32)
    dst1 = jax.random.randint(ks[4], (E1,), 0, N2, dtype=jnp.int32)
    edge_index_1 = jnp.stack([src1, dst1], axis=0)
    s = 0.02
    W_l0 = jax.random.normal(ks[5], (D_FEAT, N_HID), dtype=jnp.float32) * s
    W_r0 = jax.random.normal(ks[6], (D_FEAT, N_HID), dtype=jnp.float32) * s
    b0 = jnp.zeros((N_HID,), dtype=jnp.float32)
    W_l1 = jax.random.normal(ks[7], (N_HID, N_HID), dtype=jnp.float32) * s
    W_r1 = jax.random.normal(ks[8], (N_HID, N_HID), dtype=jnp.float32) * s
    b1 = jnp.zeros((N_HID,), dtype=jnp.float32)
    att = jax.random.normal(ks[9], (N_HID,), dtype=jnp.float32) * s
    W_out = jax.random.normal(ks[10], (N_HID, N_CLASS), dtype=jnp.float32) * s
    b_out = jnp.zeros((N_CLASS,), dtype=jnp.float32)
    return {"x": x, "edge_index_0": edge_index_0, "edge_index_1": edge_index_1,
            "W_l0": W_l0, "b0": b0, "W_r0": W_r0,
            "W_l1": W_l1, "b1": b1, "W_r1": W_r1,
            "att": att, "W_out": W_out, "b_out": b_out}


def _sage(x_src, x_tgt, edge_index, W_l, b, W_r):
    # PyG SAGEConv, bipartite (x_src, x_tgt), mean aggregation:
    # out = lin_l(mean_{j->i} x_src[j]) + lin_r(x_tgt)
    n_tgt = x_tgt.shape[0]
    msgs = jnp.take(x_src, edge_index[0], axis=0)
    summed = jax.ops.segment_sum(msgs, edge_index[1], num_segments=n_tgt)
    cnt = jax.ops.segment_sum(jnp.ones((edge_index.shape[1],), dtype=x_src.dtype),
                              edge_index[1], num_segments=n_tgt)
    mean = summed / jnp.maximum(cnt, 1.0)[:, None]
    return mean @ W_l + b + x_tgt @ W_r


def reference(x, edge_index_0, edge_index_1, W_l0, b0, W_r0, W_l1, b1, W_r1, att, W_out, b_out):
    # layer 0: targets = first N1 rows of x (neighbor-sampling convention)
    h0 = jax.nn.relu(_sage(x, x[:N1], edge_index_0, W_l0, b0, W_r0))
    # dropout is identity in eval mode
    # layer 1: targets = first N2 rows of h0
    h1 = jax.nn.relu(_sage(h0, h0[:N2], edge_index_1, W_l1, b1, W_r1))
    # SummarizeSkipConnection: additive attention over per-layer representations
    hs = jnp.stack([h0[:N2], h1], axis=1)  # [N2, n_layer, n_hid]
    scores = jnp.einsum('nlc,c->nl', jnp.tanh(hs), att)
    alpha = jax.nn.softmax(scores, axis=1)
    h = jnp.einsum('nl,nlc->nc', alpha, hs)
    return h @ W_out + b_out

if __name__ == "__main__":
    import jax
    _d = setup_inputs()
    print(jax.jit(kernel)(*tuple(_d.values())))

</pallas_src>

<mosaic_0001>
#map = affine_map<(d0, d1) -> (0, 0)>
#map1 = affine_map<(d0, d1) -> (0)>
#map2 = affine_map<(d0, d1) -> (0, 0, 0)>
#map3 = affine_map<(d0, d1) -> (0, 0, 0, 0)>
module attributes {stable_mosaic.version = 14 : i64} {
  func.func @agg(%arg0: i32, %arg1: i32, %arg2: memref<16384x128xf32, #tpu.memory_space<hbm>>, %arg3: memref<16384xi32, #tpu.memory_space<hbm>>, %arg4: memref<16384xi32, #tpu.memory_space<hbm>>, %arg5: memref<4x1024x128xf32, #tpu.memory_space<hbm>>, %arg6: memref<2x16x64x16xf32, #tpu.memory_space<hbm>>, %arg7: memref<1024x128xf32, #tpu.memory_space<vmem_shared>>, %arg8: memref<128x128xf32, #tpu.memory_space<vmem>>, %arg9: memref<64x16xf32, #tpu.memory_space<vmem>>, %arg10: memref<128xi32, #tpu.memory_space<vmem>>, %arg11: memref<128xi32, #tpu.memory_space<vmem>>, %arg12: memref<128xi32, #tpu.memory_space<vmem>>, %arg13: memref<!tpu.dma_semaphore, #tpu.memory_space<semaphore_mem>>) attributes {dimension_semantics = [#tpu.dimension_semantics<core_parallel>, #tpu.dimension_semantics<subcore_parallel>], iteration_bounds = array<i64: 2, 16>, scalar_prefetch = 0 : i64, scratch_operands = 7 : i64, tpu.core_type = #tpu.core_type<sc_vector_subcore>, window_params = [{transform_indices = #map}, {transform_indices = #map1}, {transform_indices = #map1}, {transform_indices = #map2}, {transform_indices = #map3}]} {
    %broadcast_in_dim3A = arith.constant 0.000000e+00 : f32
    %broadcast_in_dim3A_0 = vector.broadcast %broadcast_in_dim3A : f32 to vector<16xf32>
    %iota3A = tpu.iota {dimensions = array<i32: 0>} : vector<16xi32>
    %scan3A = arith.constant 0 : i32
    %scan3A_1 = arith.constant 0 : i32
    %scan3A_2 = arith.constant 128 : i32
    %scan3A_3 = arith.addi %scan3A_1, %scan3A_2 : i32
    %scan3A_4 = arith.constant 1 : i32
    scf.for %scan3A_45 = %scan3A_1 to %scan3A_3 step %scan3A_4  : i32 {
      %swap3A = arith.index_cast %scan3A_45 : i32 to index
      %swap3A_46 = arith.constant 0 : index
      %swap3A_47 = tpu.vector_load %arg8[%swap3A, %swap3A_46] {strides = array<i32>} : memref<128x128xf32, #tpu.memory_space<vmem>>, vector<1x16xf32>,
      %swap3A_48 = vector.shape_cast %swap3A_47 : vector<1x16xf32> to vector<16xf32>
      %swap3A_49 = vector.shape_cast %broadcast_in_dim3A_0 : vector<16xf32> to vector<1x16xf32>
      tpu.vector_store %arg8[%swap3A, %swap3A_46], %swap3A_49 {strides = array<i32>} : memref<128x128xf32, #tpu.memory_space<vmem>>, vector<1x16xf32>,
      %swap3A_50 = arith.index_cast %scan3A_45 : i32 to index
      %swap3A_51 = arith.constant 16 : index
      %swap3A_52 = tpu.vector_load %arg8[%swap3A_50, %swap3A_51] {strides = array<i32>} : memref<128x128xf32, #tpu.memory_space<vmem>>, vector<1x16xf32>,
      %swap3A_53 = vector.shape_cast %swap3A_52 : vector<1x16xf32> to vector<16xf32>
      %swap3A_54 = vector.shape_cast %broadcast_in_dim3A_0 : vector<16xf32> to vector<1x16xf32>
      tpu.vector_store %arg8[%swap3A_50, %swap3A_51], %swap3A_54 {strides = array<i32>} : memref<128x128xf32, #tpu.memory_space<vmem>>, vector<1x16xf32>,
      %swap3A_55 = arith.index_cast %scan3A_45 : i32 to index
      %swap3A_56 = arith.constant 32 : index
      %swap3A_57 = tpu.vector_load %arg8[%swap3A_55, %swap3A_56] {strides = array<i32>} : memref<128x128xf32, #tpu.memory_space<vmem>>, vector<1x16xf32>,
      %swap3A_58 = vector.shape_cast %swap3A_57 : vector<1x16xf32> to vector<16xf32>
      %swap3A_59 = vector.shape_cast %broadcast_in_dim3A_0 : vector<16xf32> to vector<1x16xf32>
      tpu.vector_store %arg8[%swap3A_55, %swap3A_56], %swap3A_59 {strides = array<i32>} : memref<128x128xf32, #tpu.memory_space<vmem>>, vector<1x16xf32>,
      %swap3A_60 = arith.index_cast %scan3A_45 : i32 to index
      %swap3A_61 = arith.constant 48 : index
      %swap3A_62 = tpu.vector_load %arg8[%swap3A_60, %swap3A_61] {strides = array<i32>} : memref<128x128xf32, #tpu.memory_space<vmem>>, vector<1x16xf32>,
      %swap3A_63 = vector.shape_cast %swap3A_62 : vector<1x16xf32> to vector<16xf32>
      %swap3A_64 = vector.shape_cast %broadcast_in_dim3A_0 : vector<16xf32> to vector<1x16xf32>
      tpu.vector_store %arg8[%swap3A_60, %swap3A_61], %swap3A_64 {strides = array<i32>} : memref<128x128xf32, #tpu.memory_space<vmem>>, vector<1x16xf32>,
      %swap3A_65 = arith.index_cast %scan3A_45 : i32 to index
      %swap3A_66 = arith.constant 64 : index
      %swap3A_67 = tpu.vector_load %arg8[%swap3A_65, %swap3A_66] {strides = array<i32>} : memref<128x128xf32, #tpu.memory_space<vmem>>, vector<1x16xf32>,
      %swap3A_68 = vector.shape_cast %swap3A_67 : vector<1x16xf32> to vector<16xf32>
      %swap3A_69 = vector.shape_cast %broadcast_in_dim3A_0 : vector<16xf32> to vector<1x16xf32>
      tpu.vector_store %arg8[%swap3A_65, %swap3A_66], %swap3A_69 {strides = array<i32>} : memref<128x128xf32, #tpu.memory_space<vmem>>, vector<1x16xf32>,
      %swap3A_70 = arith.index_cast %scan3A_45 : i32 to index
      %swap3A_71 = arith.constant 80 : index
      %swap3A_72 = tpu.vector_load %arg8[%swap3A_70, %swap3A_71] {strides = array<i32>} : memref<128x128xf32, #tpu.memory_space<vmem>>, vector<1x16xf32>,
      %swap3A_73 = vector.shape_cast %swap3A_72 : vector<1x16xf32> to vector<16xf32>
      %swap3A_74 = vector.shape_cast %broadcast_in_dim3A_0 : vector<16xf32> to vector<1x16xf32>
      tpu.vector_store %arg8[%swap3A_70, %swap3A_71], %swap3A_74 {strides = array<i32>} : memref<128x128xf32, #tpu.memory_space<vmem>>, vector<1x16xf32>,
      %swap3A_75 = arith.index_cast %scan3A_45 : i32 to index
      %swap3A_76 = arith.constant 96 : index
      %swap3A_77 = tpu.vector_load %arg8[%swap3A_75, %swap3A_76] {strides = array<i32>} : memref<128x128xf32, #tpu.memory_space<vmem>>, vector<1x16xf32>,
      %swap3A_78 = vector.shape_cast %swap3A_77 : vector<1x16xf32> to vector<16xf32>
      %swap3A_79 = vector.shape_cast %broadcast_in_dim3A_0 : vector<16xf32> to vector<1x16xf32>
      tpu.vector_store %arg8[%swap3A_75, %swap3A_76], %swap3A_79 {strides = array<i32>} : memref<128x128xf32, #tpu.memory_space<vmem>>, vector<1x16xf32>,
      %swap3A_80 = arith.index_cast %scan3A_45 : i32 to index
      %swap3A_81 = arith.constant 112 : index
      %swap3A_82 = tpu.vector_load %arg8[%swap3A_80, %swap3A_81] {strides = array<i32>} : memref<128x128xf32, #tpu.memory_space<vmem>>, vector<1x16xf32>,
      %swap3A_83 = vector.shape_cast %swap3A_82 : vector<1x16xf32> to vector<16xf32>
      %swap3A_84 = vector.shape_cast %broadcast_in_dim3A_0 : vector<16xf32> to vector<1x16xf32>
      tpu.vector_store %arg8[%swap3A_80, %swap3A_81], %swap3A_84 {strides = array<i32>} : memref<128x128xf32, #tpu.memory_space<vmem>>, vector<1x16xf32>,
    }
    %scan3A_5 = arith.constant 128 : i32
    %scan3A_6 = arith.constant 0 : i32
    %scan3A_7 = arith.constant 0 : i32
    %scan3A_8 = arith.constant 64 : i32
    %scan3A_9 = arith.addi %scan3A_7, %scan3A_8 : i32
    %scan3A_10 = arith.constant 1 : i32
    scf.for %scan3A_45 = %scan3A_7 to %scan3A_9 step %scan3A_10  : i32 {
      %swap3A = arith.index_cast %scan3A_45 : i32 to index
      %swap3A_46 = arith.constant 0 : index
      %swap3A_47 = tpu.vector_load %arg9[%swap3A, %swap3A_46] {strides = array<i32>} : memref<64x16xf32, #tpu.memory_space<vmem>>, vector<1x16xf32>,
      %swap3A_48 = vector.shape_cast %swap3A_47 : vector<1x16xf32> to vector<16xf32>
      %swap3A_49 = vector.shape_cast %broadcast_in_dim3A_0 : vector<16xf32> to vector<1x16xf32>
      tpu.vector_store %arg9[%swap3A, %swap3A_46], %swap3A_49 {strides = array<i32>} : memref<64x16xf32, #tpu.memory_space<vmem>>, vector<1x16xf32>,
    }
    %scan3A_11 = arith.constant 64 : i32
    %mul3A = arith.constant 64 : i32
    %mul3A_12 = arith.muli %arg1, %mul3A : i32
    %mul3A_13 = arith.constant 2 : i32
    %mul3A_14 = arith.muli %mul3A_13, %arg0 : i32
    %add3A = arith.constant 0 : i32
    %add3A_15 = arith.addi %mul3A_14, %add3A : i32
    %add3A_16 = arith.constant 0 : i32
    %add3A_17 = arith.addi %mul3A_12, %add3A_16 : i32
    "tpu.region"() ({
      %run_scoped3A = tpu.sem_alloc : memref<!tpu.dma_semaphore, #tpu.memory_space<semaphore_mem>>
      %dma_start3A = arith.constant 0 : i32
      %dma_start3A_45 = arith.constant 0 : i32
      %dma_start3A_46 = tpu.memref_slice %arg8[%dma_start3A, %dma_start3A_45] : memref<128x128xf32, #tpu.memory_space<vmem>> -> memref<64x128xf32, #tpu.memory_space<vmem>>
      %dma_start3A_47 = arith.constant 0 : i32
      %dma_start3A_48 = tpu.memref_slice %arg7[%add3A_17, %dma_start3A_47] : memref<1024x128xf32, #tpu.memory_space<vmem_shared>> -> memref<64x128xf32, #tpu.memory_space<vmem_shared>>
      %dma_start3A_49 = arith.constant 0 : i32
      %dma_start3A_50 = tpu.memref_slice %arg7[%add3A_17, %dma_start3A_49] : memref<1024x128xf32, #tpu.memory_space<vmem_shared>> -> memref<64x128xf32, #tpu.memory_space<vmem_shared>>
      %dma_start3A_51 = arith.constant 0 : i32
      %dma_start3A_52 = arith.constant 0 : i32
      %dma_start3A_53 = tpu.memref_slice %arg8[%dma_start3A_51, %dma_start3A_52] : memref<128x128xf32, #tpu.memory_space<vmem>> -> memref<64x128xf32, #tpu.memory_space<vmem>>
      tpu.enqueue_dma source(%dma_start3A_53 : memref<64x128xf32, #tpu.memory_space<vmem>>) target(%dma_start3A_50 : memref<64x128xf32, #tpu.memory_space<vmem_shared>>) target_semaphore(%run_scoped3A : memref<!tpu.dma_semaphore, #tpu.memory_space<semaphore_mem>>)
      %dma_wait3A = arith.constant 0 : i32
      %dma_wait3A_54 = arith.constant 0 : i32
      %dma_wait3A_55 = tpu.memref_slice %arg8[%dma_wait3A, %dma_wait3A_54] : memref<128x128xf32, #tpu.memory_space<vmem>> -> memref<64x128xf32, #tpu.memory_space<vmem>>
      %dma_wait3A_56 = arith.constant 0 : i32
      %dma_wait3A_57 = tpu.memref_slice %arg7[%add3A_17, %dma_wait3A_56] : memref<1024x128xf32, #tpu.memory_space<vmem_shared>> -> memref<64x128xf32, #tpu.memory_space<vmem_shared>>
      %dma_wait3A_58 = arith.constant 0 : i32
      %dma_wait3A_59 = tpu.memref_slice %arg7[%add3A_17, %dma_wait3A_58] : memref<1024x128xf32, #tpu.memory_space<vmem_shared>> -> memref<64x128xf32, #tpu.memory_space<vmem_shared>>
      %dma_wait3A_60 = arith.constant 0 : i32
      %dma_wait3A_61 = arith.constant 0 : i32
      %dma_wait3A_62 = tpu.memref_slice %arg8[%dma_wait3A_60, %dma_wait3A_61] : memref<128x128xf32, #tpu.memory_space<vmem>> -> memref<64x128xf32, #tpu.memory_space<vmem>>
      tpu.wait_dma2 semaphore(%run_scoped3A : memref<!tpu.dma_semaphore, #tpu.memory_space<semaphore_mem>>) src(%dma_wait3A_62 : memref<64x128xf32, #tpu.memory_space<vmem>>) dst(%dma_wait3A_59 : memref<64x128xf32, #tpu.memory_space<vmem_shared>>)
      tpu.yield
    }) : () -> ()
    %barrier3A = arith.constant 0 : index
    tpu.barrier barrier_id(%barrier3A)
    %scan3A_18 = arith.constant 0 : i32
    %scan3A_19 = arith.constant 0 : i32
    %scan3A_20 = arith.constant 8 : i32
    %scan3A_21 = arith.addi %scan3A_19, %scan3A_20 : i32
    %scan3A_22 = arith.constant 1 : i32
    scf.for %scan3A_45 = %scan3A_19 to %scan3A_21 step %scan3A_22  : i32 {
      %mul3A_46 = arith.constant 1024 : i32
      %mul3A_47 = arith.muli %arg1, %mul3A_46 : i32
      %mul3A_48 = arith.constant 128 : i32
      %mul3A_49 = arith.muli %scan3A_45, %mul3A_48 : i32
      %add3A_50 = arith.addi %mul3A_47, %mul3A_49 : i32
      "tpu.region"() ({
        %run_scoped3A = tpu.sem_alloc : memref<!tpu.dma_semaphore, #tpu.memory_space<semaphore_mem>>
        %dma_start3A_160 = tpu.memref_slice %arg3[%add3A_50] : memref<16384xi32, #tpu.memory_space<hbm>> -> memref<128xi32, #tpu.memory_space<hbm>>
        %dma_start3A_161 = tpu.memref_slice %arg3[%add3A_50] : memref<16384xi32, #tpu.memory_space<hbm>> -> memref<128xi32, #tpu.memory_space<hbm>>
        tpu.enqueue_dma source(%dma_start3A_161 : memref<128xi32, #tpu.memory_space<hbm>>) target(%arg10 : memref<128xi32, #tpu.memory_space<vmem>>) target_semaphore(%run_scoped3A : memref<!tpu.dma_semaphore, #tpu.memory_space<semaphore_mem>>)
        %dma_wait3A_162 = tpu.memref_slice %arg3[%add3A_50] : memref<16384xi32, #tpu.memory_space<hbm>> -> memref<128xi32, #tpu.memory_space<hbm>>
        %dma_wait3A_163 = tpu.memref_slice %arg3[%add3A_50] : memref<16384xi32, #tpu.memory_space<hbm>> -> memref<128xi32, #tpu.memory_space<hbm>>
        tpu.wait_dma2 semaphore(%run_scoped3A : memref<!tpu.dma_semaphore, #tpu.memory_space<semaphore_mem>>) src(%dma_wait3A_163 : memref<128xi32, #tpu.memory_space<hbm>>) dst(%arg10 : memref<128xi32, #tpu.memory_space<vmem>>)
        tpu.yield
      }) : () -> ()
      "tpu.region"() ({
        %run_scoped3A = tpu.sem_alloc : memref<!tpu.dma_semaphore, #tpu.memory_space<semaphore_mem>>
        %dma_start3A_160 = tpu.memref_slice %arg4[%add3A_50] : memref<16384xi32, #tpu.memory_space<hbm>> -> memref<128xi32, #tpu.memory_space<hbm>>
        %dma_start3A_161 = tpu.memref_slice %arg4[%add3A_50] : memref<16384xi32, #tpu.memory_space<hbm>> -> memref<128xi32, #tpu.memory_space<hbm>>
        tpu.enqueue_dma source(%dma_start3A_161 : memref<128xi32, #tpu.memory_space<hbm>>) target(%arg11 : memref<128xi32, #tpu.memory_space<vmem>>) target_semaphore(%run_scoped3A : memref<!tpu.dma_semaphore, #tpu.memory_space<semaphore_mem>>)
        %dma_wait3A_162 = tpu.memref_slice %arg4[%add3A_50] : memref<16384xi32, #tpu.memory_space<hbm>> -> memref<128xi32, #tpu.memory_space<hbm>>
        %dma_wait3A_163 = tpu.memref_slice %arg4[%add3A_50] : memref<16384xi32, #tpu.memory_space<hbm>> -> memref<128xi32, #tpu.memory_space<hbm>>
        tpu.wait_dma2 semaphore(%run_scoped3A : memref<!tpu.dma_semaphore, #tpu.memory_space<semaphore_mem>>) src(%dma_wait3A_163 : memref<128xi32, #tpu.memory_space<hbm>>) dst(%arg11 : memref<128xi32, #tpu.memory_space<vmem>>)
        tpu.yield
      }) : () -> ()
      %get3A = arith.constant 0 : index
      %get3A_51 = tpu.vector_load %arg10[%get3A] {strides = array<i32>} : memref<128xi32, #tpu.memory_space<vmem>>, vector<16xi32>,
      %get3A_52 = vector.shape_cast %get3A_51 : vector<16xi32> to vector<16xi32>
      %mul3A_53 = arith.constant 4 : i32
      %mul3A_54 = vector.broadcast %mul3A_53 : i32 to vector<16xi32>
      %mul3A_55 = arith.muli %get3A_52, %mul3A_54 : vector<16xi32>
      %add3A_56 = vector.broadcast %add3A_15 : i32 to vector<16xi32>
      %add3A_57 = arith.addi %mul3A_55, %add3A_56 : vector<16xi32>
      %swap3A = arith.constant 0 : index
      %swap3A_58 = tpu.vector_load %arg12[%swap3A] {strides = array<i32>} : memref<128xi32, #tpu.memory_space<vmem>>, vector<16xi32>,
      %swap3A_59 = vector.shape_cast %swap3A_58 : vector<16xi32> to vector<16xi32>
      %swap3A_60 = vector.shape_cast %add3A_57 : vector<16xi32> to vector<16xi32>
      tpu.vector_store %arg12[%swap3A], %swap3A_60 {strides = array<i32>} : memref<128xi32, #tpu.memory_space<vmem>>, vector<16xi32>,
      %get3A_61 = arith.constant 16 : index
      %get3A_62 = tpu.vector_load %arg10[%get3A_61] {strides = array<i32>} : memref<128xi32, #tpu.memory_space<vmem>>, vector<16xi32>,
      %get3A_63 = vector.shape_cast %get3A_62 : vector<16xi32> to vector<16xi32>
      %mul3A_64 = arith.constant 4 : i32
      %mul3A_65 = vector.broadcast %mul3A_64 : i32 to vector<16xi32>
      %mul3A_66 = arith.muli %get3A_63, %mul3A_65 : vector<16xi32>
      %add3A_67 = vector.broadcast %add3A_15 : i32 to vector<16xi32>
      %add3A_68 = arith.addi %mul3A_66, %add3A_67 : vector<16xi32>
      %swap3A_69 = arith.constant 16 : index
      %swap3A_70 = tpu.vector_load %arg12[%swap3A_69] {strides = array<i32>} : memref<128xi32, #tpu.memory_space<vmem>>, vector<16xi32>,
      %swap3A_71 = vector.shape_cast %swap3A_70 : vector<16xi32> to vector<16xi32>
      %swap3A_72 = vector.shape_cast %add3A_68 : vector<16xi32> to vector<16xi32>
      tpu.vector_store %arg12[%swap3A_69], %swap3A_72 {strides = array<i32>} : memref<128xi32, #tpu.memory_space<vmem>>, vector<16xi32>,
      %get3A_73 = arith.constant 32 : index
      %get3A_74 = tpu.vector_load %arg10[%get3A_73] {strides = array<i32>} : memref<128xi32, #tpu.memory_space<vmem>>, vector<16xi32>,
      %get3A_75 = vector.shape_cast %get3A_74 : vector<16xi32> to vector<16xi32>
      %mul3A_76 = arith.constant 4 : i32
      %mul3A_77 = vector.broadcast %mul3A_76 : i32 to vector<16xi32>
      %mul3A_78 = arith.muli %get3A_75, %mul3A_77 : vector<16xi32>
      %add3A_79 = vector.broadcast %add3A_15 : i32 to vector<16xi32>
      %add3A_80 = arith.addi %mul3A_78, %add3A_79 : vector<16xi32>
      %swap3A_81 = arith.constant 32 : index
      %swap3A_82 = tpu.vector_load %arg12[%swap3A_81] {strides = array<i32>} : memref<128xi32, #tpu.memory_space<vmem>>, vector<16xi32>,
      %swap3A_83 = vector.shape_cast %swap3A_82 : vector<16xi32> to vector<16xi32>
      %swap3A_84 = vector.shape_cast %add3A_80 : vector<16xi32> to vector<16xi32>
      tpu.vector_store %arg12[%swap3A_81], %swap3A_84 {strides = array<i32>} : memref<128xi32, #tpu.memory_space<vmem>>, vector<16xi32>,
      %get3A_85 = arith.constant 48 : index
      %get3A_86 = tpu.vector_load %arg10[%get3A_85] {strides = array<i32>} : memref<128xi32, #tpu.memory_space<vmem>>, vector<16xi32>,
      %get3A_87 = vector.shape_cast %get3A_86 : vector<16xi32> to vector<16xi32>
      %mul3A_88 = arith.constant 4 : i32
      %mul3A_89 = vector.broadcast %mul3A_88 : i32 to vector<16xi32>
      %mul3A_90 = arith.muli %get3A_87, %mul3A_89 : vector<16xi32>
      %add3A_91 = vector.broadcast %add3A_15 : i32 to vector<16xi32>
      %add3A_92 = arith.addi %mul3A_90, %add3A_91 : vector<16xi32>
      %swap3A_93 = arith.constant 48 : index
      %swap3A_94 = tpu.vector_load %arg12[%swap3A_93] {strides = array<i32>} : memref<128xi32, #tpu.memory_space<vmem>>, vector<16xi32>,
      %swap3A_95 = vector.shape_cast %swap3A_94 : vector<16xi32> to vector<16xi32>
      %swap3A_96 = vector.shape_cast %add3A_92 : vector<16xi32> to vector<16xi32>
      tpu.vector_store %arg12[%swap3A_93], %swap3A_96 {strides = array<i32>} : memref<128xi32, #tpu.memory_space<vmem>>, vector<16xi32>,
      %get3A_97 = arith.constant 64 : index
      %get3A_98 = tpu.vector_load %arg10[%get3A_97] {strides = array<i32>} : memref<128xi32, #tpu.memory_space<vmem>>, vector<16xi32>,
      %get3A_99 = vector.shape_cast %get3A_98 : vector<16xi32> to vector<16xi32>
      %mul3A_100 = arith.constant 4 : i32
      %mul3A_101 = vector.broadcast %mul3A_100 : i32 to vector<16xi32>
      %mul3A_102 = arith.muli %get3A_99, %mul3A_101 : vector<16xi32>
      %add3A_103 = vector.broadcast %add3A_15 : i32 to vector<16xi32>
      %add3A_104 = arith.addi %mul3A_102, %add3A_103 : vector<16xi32>
      %swap3A_105 = arith.constant 64 : index
      %swap3A_106 = tpu.vector_load %arg12[%swap3A_105] {strides = array<i32>} : memref<128xi32, #tpu.memory_space<vmem>>, vector<16xi32>,
      %swap3A_107 = vector.shape_cast %swap3A_106 : vector<16xi32> to vector<16xi32>
      %swap3A_108 = vector.shape_cast %add3A_104 : vector<16xi32> to vector<16xi32>
      tpu.vector_store %arg12[%swap3A_105], %swap3A_108 {strides = array<i32>} : memref<128xi32, #tpu.memory_space<vmem>>, vector<16xi32>,
      %get3A_109 = arith.constant 80 : index
      %get3A_110 = tpu.vector_load %arg10[%get3A_109] {strides = array<i32>} : memref<128xi32, #tpu.memory_space<vmem>>, vector<16xi32>,
      %get3A_111 = vector.shape_cast %get3A_110 : vector<16xi32> to vector<16xi32>
      %mul3A_112 = arith.constant 4 : i32
      %mul3A_113 = vector.broadcast %mul3A_112 : i32 to vector<16xi32>
      %mul3A_114 = arith.muli %get3A_111, %mul3A_113 : vector<16xi32>
      %add3A_115 = vector.broadcast %add3A_15 : i32 to vector<16xi32>
      %add3A_116 = arith.addi %mul3A_114, %add3A_115 : vector<16xi32>
      %swap3A_117 = arith.constant 80 : index
      %swap3A_118 = tpu.vector_load %arg12[%swap3A_117] {strides = array<i32>} : memref<128xi32, #tpu.memory_space<vmem>>, vector<16xi32>,
      %swap3A_119 = vector.shape_cast %swap3A_118 : vector<16xi32> to vector<16xi32>
      %swap3A_120 = vector.shape_cast %add3A_116 : vector<16xi32> to vector<16xi32>
      tpu.vector_store %arg12[%swap3A_117], %swap3A_120 {strides = array<i32>} : memref<128xi32, #tpu.memory_space<vmem>>, vector<16xi32>,
      %get3A_121 = arith.constant 96 : index
      %get3A_122 = tpu.vector_load %arg10[%get3A_121] {strides = array<i32>} : memref<128xi32, #tpu.memory_space<vmem>>, vector<16xi32>,
      %get3A_123 = vector.shape_cast %get3A_122 : vector<16xi32> to vector<16xi32>
      %mul3A_124 = arith.constant 4 : i32
      %mul3A_125 = vector.broadcast %mul3A_124 : i32 to vector<16xi32>
      %mul3A_126 = arith.muli %get3A_123, %mul3A_125 : vector<16xi32>
      %add3A_127 = vector.broadcast %add3A_15 : i32 to vector<16xi32>
      %add3A_128 = arith.addi %mul3A_126, %add3A_127 : vector<16xi32>
      %swap3A_129 = arith.constant 96 : index
      %swap3A_130 = tpu.vector_load %arg12[%swap3A_129] {strides = array<i32>} : memref<128xi32, #tpu.memory_space<vmem>>, vector<16xi32>,
      %swap3A_131 = vector.shape_cast %swap3A_130 : vector<16xi32> to vector<16xi32>
      %swap3A_132 = vector.shape_cast %add3A_128 : vector<16xi32> to vector<16xi32>
      tpu.vector_store %arg12[%swap3A_129], %swap3A_132 {strides = array<i32>} : memref<128xi32, #tpu.memory_space<vmem>>, vector<16xi32>,
      %get3A_133 = arith.constant 112 : index
      %get3A_134 = tpu.vector_load %arg10[%get3A_133] {strides = array<i32>} : memref<128xi32, #tpu.memory_space<vmem>>, vector<16xi32>,
      %get3A_135 = vector.shape_cast %get3A_134 : vector<16xi32> to vector<16xi32>
      %mul3A_136 = arith.constant 4 : i32
      %mul3A_137 = vector.broadcast %mul3A_136 : i32 to vector<16xi32>
      %mul3A_138 = arith.muli %get3A_135, %mul3A_137 : vector<16xi32>
      %add3A_139 = vector.broadcast %add3A_15 : i32 to vector<16xi32>
      %add3A_140 = arith.addi %mul3A_138, %add3A_139 : vector<16xi32>
      %swap3A_141 = arith.constant 112 : index
      %swap3A_142 = tpu.vector_load %arg12[%swap3A_141] {strides = array<i32>} : memref<128xi32, #tpu.memory_space<vmem>>, vector<16xi32>,
      %swap3A_143 = vector.shape_cast %swap3A_142 : vector<16xi32> to vector<16xi32>
      %swap3A_144 = vector.shape_cast %add3A_140 : vector<16xi32> to vector<16xi32>
      tpu.vector_store %arg12[%swap3A_141], %swap3A_144 {strides = array<i32>} : memref<128xi32, #tpu.memory_space<vmem>>, vector<16xi32>,
      %dma_start3A = arith.constant 0 : i32
      %dma_start3A_145 = arith.constant 0 : i32
      %dma_start3A_146 = tpu.memref_slice %arg2[%dma_start3A, %dma_start3A_145] : memref<16384x128xf32, #tpu.memory_space<hbm>> -> memref<16384x128xf32, #tpu.memory_space<hbm>>
      tpu.enqueue_indirect_dma source(%dma_start3A_146 : memref<16384x128xf32, #tpu.memory_space<hbm>>) target(%arg8 : memref<128x128xf32, #tpu.memory_space<vmem>>) offsets(%arg12 : memref<128xi32, #tpu.memory_space<vmem>>) semaphore(%arg13 : memref<!tpu.dma_semaphore, #tpu.memory_space<semaphore_mem>>)
      %dma_wait3A = arith.constant 0 : i32
      %dma_wait3A_147 = arith.constant 0 : i32
      %dma_wait3A_148 = tpu.memref_slice %arg2[%dma_wait3A, %dma_wait3A_147] : memref<16384x128xf32, #tpu.memory_space<hbm>> -> memref<16384x128xf32, #tpu.memory_space<hbm>>
      tpu.wait_indirect_dma semaphore(%arg13 : memref<!tpu.dma_semaphore, #tpu.memory_space<semaphore_mem>>) src(%dma_wait3A_148 : memref<16384x128xf32, #tpu.memory_space<hbm>>) dst(%arg8 : memref<128x128xf32, #tpu.memory_space<vmem>>)
      "tpu.region"() ({
        %run_scoped3A = tpu.sem_alloc : memref<!tpu.dma_semaphore, #tpu.memory_space<semaphore_mem>>
        %dma_start3A_160 = arith.constant 0 : i32
        %dma_start3A_161 = arith.constant 0 : i32
        %dma_start3A_162 = tpu.memref_slice %arg7[%dma_start3A_160, %dma_start3A_161] : memref<1024x128xf32, #tpu.memory_space<vmem_shared>> -> memref<1024x128xf32, #tpu.memory_space<vmem_shared>>
        tpu.enqueue_indirect_dma source(%arg8 : memref<128x128xf32, #tpu.memory_space<vmem>>) target(%dma_start3A_162 : memref<1024x128xf32, #tpu.memory_space<vmem_shared>>) offsets(%arg11 : memref<128xi32, #tpu.memory_space<vmem>>) semaphore(%run_scoped3A : memref<!tpu.dma_semaphore, #tpu.memory_space<semaphore_mem>>) {add = true}
        %dma_wait3A_163 = arith.constant 0 : i32
        %dma_wait3A_164 = arith.constant 0 : i32
        %dma_wait3A_165 = tpu.memref_slice %arg7[%dma_wait3A_163, %dma_wait3A_164] : memref<1024x128xf32, #tpu.memory_space<vmem_shared>> -> memref<1024x128xf32, #tpu.memory_space<vmem_shared>>
        tpu.wait_indirect_dma semaphore(%run_scoped3A : memref<!tpu.dma_semaphore, #tpu.memory_space<semaphore_mem>>) src(%arg8 : memref<128x128xf32, #tpu.memory_space<vmem>>) dst(%dma_wait3A_165 : memref<1024x128xf32, #tpu.memory_space<vmem_shared>>)
        tpu.yield
      }) : () -> ()
      %jit3A = arith.constant 2 : i32
      %eq3A = arith.constant 0 : i32
      %eq3A_149 = arith.cmpi eq, %jit3A, %eq3A : i32
      %jit3A_150 = arith.constant 1 : i32
      %select_n3A = arith.select %eq3A_149, %jit3A_150, %jit3A : i32
      %rem3A = arith.remsi %scan3A_45, %select_n3A : i32
      %ne3A = arith.constant 0 : i32
      %ne3A_151 = arith.cmpi ne, %rem3A, %ne3A : i32
      %lt3A = arith.constant 0 : i32
      %lt3A_152 = arith.cmpi slt, %rem3A, %lt3A : i32
      %lt3A_153 = arith.constant 0 : i32
      %lt3A_154 = arith.cmpi slt, %select_n3A, %lt3A_153 : i32
      %ne3A_155 = arith.xori %lt3A_152, %lt3A_154 : i1
      %and3A = arith.andi %ne3A_155, %ne3A_151 : i1
      %add3A_156 = arith.addi %rem3A, %select_n3A : i32
      %select_n3A_157 = arith.select %and3A, %add3A_156, %rem3A : i32
      %eq3A_158 = arith.cmpi eq, %select_n3A_157, %arg0 : i32
      %convert_element_type3A = arith.extui %eq3A_158 : i1 to i32
      %cond3A = arith.constant 0 : i32
      %cond3A_159 = arith.cmpi ne, %convert_element_type3A, %cond3A : i32
      scf.if %cond3A_159 {
        %scan3A_160 = arith.constant 0 : i32
        %scan3A_161 = arith.constant 0 : i32
        %scan3A_162 = arith.constant 8 : i32
        %scan3A_163 = arith.addi %scan3A_161, %scan3A_162 : i32
        %scan3A_164 = arith.constant 1 : i32
        scf.for %scan3A_166 = %scan3A_161 to %scan3A_163 step %scan3A_164  : i32 {
          %mul3A_167 = arith.constant 16 : i32
          %mul3A_168 = arith.muli %scan3A_166, %mul3A_167 : i32
          %get3A_169 = arith.index_cast %mul3A_168 : i32 to index
          %get3A_170 = tpu.vector_load %arg11[%get3A_169] {strides = array<i32>} : memref<128xi32, #tpu.memory_space<vmem>>, vector<16xi32>,
          %get3A_171 = vector.shape_cast %get3A_170 : vector<16xi32> to vector<16xi32>
          %slice3A = vector.extract_strided_slice %get3A_171 {offsets = [0], sizes = [1], strides = [1]} : vector<16xi32> to vector<1xi32>
          %squeeze3A = vector.extract %slice3A[0] : i32 from vector<1xi32>
          %shift_right_arithmetic3A = arith.constant 4 : i32
          %shift_right_arithmetic3A_172 = arith.shrsi %squeeze3A, %shift_right_arithmetic3A : i32
          %and3A_173 = arith.constant 15 : i32
          %and3A_174 = arith.andi %squeeze3A, %and3A_173 : i32
          %eq3A_175 = vector.broadcast %and3A_174 : i32 to vector<16xi32>
          %eq3A_176 = arith.cmpi eq, %iota3A, %eq3A_175 : vector<16xi32>
          %jit3A_177 = arith.constant 1.000000e+00 : f32
          %jit3A_178 = arith.constant 0.000000e+00 : f32
          %broadcast_in_dim3A_179 = vector.broadcast %jit3A_177 : f32 to vector<16xf32>
          %broadcast_in_dim3A_180 = vector.broadcast %jit3A_178 : f32 to vector<16xf32>
          %select_n3A_181 = arith.select %eq3A_176, %broadcast_in_dim3A_179, %broadcast_in_dim3A_180 : vector<16xi1>, vector<16xf32>
          %get3A_182 = arith.index_cast %shift_right_arithmetic3A_172 : i32 to index
          %get3A_183 = arith.constant 0 : index
          %get3A_184 = tpu.vector_load %arg9[%get3A_182, %get3A_183] {strides = array<i32>} : memref<64x16xf32, #tpu.memory_space<vmem>>, vector<1x16xf32>,
          %get3A_185 = vector.shape_cast %get3A_184 : vector<1x16xf32> to vector<16xf32>
          %add3A_186 = arith.addf %get3A_185, %select_n3A_181 : vector<16xf32>
          %swap3A_187 = arith.index_cast %shift_right_arithmetic3A_172 : i32 to index
          %swap3A_188 = arith.constant 0 : index
          %swap3A_189 = tpu.vector_load %arg9[%swap3A_187, %swap3A_188] {strides = array<i32>} : memref<64x16xf32, #tpu.memory_space<vmem>>, vector<1x16xf32>,
          %swap3A_190 = vector.shape_cast %swap3A_189 : vector<1x16xf32> to vector<16xf32>
          %swap3A_191 = vector.shape_cast %add3A_186 : vector<16xf32> to vector<1x16xf32>
          tpu.vector_store %arg9[%swap3A_187, %swap3A_188], %swap3A_191 {strides = array<i32>} : memref<64x16xf32, #tpu.memory_space<vmem>>, vector<1x16xf32>,
          %slice3A_192 = vector.extract_strided_slice %get3A_171 {offsets = [1], sizes = [1], strides = [1]} : vector<16xi32> to vector<1xi32>
          %squeeze3A_193 = vector.extract %slice3A_192[0] : i32 from vector<1xi32>
          %shift_right_arithmetic3A_194 = arith.constant 4 : i32
          %shift_right_arithmetic3A_195 = arith.shrsi %squeeze3A_193, %shift_right_arithmetic3A_194 : i32
          %and3A_196 = arith.constant 15 : i32
          %and3A_197 = arith.andi %squeeze3A_193, %and3A_196 : i32
          %eq3A_198 = vector.broadcast %and3A_197 : i32 to vector<16xi32>
          %eq3A_199 = arith.cmpi eq, %iota3A, %eq3A_198 : vector<16xi32>
          %jit3A_200 = arith.constant 1.000000e+00 : f32
          %jit3A_201 = arith.constant 0.000000e+00 : f32
          %broadcast_in_dim3A_202 = vector.broadcast %jit3A_200 : f32 to vector<16xf32>
          %broadcast_in_dim3A_203 = vector.broadcast %jit3A_201 : f32 to vector<16xf32>
          %select_n3A_204 = arith.select %eq3A_199, %broadcast_in_dim3A_202, %broadcast_in_dim3A_203 : vector<16xi1>, vector<16xf32>
          %get3A_205 = arith.index_cast %shift_right_arithmetic3A_195 : i32 to index
          %get3A_206 = arith.constant 0 : index
          %get3A_207 = tpu.vector_load %arg9[%get3A_205, %get3A_206] {strides = array<i32>} : memref<64x16xf32, #tpu.memory_space<vmem>>, vector<1x16xf32>,
          %get3A_208 = vector.shape_cast %get3A_207 : vector<1x16xf32> to vector<16xf32>
          %add3A_209 = arith.addf %get3A_208, %select_n3A_204 : vector<16xf32>
          %swap3A_210 = arith.index_cast %shift_right_arithmetic3A_195 : i32 to index
          %swap3A_211 = arith.constant 0 : index
          %swap3A_212 = tpu.vector_load %arg9[%swap3A_210, %swap3A_211] {strides = array<i32>} : memref<64x16xf32, #tpu.memory_space<vmem>>, vector<1x16xf32>,
          %swap3A_213 = vector.shape_cast %swap3A_212 : vector<1x16xf32> to vector<16xf32>
          %swap3A_214 = vector.shape_cast %add3A_209 : vector<16xf32> to vector<1x16xf32>
          tpu.vector_store %arg9[%swap3A_210, %swap3A_211], %swap3A_214 {strides = array<i32>} : memref<64x16xf32, #tpu.memory_space<vmem>>, vector<1x16xf32>,
          %slice3A_215 = vector.extract_strided_slice %get3A_171 {offsets = [2], sizes = [1], strides = [1]} : vector<16xi32> to vector<1xi32>
          %squeeze3A_216 = vector.extract %slice3A_215[0] : i32 from vector<1xi32>
          %shift_right_arithmetic3A_217 = arith.constant 4 : i32
          %shift_right_arithmetic3A_218 = arith.shrsi %squeeze3A_216, %shift_right_arithmetic3A_217 : i32
          %and3A_219 = arith.constant 15 : i32
          %and3A_220 = arith.andi %squeeze3A_216, %and3A_219 : i32
          %eq3A_221 = vector.broadcast %and3A_220 : i32 to vector<16xi32>
          %eq3A_222 = arith.cmpi eq, %iota3A, %eq3A_221 : vector<16xi32>
          %jit3A_223 = arith.constant 1.000000e+00 : f32
          %jit3A_224 = arith.constant 0.000000e+00 : f32
          %broadcast_in_dim3A_225 = vector.broadcast %jit3A_223 : f32 to vector<16xf32>
          %broadcast_in_dim3A_226 = vector.broadcast %jit3A_224 : f32 to vector<16xf32>
          %select_n3A_227 = arith.select %eq3A_222, %broadcast_in_dim3A_225, %broadcast_in_dim3A_226 : vector<16xi1>, vector<16xf32>
          %get3A_228 = arith.index_cast %shift_right_arithmetic3A_218 : i32 to index
          %get3A_229 = arith.constant 0 : index
          %get3A_230 = tpu.vector_load %arg9[%get3A_228, %get3A_229] {strides = array<i32>} : memref<64x16xf32, #tpu.memory_space<vmem>>, vector<1x16xf32>,
          %get3A_231 = vector.shape_cast %get3A_230 : vector<1x16xf32> to vector<16xf32>
          %add3A_232 = arith.addf %get3A_231, %select_n3A_227 : vector<16xf32>
          %swap3A_233 = arith.index_cast %shift_right_arithmetic3A_218 : i32 to index
          %swap3A_234 = arith.constant 0 : index
          %swap3A_235 = tpu.vector_load %arg9[%swap3A_233, %swap3A_234] {strides = array<i32>} : memref<64x16xf32, #tpu.memory_space<vmem>>, vector<1x16xf32>,
          %swap3A_236 = vector.shape_cast %swap3A_235 : vector<1x16xf32> to vector<16xf32>
          %swap3A_237 = vector.shape_cast %add3A_232 : vector<16xf32> to vector<1x16xf32>
          tpu.vector_store %arg9[%swap3A_233, %swap3A_234], %swap3A_237 {strides = array<i32>} : memref<64x16xf32, #tpu.memory_space<vmem>>, vector<1x16xf32>,
          %slice3A_238 = vector.extract_strided_slice %get3A_171 {offsets = [3], sizes = [1], strides = [1]} : vector<16xi32> to vector<1xi32>
          %squeeze3A_239 = vector.extract %slice3A_238[0] : i32 from vector<1xi32>
          %shift_right_arithmetic3A_240 = arith.constant 4 : i32
          %shift_right_arithmetic3A_241 = arith.shrsi %squeeze3A_239, %shift_right_arithmetic3A_240 : i32
          %and3A_242 = arith.constant 15 : i32
          %and3A_243 = arith.andi %squeeze3A_239, %and3A_242 : i32
          %eq3A_244 = vector.broadcast %and3A_243 : i32 to vector<16xi32>
          %eq3A_245 = arith.cmpi eq, %iota3A, %eq3A_244 : vector<16xi32>
          %jit3A_246 = arith.constant 1.000000e+00 : f32
          %jit3A_247 = arith.constant 0.000000e+00 : f32
          %broadcast_in_dim3A_248 = vector.broadcast %jit3A_246 : f32 to vector<16xf32>
          %broadcast_in_dim3A_249 = vector.broadcast %jit3A_247 : f32 to vector<16xf32>
          %select_n3A_250 = arith.select %eq3A_245, %broadcast_in_dim3A_248, %broadcast_in_dim3A_249 : vector<16xi1>, vector<16xf32>
          %get3A_251 = arith.index_cast %shift_right_arithmetic3A_241 : i32 to index
          %get3A_252 = arith.constant 0 : index
          %get3A_253 = tpu.vector_load %arg9[%get3A_251, %get3A_252] {strides = array<i32>} : memref<64x16xf32, #tpu.memory_space<vmem>>, vector<1x16xf32>,
          %get3A_254 = vector.shape_cast %get3A_253 : vector<1x16xf32> to vector<16xf32>
          %add3A_255 = arith.addf %get3A_254, %select_n3A_250 : vector<16xf32>
          %swap3A_256 = arith.index_cast %shift_right_arithmetic3A_241 : i32 to index
          %swap3A_257 = arith.constant 0 : index
          %swap3A_258 = tpu.vector_load %arg9[%swap3A_256, %swap3A_257] {strides = array<i32>} : memref<64x16xf32, #tpu.memory_space<vmem>>, vector<1x16xf32>,
          %swap3A_259 = vector.shape_cast %swap3A_258 : vector<1x16xf32> to vector<16xf32>
          %swap3A_260 = vector.shape_cast %add3A_255 : vector<16xf32> to vector<1x16xf32>
          tpu.vector_store %arg9[%swap3A_256, %swap3A_257], %swap3A_260 {strides = array<i32>} : memref<64x16xf32, #tpu.memory_space<vmem>>, vector<1x16xf32>,
          %slice3A_261 = vector.extract_strided_slice %get3A_171 {offsets = [4], sizes = [1], strides = [1]} : vector<16xi32> to vector<1xi32>
          %squeeze3A_262 = vector.extract %slice3A_261[0] : i32 from vector<1xi32>
          %shift_right_arithmetic3A_263 = arith.constant 4 : i32
          %shift_right_arithmetic3A_264 = arith.shrsi %squeeze3A_262, %shift_right_arithmetic3A_263 : i32
          %and3A_265 = arith.constant 15 : i32
          %and3A_266 = arith.andi %squeeze3A_262, %and3A_265 : i32
          %eq3A_267 = vector.broadcast %and3A_266 : i32 to vector<16xi32>
          %eq3A_268 = arith.cmpi eq, %iota3A, %eq3A_267 : vector<16xi32>
          %jit3A_269 = arith.constant 1.000000e+00 : f32
          %jit3A_270 = arith.constant 0.000000e+00 : f32
          %broadcast_in_dim3A_271 = vector.broadcast %jit3A_269 : f32 to vector<16xf32>
          %broadcast_in_dim3A_272 = vector.broadcast %jit3A_270 : f32 to vector<16xf32>
          %select_n3A_273 = arith.select %eq3A_268, %broadcast_in_dim3A_271, %broadcast_in_dim3A_272 : vector<16xi1>, vector<16xf32>
          %get3A_274 = arith.index_cast %shift_right_arithmetic3A_264 : i32 to index
          %get3A_275 = arith.constant 0 : index
          %get3A_276 = tpu.vector_load %arg9[%get3A_274, %get3A_275] {strides = array<i32>} : memref<64x16xf32, #tpu.memory_space<vmem>>, vector<1x16xf32>,
          %get3A_277 = vector.shape_cast %get3A_276 : vector<1x16xf32> to vector<16xf32>
          %add3A_278 = arith.addf %get3A_277, %select_n3A_273 : vector<16xf32>
          %swap3A_279 = arith.index_cast %shift_right_arithmetic3A_264 : i32 to index
          %swap3A_280 = arith.constant 0 : index
          %swap3A_281 = tpu.vector_load %arg9[%swap3A_279, %swap3A_280] {strides = array<i32>} : memref<64x16xf32, #tpu.memory_space<vmem>>, vector<1x16xf32>,
          %swap3A_282 = vector.shape_cast %swap3A_281 : vector<1x16xf32> to vector<16xf32>
          %swap3A_283 = vector.shape_cast %add3A_278 : vector<16xf32> to vector<1x16xf32>
          tpu.vector_store %arg9[%swap3A_279, %swap3A_280], %swap3A_283 {strides = array<i32>} : memref<64x16xf32, #tpu.memory_space<vmem>>, vector<1x16xf32>,
          %slice3A_284 = vector.extract_strided_slice %get3A_171 {offsets = [5], sizes = [1], strides = [1]} : vector<16xi32> to vector<1xi32>
          %squeeze3A_285 = vector.extract %slice3A_284[0] : i32 from vector<1xi32>
          %shift_right_arithmetic3A_286 = arith.constant 4 : i32
          %shift_right_arithmetic3A_287 = arith.shrsi %squeeze3A_285, %shift_right_arithmetic3A_286 : i32
          %and3A_288 = arith.constant 15 : i32
          %and3A_289 = arith.andi %squeeze3A_285, %and3A_288 : i32
          %eq3A_290 = vector.broadcast %and3A_289 : i32 to vector<16xi32>
          %eq3A_291 = arith.cmpi eq, %iota3A, %eq3A_290 : vector<16xi32>
          %jit3A_292 = arith.constant 1.000000e+00 : f32
          %jit3A_293 = arith.constant 0.000000e+00 : f32
          %broadcast_in_dim3A_294 = vector.broadcast %jit3A_292 : f32 to vector<16xf32>
          %broadcast_in_dim3A_295 = vector.broadcast %jit3A_293 : f32 to vector<16xf32>
          %select_n3A_296 = arith.select %eq3A_291, %broadcast_in_dim3A_294, %broadcast_in_dim3A_295 : vector<16xi1>, vector<16xf32>
          %get3A_297 = arith.index_cast %shift_right_arithmetic3A_287 : i32 to index
          %get3A_298 = arith.constant 0 : index
          %get3A_299 = tpu.vector_load %arg9[%get3A_297, %get3A_298] {strides = array<i32>} : memref<64x16xf32, #tpu.memory_space<vmem>>, vector<1x16xf32>,
          %get3A_300 = vector.shape_cast %get3A_299 : vector<1x16xf32> to vector<16xf32>
          %add3A_301 = arith.addf %get3A_300, %select_n3A_296 : vector<16xf32>
          %swap3A_302 = arith.index_cast %shift_right_arithmetic3A_287 : i32 to index
          %swap3A_303 = arith.constant 0 : index
          %swap3A_304 = tpu.vector_load %arg9[%swap3A_302, %swap3A_303] {strides = array<i32>} : memref<64x16xf32, #tpu.memory_space<vmem>>, vector<1x16xf32>,
          %swap3A_305 = vector.shape_cast %swap3A_304 : vector<1x16xf32> to vector<16xf32>
          %swap3A_306 = vector.shape_cast %add3A_301 : vector<16xf32> to vector<1x16xf32>
          tpu.vector_store %arg9[%swap3A_302, %swap3A_303], %swap3A_306 {strides = array<i32>} : memref<64x16xf32, #tpu.memory_space<vmem>>, vector<1x16xf32>,
          %slice3A_307 = vector.extract_strided_slice %get3A_171 {offsets = [6], sizes = [1], strides = [1]} : vector<16xi32> to vector<1xi32>
          %squeeze3A_308 = vector.extract %slice3A_307[0] : i32 from vector<1xi32>
          %shift_right_arithmetic3A_309 = arith.constant 4 : i32
          %shift_right_arithmetic3A_310 = arith.shrsi %squeeze3A_308, %shift_right_arithmetic3A_309 : i32
          %and3A_311 = arith.constant 15 : i32
          %and3A_312 = arith.andi %squeeze3A_308, %and3A_311 : i32
          %eq3A_313 = vector.broadcast %and3A_312 : i32 to vector<16xi32>
          %eq3A_314 = arith.cmpi eq, %iota3A, %eq3A_313 : vector<16xi32>
          %jit3A_315 = arith.constant 1.000000e+00 : f32
          %jit3A_316 = arith.constant 0.000000e+00 : f32
          %broadcast_in_dim3A_317 = vector.broadcast %jit3A_315 : f32 to vector<16xf32>
          %broadcast_in_dim3A_318 = vector.broadcast %jit3A_316 : f32 to vector<16xf32>
          %select_n3A_319 = arith.select %eq3A_314, %broadcast_in_dim3A_317, %broadcast_in_dim3A_318 : vector<16xi1>, vector<16xf32>
          %get3A_320 = arith.index_cast %shift_right_arithmetic3A_310 : i32 to index
          %get3A_321 = arith.constant 0 : index
          %get3A_322 = tpu.vector_load %arg9[%get3A_320, %get3A_321] {strides = array<i32>} : memref<64x16xf32, #tpu.memory_space<vmem>>, vector<1x16xf32>,
          %get3A_323 = vector.shape_cast %get3A_322 : vector<1x16xf32> to vector<16xf32>
          %add3A_324 = arith.addf %get3A_323, %select_n3A_319 : vector<16xf32>
          %swap3A_325 = arith.index_cast %shift_right_arithmetic3A_310 : i32 to index
          %swap3A_326 = arith.constant 0 : index
          %swap3A_327 = tpu.vector_load %arg9[%swap3A_325, %swap3A_326] {strides = array<i32>} : memref<64x16xf32, #tpu.memory_space<vmem>>, vector<1x16xf32>,
          %swap3A_328 = vector.shape_cast %swap3A_327 : vector<1x16xf32> to vector<16xf32>
          %swap3A_329 = vector.shape_cast %add3A_324 : vector<16xf32> to vector<1x16xf32>
          tpu.vector_store %arg9[%swap3A_325, %swap3A_326], %swap3A_329 {strides = array<i32>} : memref<64x16xf32, #tpu.memory_space<vmem>>, vector<1x16xf32>,
          %slice3A_330 = vector.extract_strided_slice %get3A_171 {offsets = [7], sizes = [1], strides = [1]} : vector<16xi32> to vector<1xi32>
          %squeeze3A_331 = vector.extract %slice3A_330[0] : i32 from vector<1xi32>
          %shift_right_arithmetic3A_332 = arith.constant 4 : i32
          %shift_right_arithmetic3A_333 = arith.shrsi %squeeze3A_331, %shift_right_arithmetic3A_332 : i32
          %and3A_334 = arith.constant 15 : i32
          %and3A_335 = arith.andi %squeeze3A_331, %and3A_334 : i32
          %eq3A_336 = vector.broadcast %and3A_335 : i32 to vector<16xi32>
          %eq3A_337 = arith.cmpi eq, %iota3A, %eq3A_336 : vector<16xi32>
          %jit3A_338 = arith.constant 1.000000e+00 : f32
          %jit3A_339 = arith.constant 0.000000e+00 : f32
          %broadcast_in_dim3A_340 = vector.broadcast %jit3A_338 : f32 to vector<16xf32>
          %broadcast_in_dim3A_341 = vector.broadcast %jit3A_339 : f32 to vector<16xf32>
          %select_n3A_342 = arith.select %eq3A_337, %broadcast_in_dim3A_340, %broadcast_in_dim3A_341 : vector<16xi1>, vector<16xf32>
          %get3A_343 = arith.index_cast %shift_right_arithmetic3A_333 : i32 to index
          %get3A_344 = arith.constant 0 : index
          %get3A_345 = tpu.vector_load %arg9[%get3A_343, %get3A_344] {strides = array<i32>} : memref<64x16xf32, #tpu.memory_space<vmem>>, vector<1x16xf32>,
          %get3A_346 = vector.shape_cast %get3A_345 : vector<1x16xf32> to vector<16xf32>
          %add3A_347 = arith.addf %get3A_346, %select_n3A_342 : vector<16xf32>
          %swap3A_348 = arith.index_cast %shift_right_arithmetic3A_333 : i32 to index
          %swap3A_349 = arith.constant 0 : index
          %swap3A_350 = tpu.vector_load %arg9[%swap3A_348, %swap3A_349] {strides = array<i32>} : memref<64x16xf32, #tpu.memory_space<vmem>>, vector<1x16xf32>,
          %swap3A_351 = vector.shape_cast %swap3A_350 : vector<1x16xf32> to vector<16xf32>
          %swap3A_352 = vector.shape_cast %add3A_347 : vector<16xf32> to vector<1x16xf32>
          tpu.vector_store %arg9[%swap3A_348, %swap3A_349], %swap3A_352 {strides = array<i32>} : memref<64x16xf32, #tpu.memory_space<vmem>>, vector<1x16xf32>,
          %slice3A_353 = vector.extract_strided_slice %get3A_171 {offsets = [8], sizes = [1], strides = [1]} : vector<16xi32> to vector<1xi32>
          %squeeze3A_354 = vector.extract %slice3A_353[0] : i32 from vector<1xi32>
          %shift_right_arithmetic3A_355 = arith.constant 4 : i32
          %shift_right_arithmetic3A_356 = arith.shrsi %squeeze3A_354, %shift_right_arithmetic3A_355 : i32
          %and3A_357 = arith.constant 15 : i32
          %and3A_358 = arith.andi %squeeze3A_354, %and3A_357 : i32
          %eq3A_359 = vector.broadcast %and3A_358 : i32 to vector<16xi32>
          %eq3A_360 = arith.cmpi eq, %iota3A, %eq3A_359 : vector<16xi32>
          %jit3A_361 = arith.constant 1.000000e+00 : f32
          %jit3A_362 = arith.constant 0.000000e+00 : f32
          %broadcast_in_dim3A_363 = vector.broadcast %jit3A_361 : f32 to vector<16xf32>
          %broadcast_in_dim3A_364 = vector.broadcast %jit3A_362 : f32 to vector<16xf32>
          %select_n3A_365 = arith.select %eq3A_360, %broadcast_in_dim3A_363, %broadcast_in_dim3A_364 : vector<16xi1>, vector<16xf32>
          %get3A_366 = arith.index_cast %shift_right_arithmetic3A_356 : i32 to index
          %get3A_367 = arith.constant 0 : index
          %get3A_368 = tpu.vector_load %arg9[%get3A_366, %get3A_367] {strides = array<i32>} : memref<64x16xf32, #tpu.memory_space<vmem>>, vector<1x16xf32>,
          %get3A_369 = vector.shape_cast %get3A_368 : vector<1x16xf32> to vector<16xf32>
          %add3A_370 = arith.addf %get3A_369, %select_n3A_365 : vector<16xf32>
          %swap3A_371 = arith.index_cast %shift_right_arithmetic3A_356 : i32 to index
          %swap3A_372 = arith.constant 0 : index
          %swap3A_373 = tpu.vector_load %arg9[%swap3A_371, %swap3A_372] {strides = array<i32>} : memref<64x16xf32, #tpu.memory_space<vmem>>, vector<1x16xf32>,
          %swap3A_374 = vector.shape_cast %swap3A_373 : vector<1x16xf32> to vector<16xf32>
          %swap3A_375 = vector.shape_cast %add3A_370 : vector<16xf32> to vector<1x16xf32>
          tpu.vector_store %arg9[%swap3A_371, %swap3A_372], %swap3A_375 {strides = array<i32>} : memref<64x16xf32, #tpu.memory_space<vmem>>, vector<1x16xf32>,
          %slice3A_376 = vector.extract_strided_slice %get3A_171 {offsets = [9], sizes = [1], strides = [1]} : vector<16xi32> to vector<1xi32>
          %squeeze3A_377 = vector.extract %slice3A_376[0] : i32 from vector<1xi32>
          %shift_right_arithmetic3A_378 = arith.constant 4 : i32
          %shift_right_arithmetic3A_379 = arith.shrsi %squeeze3A_377, %shift_right_arithmetic3A_378 : i32
          %and3A_380 = arith.constant 15 : i32
          %and3A_381 = arith.andi %squeeze3A_377, %and3A_380 : i32
          %eq3A_382 = vector.broadcast %and3A_381 : i32 to vector<16xi32>
          %eq3A_383 = arith.cmpi eq, %iota3A, %eq3A_382 : vector<16xi32>
          %jit3A_384 = arith.constant 1.000000e+00 : f32
          %jit3A_385 = arith.constant 0.000000e+00 : f32
          %broadcast_in_dim3A_386 = vector.broadcast %jit3A_384 : f32 to vector<16xf32>
          %broadcast_in_dim3A_387 = vector.broadcast %jit3A_385 : f32 to vector<16xf32>
          %select_n3A_388 = arith.select %eq3A_383, %broadcast_in_dim3A_386, %broadcast_in_dim3A_387 : vector<16xi1>, vector<16xf32>
          %get3A_389 = arith.index_cast %shift_right_arithmetic3A_379 : i32 to index
          %get3A_390 = arith.constant 0 : index
          %get3A_391 = tpu.vector_load %arg9[%get3A_389, %get3A_390] {strides = array<i32>} : memref<64x16xf32, #tpu.memory_space<vmem>>, vector<1x16xf32>,
          %get3A_392 = vector.shape_cast %get3A_391 : vector<1x16xf32> to vector<16xf32>
          %add3A_393 = arith.addf %get3A_392, %select_n3A_388 : vector<16xf32>
          %swap3A_394 = arith.index_cast %shift_right_arithmetic3A_379 : i32 to index
          %swap3A_395 = arith.constant 0 : index
          %swap3A_396 = tpu.vector_load %arg9[%swap3A_394, %swap3A_395] {strides = array<i32>} : memref<64x16xf32, #tpu.memory_space<vmem>>, vector<1x16xf32>,
          %swap3A_397 = vector.shape_cast %swap3A_396 : vector<1x16xf32> to vector<16xf32>
          %swap3A_398 = vector.shape_cast %add3A_393 : vector<16xf32> to vector<1x16xf32>
          tpu.vector_store %arg9[%swap3A_394, %swap3A_395], %swap3A_398 {strides = array<i32>} : memref<64x16xf32, #tpu.memory_space<vmem>>, vector<1x16xf32>,
          %slice3A_399 = vector.extract_strided_slice %get3A_171 {offsets = [10], sizes = [1], strides = [1]} : vector<16xi32> to vector<1xi32>
          %squeeze3A_400 = vector.extract %slice3A_399[0] : i32 from vector<1xi32>
          %shift_right_arithmetic3A_401 = arith.constant 4 : i32
          %shift_right_arithmetic3A_402 = arith.shrsi %squeeze3A_400, %shift_right_arithmetic3A_401 : i32
          %and3A_403 = arith.constant 15 : i32
          %and3A_404 = arith.andi %squeeze3A_400, %and3A_403 : i32
          %eq3A_405 = vector.broadcast %and3A_404 : i32 to vector<16xi32>
          %eq3A_406 = arith.cmpi eq, %iota3A, %eq3A_405 : vector<16xi32>
          %jit3A_407 = arith.constant 1.000000e+00 : f32
          %jit3A_408 = arith.constant 0.000000e+00 : f32
          %broadcast_in_dim3A_409 = vector.broadcast %jit3A_407 : f32 to vector<16xf32>
          %broadcast_in_dim3A_410 = vector.broadcast %jit3A_408 : f32 to vector<16xf32>
          %select_n3A_411 = arith.select %eq3A_406, %broadcast_in_dim3A_409, %broadcast_in_dim3A_410 : vector<16xi1>, vector<16xf32>
          %get3A_412 = arith.index_cast %shift_right_arithmetic3A_402 : i32 to index
          %get3A_413 = arith.constant 0 : index
          %get3A_414 = tpu.vector_load %arg9[%get3A_412, %get3A_413] {strides = array<i32>} : memref<64x16xf32, #tpu.memory_space<vmem>>, vector<1x16xf32>,
          %get3A_415 = vector.shape_cast %get3A_414 : vector<1x16xf32> to vector<16xf32>
          %add3A_416 = arith.addf %get3A_415, %select_n3A_411 : vector<16xf32>
          %swap3A_417 = arith.index_cast %shift_right_arithmetic3A_402 : i32 to index
          %swap3A_418 = arith.constant 0 : index
          %swap3A_419 = tpu.vector_load %arg9[%swap3A_417, %swap3A_418] {strides = array<i32>} : memref<64x16xf32, #tpu.memory_space<vmem>>, vector<1x16xf32>,
          %swap3A_420 = vector.shape_cast %swap3A_419 : vector<1x16xf32> to vector<16xf32>
          %swap3A_421 = vector.shape_cast %add3A_416 : vector<16xf32> to vector<1x16xf32>
          tpu.vector_store %arg9[%swap3A_417, %swap3A_418], %swap3A_421 {strides = array<i32>} : memref<64x16xf32, #tpu.memory_space<vmem>>, vector<1x16xf32>,
          %slice3A_422 = vector.extract_strided_slice %get3A_171 {offsets = [11], sizes = [1], strides = [1]} : vector<16xi32> to vector<1xi32>
          %squeeze3A_423 = vector.extract %slice3A_422[0] : i32 from vector<1xi32>
          %shift_right_arithmetic3A_424 = arith.constant 4 : i32
          %shift_right_arithmetic3A_425 = arith.shrsi %squeeze3A_423, %shift_right_arithmetic3A_424 : i32
          %and3A_426 = arith.constant 15 : i32
          %and3A_427 = arith.andi %squeeze3A_423, %and3A_426 : i32
          %eq3A_428 = vector.broadcast %and3A_427 : i32 to vector<16xi32>
          %eq3A_429 = arith.cmpi eq, %iota3A, %eq3A_428 : vector<16xi32>
          %jit3A_430 = arith.constant 1.000000e+00 : f32
          %jit3A_431 = arith.constant 0.000000e+00 : f32
          %broadcast_in_dim3A_432 = vector.broadcast %jit3A_430 : f32 to vector<16xf32>
          %broadcast_in_dim3A_433 = vector.broadcast %jit3A_431 : f32 to vector<16xf32>
          %select_n3A_434 = arith.select %eq3A_429, %broadcast_in_dim3A_432, %broadcast_in_dim3A_433 : vector<16xi1>, vector<16xf32>
          %get3A_435 = arith.index_cast %shift_right_arithmetic3A_425 : i32 to index
          %get3A_436 = arith.constant 0 : index
          %get3A_437 = tpu.vector_load %arg9[%get3A_435, %get3A_436] {strides = array<i32>} : memref<64x16xf32, #tpu.memory_space<vmem>>, vector<1x16xf32>,
          %get3A_438 = vector.shape_cast %get3A_437 : vector<1x16xf32> to vector<16xf32>
          %add3A_439 = arith.addf %get3A_438, %select_n3A_434 : vector<16xf32>
          %swap3A_440 = arith.index_cast %shift_right_arithmetic3A_425 : i32 to index
          %swap3A_441 = arith.constant 0 : index
          %swap3A_442 = tpu.vector_load %arg9[%swap3A_440, %swap3A_441] {strides = array<i32>} : memref<64x16xf32, #tpu.memory_space<vmem>>, vector<1x16xf32>,
          %swap3A_443 = vector.shape_cast %swap3A_442 : vector<1x16xf32> to vector<16xf32>
          %swap3A_444 = vector.shape_cast %add3A_439 : vector<16xf32> to vector<1x16xf32>
          tpu.vector_store %arg9[%swap3A_440, %swap3A_441], %swap3A_444 {strides = array<i32>} : memref<64x16xf32, #tpu.memory_space<vmem>>, vector<1x16xf32>,
          %slice3A_445 = vector.extract_strided_slice %get3A_171 {offsets = [12], sizes = [1], strides = [1]} : vector<16xi32> to vector<1xi32>
          %squeeze3A_446 = vector.extract %slice3A_445[0] : i32 from vector<1xi32>
          %shift_right_arithmetic3A_447 = arith.constant 4 : i32
          %shift_right_arithmetic3A_448 = arith.shrsi %squeeze3A_446, %shift_right_arithmetic3A_447 : i32
          %and3A_449 = arith.constant 15 : i32
          %and3A_450 = arith.andi %squeeze3A_446, %and3A_449 : i32
          %eq3A_451 = vector.broadcast %and3A_450 : i32 to vector<16xi32>
          %eq3A_452 = arith.cmpi eq, %iota3A, %eq3A_451 : vector<16xi32>
          %jit3A_453 = arith.constant 1.000000e+00 : f32
          %jit3A_454 = arith.constant 0.000000e+00 : f32
          %broadcast_in_dim3A_455 = vector.broadcast %jit3A_453 : f32 to vector<16xf32>
          %broadcast_in_dim3A_456 = vector.broadcast %jit3A_454 : f32 to vector<16xf32>
          %select_n3A_457 = arith.select %eq3A_452, %broadcast_in_dim3A_455, %broadcast_in_dim3A_456 : vector<16xi1>, vector<16xf32>
          %get3A_458 = arith.index_cast %shift_right_arithmetic3A_448 : i32 to index
          %get3A_459 = arith.constant 0 : index
          %get3A_460 = tpu.vector_load %arg9[%get3A_458, %get3A_459] {strides = array<i32>} : memref<64x16xf32, #tpu.memory_space<vmem>>, vector<1x16xf32>,
          %get3A_461 = vector.shape_cast %get3A_460 : vector<1x16xf32> to vector<16xf32>
          %add3A_462 = arith.addf %get3A_461, %select_n3A_457 : vector<16xf32>
          %swap3A_463 = arith.index_cast %shift_right_arithmetic3A_448 : i32 to index
          %swap3A_464 = arith.constant 0 : index
          %swap3A_465 = tpu.vector_load %arg9[%swap3A_463, %swap3A_464] {strides = array<i32>} : memref<64x16xf32, #tpu.memory_space<vmem>>, vector<1x16xf32>,
          %swap3A_466 = vector.shape_cast %swap3A_465 : vector<1x16xf32> to vector<16xf32>
          %swap3A_467 = vector.shape_cast %add3A_462 : vector<16xf32> to vector<1x16xf32>
          tpu.vector_store %arg9[%swap3A_463, %swap3A_464], %swap3A_467 {strides = array<i32>} : memref<64x16xf32, #tpu.memory_space<vmem>>, vector<1x16xf32>,
          %slice3A_468 = vector.extract_strided_slice %get3A_171 {offsets = [13], sizes = [1], strides = [1]} : vector<16xi32> to vector<1xi32>
          %squeeze3A_469 = vector.extract %slice3A_468[0] : i32 from vector<1xi32>
          %shift_right_arithmetic3A_470 = arith.constant 4 : i32
          %shift_right_arithmetic3A_471 = arith.shrsi %squeeze3A_469, %shift_right_arithmetic3A_470 : i32
          %and3A_472 = arith.constant 15 : i32
          %and3A_473 = arith.andi %squeeze3A_469, %and3A_472 : i32
          %eq3A_474 = vector.broadcast %and3A_473 : i32 to vector<16xi32>
          %eq3A_475 = arith.cmpi eq, %iota3A, %eq3A_474 : vector<16xi32>
          %jit3A_476 = arith.constant 1.000000e+00 : f32
          %jit3A_477 = arith.constant 0.000000e+00 : f32
          %broadcast_in_dim3A_478 = vector.broadcast %jit3A_476 : f32 to vector<16xf32>
          %broadcast_in_dim3A_479 = vector.broadcast %jit3A_477 : f32 to vector<16xf32>
          %select_n3A_480 = arith.select %eq3A_475, %broadcast_in_dim3A_478, %broadcast_in_dim3A_479 : vector<16xi1>, vector<16xf32>
          %get3A_481 = arith.index_cast %shift_right_arithmetic3A_471 : i32 to index
          %get3A_482 = arith.constant 0 : index
          %get3A_483 = tpu.vector_load %arg9[%get3A_481, %get3A_482] {strides = array<i32>} : memref<64x16xf32, #tpu.memory_space<vmem>>, vector<1x16xf32>,
          %get3A_484 = vector.shape_cast %get3A_483 : vector<1x16xf32> to vector<16xf32>
          %add3A_485 = arith.addf %get3A_484, %select_n3A_480 : vector<16xf32>
          %swap3A_486 = arith.index_cast %shift_right_arithmetic3A_471 : i32 to index
          %swap3A_487 = arith.constant 0 : index
          %swap3A_488 = tpu.vector_load %arg9[%swap3A_486, %swap3A_487] {strides = array<i32>} : memref<64x16xf32, #tpu.memory_space<vmem>>, vector<1x16xf32>,
          %swap3A_489 = vector.shape_cast %swap3A_488 : vector<1x16xf32> to vector<16xf32>
          %swap3A_490 = vector.shape_cast %add3A_485 : vector<16xf32> to vector<1x16xf32>
          tpu.vector_store %arg9[%swap3A_486, %swap3A_487], %swap3A_490 {strides = array<i32>} : memref<64x16xf32, #tpu.memory_space<vmem>>, vector<1x16xf32>,
          %slice3A_491 = vector.extract_strided_slice %get3A_171 {offsets = [14], sizes = [1], strides = [1]} : vector<16xi32> to vector<1xi32>
          %squeeze3A_492 = vector.extract %slice3A_491[0] : i32 from vector<1xi32>
          %shift_right_arithmetic3A_493 = arith.constant 4 : i32
          %shift_right_arithmetic3A_494 = arith.shrsi %squeeze3A_492, %shift_right_arithmetic3A_493 : i32
          %and3A_495 = arith.constant 15 : i32
          %and3A_496 = arith.andi %squeeze3A_492, %and3A_495 : i32
          %eq3A_497 = vector.broadcast %and3A_496 : i32 to vector<16xi32>
          %eq3A_498 = arith.cmpi eq, %iota3A, %eq3A_497 : vector<16xi32>
          %jit3A_499 = arith.constant 1.000000e+00 : f32
          %jit3A_500 = arith.constant 0.000000e+00 : f32
          %broadcast_in_dim3A_501 = vector.broadcast %jit3A_499 : f32 to vector<16xf32>
          %broadcast_in_dim3A_502 = vector.broadcast %jit3A_500 : f32 to vector<16xf32>
          %select_n3A_503 = arith.select %eq3A_498, %broadcast_in_dim3A_501, %broadcast_in_dim3A_502 : vector<16xi1>, vector<16xf32>
          %get3A_504 = arith.index_cast %shift_right_arithmetic3A_494 : i32 to index
          %get3A_505 = arith.constant 0 : index
          %get3A_506 = tpu.vector_load %arg9[%get3A_504, %get3A_505] {strides = array<i32>} : memref<64x16xf32, #tpu.memory_space<vmem>>, vector<1x16xf32>,
          %get3A_507 = vector.shape_cast %get3A_506 : vector<1x16xf32> to vector<16xf32>
          %add3A_508 = arith.addf %get3A_507, %select_n3A_503 : vector<16xf32>
          %swap3A_509 = arith.index_cast %shift_right_arithmetic3A_494 : i32 to index
          %swap3A_510 = arith.constant 0 : index
          %swap3A_511 = tpu.vector_load %arg9[%swap3A_509, %swap3A_510] {strides = array<i32>} : memref<64x16xf32, #tpu.memory_space<vmem>>, vector<1x16xf32>,
          %swap3A_512 = vector.shape_cast %swap3A_511 : vector<1x16xf32> to vector<16xf32>
          %swap3A_513 = vector.shape_cast %add3A_508 : vector<16xf32> to vector<1x16xf32>
          tpu.vector_store %arg9[%swap3A_509, %swap3A_510], %swap3A_513 {strides = array<i32>} : memref<64x16xf32, #tpu.memory_space<vmem>>, vector<1x16xf32>,
          %slice3A_514 = vector.extract_strided_slice %get3A_171 {offsets = [15], sizes = [1], strides = [1]} : vector<16xi32> to vector<1xi32>
          %squeeze3A_515 = vector.extract %slice3A_514[0] : i32 from vector<1xi32>
          %shift_right_arithmetic3A_516 = arith.constant 4 : i32
          %shift_right_arithmetic3A_517 = arith.shrsi %squeeze3A_515, %shift_right_arithmetic3A_516 : i32
          %and3A_518 = arith.constant 15 : i32
          %and3A_519 = arith.andi %squeeze3A_515, %and3A_518 : i32
          %eq3A_520 = vector.broadcast %and3A_519 : i32 to vector<16xi32>
          %eq3A_521 = arith.cmpi eq, %iota3A, %eq3A_520 : vector<16xi32>
          %jit3A_522 = arith.constant 1.000000e+00 : f32
          %jit3A_523 = arith.constant 0.000000e+00 : f32
          %broadcast_in_dim3A_524 = vector.broadcast %jit3A_522 : f32 to vector<16xf32>
          %broadcast_in_dim3A_525 = vector.broadcast %jit3A_523 : f32 to vector<16xf32>
          %select_n3A_526 = arith.select %eq3A_521, %broadcast_in_dim3A_524, %broadcast_in_dim3A_525 : vector<16xi1>, vector<16xf32>
          %get3A_527 = arith.index_cast %shift_right_arithmetic3A_517 : i32 to index
          %get3A_528 = arith.constant 0 : index
          %get3A_529 = tpu.vector_load %arg9[%get3A_527, %get3A_528] {strides = array<i32>} : memref<64x16xf32, #tpu.memory_space<vmem>>, vector<1x16xf32>,
          %get3A_530 = vector.shape_cast %get3A_529 : vector<1x16xf32> to vector<16xf32>
          %add3A_531 = arith.addf %get3A_530, %select_n3A_526 : vector<16xf32>
          %swap3A_532 = arith.index_cast %shift_right_arithmetic3A_517 : i32 to index
          %swap3A_533 = arith.constant 0 : index
          %swap3A_534 = tpu.vector_load %arg9[%swap3A_532, %swap3A_533] {strides = array<i32>} : memref<64x16xf32, #tpu.memory_space<vmem>>, vector<1x16xf32>,
          %swap3A_535 = vector.shape_cast %swap3A_534 : vector<1x16xf32> to vector<16xf32>
          %swap3A_536 = vector.shape_cast %add3A_531 : vector<16xf32> to vector<1x16xf32>
          tpu.vector_store %arg9[%swap3A_532, %swap3A_533], %swap3A_536 {strides = array<i32>} : memref<64x16xf32, #tpu.memory_space<vmem>>, vector<1x16xf32>,
        }
        %scan3A_165 = arith.constant 8 : i32
      } else {
      }
    }
    %scan3A_23 = arith.constant 8 : i32
    %barrier3A_24 = arith.constant 0 : index
    tpu.barrier barrier_id(%barrier3A_24)
    "tpu.region"() ({
      %run_scoped3A = tpu.sem_alloc : memref<!tpu.dma_semaphore, #tpu.memory_space<semaphore_mem>>
      %dma_start3A = arith.constant 0 : i32
      %dma_start3A_45 = tpu.memref_slice %arg5[%add3A_15, %mul3A_12, %dma_start3A] : memref<4x1024x128xf32, #tpu.memory_space<hbm>> -> memref<1x64x128xf32, #tpu.memory_space<hbm>>
      %dma_start3A_46 = tpu.memref_squeeze %dma_start3A_45 : memref<1x64x128xf32, #tpu.memory_space<hbm>> -> memref<64x128xf32, #tpu.memory_space<hbm>>
      %dma_start3A_47 = arith.constant 0 : i32
      %dma_start3A_48 = tpu.memref_slice %arg7[%mul3A_12, %dma_start3A_47] : memref<1024x128xf32, #tpu.memory_space<vmem_shared>> -> memref<64x128xf32, #tpu.memory_space<vmem_shared>>
      tpu.enqueue_dma source(%dma_start3A_48 : memref<64x128xf32, #tpu.memory_space<vmem_shared>>) target(%dma_start3A_46 : memref<64x128xf32, #tpu.memory_space<hbm>>) target_semaphore(%run_scoped3A : memref<!tpu.dma_semaphore, #tpu.memory_space<semaphore_mem>>)
      %dma_wait3A = arith.constant 0 : i32
      %dma_wait3A_49 = tpu.memref_slice %arg5[%add3A_15, %mul3A_12, %dma_wait3A] : memref<4x1024x128xf32, #tpu.memory_space<hbm>> -> memref<1x64x128xf32, #tpu.memory_space<hbm>>
      %dma_wait3A_50 = tpu.memref_squeeze %dma_wait3A_49 : memref<1x64x128xf32, #tpu.memory_space<hbm>> -> memref<64x128xf32, #tpu.memory_space<hbm>>
      %dma_wait3A_51 = arith.constant 0 : i32
      %dma_wait3A_52 = tpu.memref_slice %arg7[%mul3A_12, %dma_wait3A_51] : memref<1024x128xf32, #tpu.memory_space<vmem_shared>> -> memref<64x128xf32, #tpu.memory_space<vmem_shared>>
      tpu.wait_dma2 semaphore(%run_scoped3A : memref<!tpu.dma_semaphore, #tpu.memory_space<semaphore_mem>>) src(%dma_wait3A_52 : memref<64x128xf32, #tpu.memory_space<vmem_shared>>) dst(%dma_wait3A_50 : memref<64x128xf32, #tpu.memory_space<hbm>>)
      tpu.yield
    }) : () -> ()
    %scan3A_25 = arith.constant 0 : i32
    %scan3A_26 = arith.constant 0 : i32
    %scan3A_27 = arith.constant 128 : i32
    %scan3A_28 = arith.addi %scan3A_26, %scan3A_27 : i32
    %scan3A_29 = arith.constant 1 : i32
    scf.for %scan3A_45 = %scan3A_26 to %scan3A_28 step %scan3A_29  : i32 {
      %swap3A = arith.index_cast %scan3A_45 : i32 to index
      %swap3A_46 = arith.constant 0 : index
      %swap3A_47 = tpu.vector_load %arg8[%swap3A, %swap3A_46] {strides = array<i32>} : memref<128x128xf32, #tpu.memory_space<vmem>>, vector<1x16xf32>,
      %swap3A_48 = vector.shape_cast %swap3A_47 : vector<1x16xf32> to vector<16xf32>
      %swap3A_49 = vector.shape_cast %broadcast_in_dim3A_0 : vector<16xf32> to vector<1x16xf32>
      tpu.vector_store %arg8[%swap3A, %swap3A_46], %swap3A_49 {strides = array<i32>} : memref<128x128xf32, #tpu.memory_space<vmem>>, vector<1x16xf32>,
      %swap3A_50 = arith.index_cast %scan3A_45 : i32 to index
      %swap3A_51 = arith.constant 16 : index
      %swap3A_52 = tpu.vector_load %arg8[%swap3A_50, %swap3A_51] {strides = array<i32>} : memref<128x128xf32, #tpu.memory_space<vmem>>, vector<1x16xf32>,
      %swap3A_53 = vector.shape_cast %swap3A_52 : vector<1x16xf32> to vector<16xf32>
      %swap3A_54 = vector.shape_cast %broadcast_in_dim3A_0 : vector<16xf32> to vector<1x16xf32>
      tpu.vector_store %arg8[%swap3A_50, %swap3A_51], %swap3A_54 {strides = array<i32>} : memref<128x128xf32, #tpu.memory_space<vmem>>, vector<1x16xf32>,
      %swap3A_55 = arith.index_cast %scan3A_45 : i32 to index
      %swap3A_56 = arith.constant 32 : index
      %swap3A_57 = tpu.vector_load %arg8[%swap3A_55, %swap3A_56] {strides = array<i32>} : memref<128x128xf32, #tpu.memory_space<vmem>>, vector<1x16xf32>,
      %swap3A_58 = vector.shape_cast %swap3A_57 : vector<1x16xf32> to vector<16xf32>
      %swap3A_59 = vector.shape_cast %broadcast_in_dim3A_0 : vector<16xf32> to vector<1x16xf32>
      tpu.vector_store %arg8[%swap3A_55, %swap3A_56], %swap3A_59 {strides = array<i32>} : memref<128x128xf32, #tpu.memory_space<vmem>>, vector<1x16xf32>,
      %swap3A_60 = arith.index_cast %scan3A_45 : i32 to index
      %swap3A_61 = arith.constant 48 : index
      %swap3A_62 = tpu.vector_load %arg8[%swap3A_60, %swap3A_61] {strides = array<i32>} : memref<128x128xf32, #tpu.memory_space<vmem>>, vector<1x16xf32>,
      %swap3A_63 = vector.shape_cast %swap3A_62 : vector<1x16xf32> to vector<16xf32>
      %swap3A_64 = vector.shape_cast %broadcast_in_dim3A_0 : vector<16xf32> to vector<1x16xf32>
      tpu.vector_store %arg8[%swap3A_60, %swap3A_61], %swap3A_64 {strides = array<i32>} : memref<128x128xf32, #tpu.memory_space<vmem>>, vector<1x16xf32>,
      %swap3A_65 = arith.index_cast %scan3A_45 : i32 to index
      %swap3A_66 = arith.constant 64 : index
      %swap3A_67 = tpu.vector_load %arg8[%swap3A_65, %swap3A_66] {strides = array<i32>} : memref<128x128xf32, #tpu.memory_space<vmem>>, vector<1x16xf32>,
      %swap3A_68 = vector.shape_cast %swap3A_67 : vector<1x16xf32> to vector<16xf32>
      %swap3A_69 = vector.shape_cast %broadcast_in_dim3A_0 : vector<16xf32> to vector<1x16xf32>
      tpu.vector_store %arg8[%swap3A_65, %swap3A_66], %swap3A_69 {strides = array<i32>} : memref<128x128xf32, #tpu.memory_space<vmem>>, vector<1x16xf32>,
      %swap3A_70 = arith.index_cast %scan3A_45 : i32 to index
      %swap3A_71 = arith.constant 80 : index
      %swap3A_72 = tpu.vector_load %arg8[%swap3A_70, %swap3A_71] {strides = array<i32>} : memref<128x128xf32, #tpu.memory_space<vmem>>, vector<1x16xf32>,
      %swap3A_73 = vector.shape_cast %swap3A_72 : vector<1x16xf32> to vector<16xf32>
      %swap3A_74 = vector.shape_cast %broadcast_in_dim3A_0 : vector<16xf32> to vector<1x16xf32>
      tpu.vector_store %arg8[%swap3A_70, %swap3A_71], %swap3A_74 {strides = array<i32>} : memref<128x128xf32, #tpu.memory_space<vmem>>, vector<1x16xf32>,
      %swap3A_75 = arith.index_cast %scan3A_45 : i32 to index
      %swap3A_76 = arith.constant 96 : index
      %swap3A_77 = tpu.vector_load %arg8[%swap3A_75, %swap3A_76] {strides = array<i32>} : memref<128x128xf32, #tpu.memory_space<vmem>>, vector<1x16xf32>,
      %swap3A_78 = vector.shape_cast %swap3A_77 : vector<1x16xf32> to vector<16xf32>
      %swap3A_79 = vector.shape_cast %broadcast_in_dim3A_0 : vector<16xf32> to vector<1x16xf32>
      tpu.vector_store %arg8[%swap3A_75, %swap3A_76], %swap3A_79 {strides = array<i32>} : memref<128x128xf32, #tpu.memory_space<vmem>>, vector<1x16xf32>,
      %swap3A_80 = arith.index_cast %scan3A_45 : i32 to index
      %swap3A_81 = arith.constant 112 : index
      %swap3A_82 = tpu.vector_load %arg8[%swap3A_80, %swap3A_81] {strides = array<i32>} : memref<128x128xf32, #tpu.memory_space<vmem>>, vector<1x16xf32>,
      %swap3A_83 = vector.shape_cast %swap3A_82 : vector<1x16xf32> to vector<16xf32>
      %swap3A_84 = vector.shape_cast %broadcast_in_dim3A_0 : vector<16xf32> to vector<1x16xf32>
      tpu.vector_store %arg8[%swap3A_80, %swap3A_81], %swap3A_84 {strides = array<i32>} : memref<128x128xf32, #tpu.memory_space<vmem>>, vector<1x16xf32>,
    }
    %scan3A_30 = arith.constant 128 : i32
    %mul3A_31 = arith.constant 2 : i32
    %mul3A_32 = arith.muli %mul3A_31, %arg0 : i32
    %add3A_33 = arith.constant 1 : i32
    %add3A_34 = arith.addi %mul3A_32, %add3A_33 : i32
    %add3A_35 = arith.constant 0 : i32
    %add3A_36 = arith.addi %mul3A_12, %add3A_35 : i32
    "tpu.region"() ({
      %run_scoped3A = tpu.sem_alloc : memref<!tpu.dma_semaphore, #tpu.memory_space<semaphore_mem>>
      %dma_start3A = arith.constant 0 : i32
      %dma_start3A_45 = arith.constant 0 : i32
      %dma_start3A_46 = tpu.memref_slice %arg8[%dma_start3A, %dma_start3A_45] : memref<128x128xf32, #tpu.memory_space<vmem>> -> memref<64x128xf32, #tpu.memory_space<vmem>>
      %dma_start3A_47 = arith.constant 0 : i32
      %dma_start3A_48 = tpu.memref_slice %arg7[%add3A_36, %dma_start3A_47] : memref<1024x128xf32, #tpu.memory_space<vmem_shared>> -> memref<64x128xf32, #tpu.memory_space<vmem_shared>>
      %dma_start3A_49 = arith.constant 0 : i32
      %dma_start3A_50 = tpu.memref_slice %arg7[%add3A_36, %dma_start3A_49] : memref<1024x128xf32, #tpu.memory_space<vmem_shared>> -> memref<64x128xf32, #tpu.memory_space<vmem_shared>>
      %dma_start3A_51 = arith.constant 0 : i32
      %dma_start3A_52 = arith.constant 0 : i32
      %dma_start3A_53 = tpu.memref_slice %arg8[%dma_start3A_51, %dma_start3A_52] : memref<128x128xf32, #tpu.memory_space<vmem>> -> memref<64x128xf32, #tpu.memory_space<vmem>>
      tpu.enqueue_dma source(%dma_start3A_53 : memref<64x128xf32, #tpu.memory_space<vmem>>) target(%dma_start3A_50 : memref<64x128xf32, #tpu.memory_space<vmem_shared>>) target_semaphore(%run_scoped3A : memref<!tpu.dma_semaphore, #tpu.memory_space<semaphore_mem>>)
      %dma_wait3A = arith.constant 0 : i32
      %dma_wait3A_54 = arith.constant 0 : i32
      %dma_wait3A_55 = tpu.memref_slice %arg8[%dma_wait3A, %dma_wait3A_54] : memref<128x128xf32, #tpu.memory_space<vmem>> -> memref<64x128xf32, #tpu.memory_space<vmem>>
      %dma_wait3A_56 = arith.constant 0 : i32
      %dma_wait3A_57 = tpu.memref_slice %arg7[%add3A_36, %dma_wait3A_56] : memref<1024x128xf32, #tpu.memory_space<vmem_shared>> -> memref<64x128xf32, #tpu.memory_space<vmem_shared>>
      %dma_wait3A_58 = arith.constant 0 : i32
      %dma_wait3A_59 = tpu.memref_slice %arg7[%add3A_36, %dma_wait3A_58] : memref<1024x128xf32, #tpu.memory_space<vmem_shared>> -> memref<64x128xf32, #tpu.memory_space<vmem_shared>>
      %dma_wait3A_60 = arith.constant 0 : i32
      %dma_wait3A_61 = arith.constant 0 : i32
      %dma_wait3A_62 = tpu.memref_slice %arg8[%dma_wait3A_60, %dma_wait3A_61] : memref<128x128xf32, #tpu.memory_space<vmem>> -> memref<64x128xf32, #tpu.memory_space<vmem>>
      tpu.wait_dma2 semaphore(%run_scoped3A : memref<!tpu.dma_semaphore, #tpu.memory_space<semaphore_mem>>) src(%dma_wait3A_62 : memref<64x128xf32, #tpu.memory_space<vmem>>) dst(%dma_wait3A_59 : memref<64x128xf32, #tpu.memory_space<vmem_shared>>)
      tpu.yield
    }) : () -> ()
    %barrier3A_37 = arith.constant 0 : index
    tpu.barrier barrier_id(%barrier3A_37)
    %scan3A_38 = arith.constant 0 : i32
    %scan3A_39 = arith.constant 0 : i32
    %scan3A_40 = arith.constant 8 : i32
    %scan3A_41 = arith.addi %scan3A_39, %scan3A_40 : i32
    %scan3A_42 = arith.constant 1 : i32
    scf.for %scan3A_45 = %scan3A_39 to %scan3A_41 step %scan3A_42  : i32 {
      %mul3A_46 = arith.constant 1024 : i32
      %mul3A_47 = arith.muli %arg1, %mul3A_46 : i32
      %mul3A_48 = arith.constant 128 : i32
      %mul3A_49 = arith.muli %scan3A_45, %mul3A_48 : i32
      %add3A_50 = arith.addi %mul3A_47, %mul3A_49 : i32
      "tpu.region"() ({
        %run_scoped3A = tpu.sem_alloc : memref<!tpu.dma_semaphore, #tpu.memory_space<semaphore_mem>>
        %dma_start3A_149 = tpu.memref_slice %arg3[%add3A_50] : memref<16384xi32, #tpu.memory_space<hbm>> -> memref<128xi32, #tpu.memory_space<hbm>>
        %dma_start3A_150 = tpu.memref_slice %arg3[%add3A_50] : memref<16384xi32, #tpu.memory_space<hbm>> -> memref<128xi32, #tpu.memory_space<hbm>>
        tpu.enqueue_dma source(%dma_start3A_150 : memref<128xi32, #tpu.memory_space<hbm>>) target(%arg10 : memref<128xi32, #tpu.memory_space<vmem>>) target_semaphore(%run_scoped3A : memref<!tpu.dma_semaphore, #tpu.memory_space<semaphore_mem>>)
        %dma_wait3A_151 = tpu.memref_slice %arg3[%add3A_50] : memref<16384xi32, #tpu.memory_space<hbm>> -> memref<128xi32, #tpu.memory_space<hbm>>
        %dma_wait3A_152 = tpu.memref_slice %arg3[%add3A_50] : memref<16384xi32, #tpu.memory_space<hbm>> -> memref<128xi32, #tpu.memory_space<hbm>>
        tpu.wait_dma2 semaphore(%run_scoped3A : memref<!tpu.dma_semaphore, #tpu.memory_space<semaphore_mem>>) src(%dma_wait3A_152 : memref<128xi32, #tpu.memory_space<hbm>>) dst(%arg10 : memref<128xi32, #tpu.memory_space<vmem>>)
        tpu.yield
      }) : () -> ()
      "tpu.region"() ({
        %run_scoped3A = tpu.sem_alloc : memref<!tpu.dma_semaphore, #tpu.memory_space<semaphore_mem>>
        %dma_start3A_149 = tpu.memref_slice %arg4[%add3A_50] : memref<16384xi32, #tpu.memory_space<hbm>> -> memref<128xi32, #tpu.memory_space<hbm>>
        %dma_start3A_150 = tpu.memref_slice %arg4[%add3A_50] : memref<16384xi32, #tpu.memory_space<hbm>> -> memref<128xi32, #tpu.memory_space<hbm>>
        tpu.enqueue_dma source(%dma_start3A_150 : memref<128xi32, #tpu.memory_space<hbm>>) target(%arg11 : memref<128xi32, #tpu.memory_space<vmem>>) target_semaphore(%run_scoped3A : memref<!tpu.dma_semaphore, #tpu.memory_space<semaphore_mem>>)
        %dma_wait3A_151 = tpu.memref_slice %arg4[%add3A_50] : memref<16384xi32, #tpu.memory_space<hbm>> -> memref<128xi32, #tpu.memory_space<hbm>>
        %dma_wait3A_152 = tpu.memref_slice %arg4[%add3A_50] : memref<16384xi32, #tpu.memory_space<hbm>> -> memref<128xi32, #tpu.memory_space<hbm>>
        tpu.wait_dma2 semaphore(%run_scoped3A : memref<!tpu.dma_semaphore, #tpu.memory_space<semaphore_mem>>) src(%dma_wait3A_152 : memref<128xi32, #tpu.memory_space<hbm>>) dst(%arg11 : memref<128xi32, #tpu.memory_space<vmem>>)
        tpu.yield
      }) : () -> ()
      %get3A = arith.constant 0 : index
      %get3A_51 = tpu.vector_load %arg10[%get3A] {strides = array<i32>} : memref<128xi32, #tpu.memory_space<vmem>>, vector<16xi32>,
      %get3A_52 = vector.shape_cast %get3A_51 : vector<16xi32> to vector<16xi32>
      %mul3A_53 = arith.constant 4 : i32
      %mul3A_54 = vector.broadcast %mul3A_53 : i32 to vector<16xi32>
      %mul3A_55 = arith.muli %get3A_52, %mul3A_54 : vector<16xi32>
      %add3A_56 = vector.broadcast %add3A_34 : i32 to vector<16xi32>
      %add3A_57 = arith.addi %mul3A_55, %add3A_56 : vector<16xi32>
      %swap3A = arith.constant 0 : index
      %swap3A_58 = tpu.vector_load %arg12[%swap3A] {strides = array<i32>} : memref<128xi32, #tpu.memory_space<vmem>>, vector<16xi32>,
      %swap3A_59 = vector.shape_cast %swap3A_58 : vector<16xi32> to vector<16xi32>
      %swap3A_60 = vector.shape_cast %add3A_57 : vector<16xi32> to vector<16xi32>
      tpu.vector_store %arg12[%swap3A], %swap3A_60 {strides = array<i32>} : memref<128xi32, #tpu.memory_space<vmem>>, vector<16xi32>,
      %get3A_61 = arith.constant 16 : index
      %get3A_62 = tpu.vector_load %arg10[%get3A_61] {strides = array<i32>} : memref<128xi32, #tpu.memory_space<vmem>>, vector<16xi32>,
      %get3A_63 = vector.shape_cast %get3A_62 : vector<16xi32> to vector<16xi32>
      %mul3A_64 = arith.constant 4 : i32
      %mul3A_65 = vector.broadcast %mul3A_64 : i32 to vector<16xi32>
      %mul3A_66 = arith.muli %get3A_63, %mul3A_65 : vector<16xi32>
      %add3A_67 = vector.broadcast %add3A_34 : i32 to vector<16xi32>
      %add3A_68 = arith.addi %mul3A_66, %add3A_67 : vector<16xi32>
      %swap3A_69 = arith.constant 16 : index
      %swap3A_70 = tpu.vector_load %arg12[%swap3A_69] {strides = array<i32>} : memref<128xi32, #tpu.memory_space<vmem>>, vector<16xi32>,
      %swap3A_71 = vector.shape_cast %swap3A_70 : vector<16xi32> to vector<16xi32>
      %swap3A_72 = vector.shape_cast %add3A_68 : vector<16xi32> to vector<16xi32>
      tpu.vector_store %arg12[%swap3A_69], %swap3A_72 {strides = array<i32>} : memref<128xi32, #tpu.memory_space<vmem>>, vector<16xi32>,
      %get3A_73 = arith.constant 32 : index
      %get3A_74 = tpu.vector_load %arg10[%get3A_73] {strides = array<i32>} : memref<128xi32, #tpu.memory_space<vmem>>, vector<16xi32>,
      %get3A_75 = vector.shape_cast %get3A_74 : vector<16xi32> to vector<16xi32>
      %mul3A_76 = arith.constant 4 : i32
      %mul3A_77 = vector.broadcast %mul3A_76 : i32 to vector<16xi32>
      %mul3A_78 = arith.muli %get3A_75, %mul3A_77 : vector<16xi32>
      %add3A_79 = vector.broadcast %add3A_34 : i32 to vector<16xi32>
      %add3A_80 = arith.addi %mul3A_78, %add3A_79 : vector<16xi32>
      %swap3A_81 = arith.constant 32 : index
      %swap3A_82 = tpu.vector_load %arg12[%swap3A_81] {strides = array<i32>} : memref<128xi32, #tpu.memory_space<vmem>>, vector<16xi32>,
      %swap3A_83 = vector.shape_cast %swap3A_82 : vector<16xi32> to vector<16xi32>
      %swap3A_84 = vector.shape_cast %add3A_80 : vector<16xi32> to vector<16xi32>
      tpu.vector_store %arg12[%swap3A_81], %swap3A_84 {strides = array<i32>} : memref<128xi32, #tpu.memory_space<vmem>>, vector<16xi32>,
      %get3A_85 = arith.constant 48 : index
      %get3A_86 = tpu.vector_load %arg10[%get3A_85] {strides = array<i32>} : memref<128xi32, #tpu.memory_space<vmem>>, vector<16xi32>,
      %get3A_87 = vector.shape_cast %get3A_86 : vector<16xi32> to vector<16xi32>
      %mul3A_88 = arith.constant 4 : i32
      %mul3A_89 = vector.broadcast %mul3A_88 : i32 to vector<16xi32>
      %mul3A_90 = arith.muli %get3A_87, %mul3A_89 : vector<16xi32>
      %add3A_91 = vector.broadcast %add3A_34 : i32 to vector<16xi32>
      %add3A_92 = arith.addi %mul3A_90, %add3A_91 : vector<16xi32>
      %swap3A_93 = arith.constant 48 : index
      %swap3A_94 = tpu.vector_load %arg12[%swap3A_93] {strides = array<i32>} : memref<128xi32, #tpu.memory_space<vmem>>, vector<16xi32>,
      %swap3A_95 = vector.shape_cast %swap3A_94 : vector<16xi32> to vector<16xi32>
      %swap3A_96 = vector.shape_cast %add3A_92 : vector<16xi32> to vector<16xi32>
      tpu.vector_store %arg12[%swap3A_93], %swap3A_96 {strides = array<i32>} : memref<128xi32, #tpu.memory_space<vmem>>, vector<16xi32>,
      %get3A_97 = arith.constant 64 : index
      %get3A_98 = tpu.vector_load %arg10[%get3A_97] {strides = array<i32>} : memref<128xi32, #tpu.memory_space<vmem>>, vector<16xi32>,
      %get3A_99 = vector.shape_cast %get3A_98 : vector<16xi32> to vector<16xi32>
      %mul3A_100 = arith.constant 4 : i32
      %mul3A_101 = vector.broadcast %mul3A_100 : i32 to vector<16xi32>
      %mul3A_102 = arith.muli %get3A_99, %mul3A_101 : vector<16xi32>
      %add3A_103 = vector.broadcast %add3A_34 : i32 to vector<16xi32>
      %add3A_104 = arith.addi %mul3A_102, %add3A_103 : vector<16xi32>
      %swap3A_105 = arith.constant 64 : index
      %swap3A_106 = tpu.vector_load %arg12[%swap3A_105] {strides = array<i32>} : memref<128xi32, #tpu.memory_space<vmem>>, vector<16xi32>,
      %swap3A_107 = vector.shape_cast %swap3A_106 : vector<16xi32> to vector<16xi32>
      %swap3A_108 = vector.shape_cast %add3A_104 : vector<16xi32> to vector<16xi32>
      tpu.vector_store %arg12[%swap3A_105], %swap3A_108 {strides = array<i32>} : memref<128xi32, #tpu.memory_space<vmem>>, vector<16xi32>,
      %get3A_109 = arith.constant 80 : index
      %get3A_110 = tpu.vector_load %arg10[%get3A_109] {strides = array<i32>} : memref<128xi32, #tpu.memory_space<vmem>>, vector<16xi32>,
      %get3A_111 = vector.shape_cast %get3A_110 : vector<16xi32> to vector<16xi32>
      %mul3A_112 = arith.constant 4 : i32
      %mul3A_113 = vector.broadcast %mul3A_112 : i32 to vector<16xi32>
      %mul3A_114 = arith.muli %get3A_111, %mul3A_113 : vector<16xi32>
      %add3A_115 = vector.broadcast %add3A_34 : i32 to vector<16xi32>
      %add3A_116 = arith.addi %mul3A_114, %add3A_115 : vector<16xi32>
      %swap3A_117 = arith.constant 80 : index
      %swap3A_118 = tpu.vector_load %arg12[%swap3A_117] {strides = array<i32>} : memref<128xi32, #tpu.memory_space<vmem>>, vector<16xi32>,
      %swap3A_119 = vector.shape_cast %swap3A_118 : vector<16xi32> to vector<16xi32>
      %swap3A_120 = vector.shape_cast %add3A_116 : vector<16xi32> to vector<16xi32>
      tpu.vector_store %arg12[%swap3A_117], %swap3A_120 {strides = array<i32>} : memref<128xi32, #tpu.memory_space<vmem>>, vector<16xi32>,
      %get3A_121 = arith.constant 96 : index
      %get3A_122 = tpu.vector_load %arg10[%get3A_121] {strides = array<i32>} : memref<128xi32, #tpu.memory_space<vmem>>, vector<16xi32>,
      %get3A_123 = vector.shape_cast %get3A_122 : vector<16xi32> to vector<16xi32>
      %mul3A_124 = arith.constant 4 : i32
      %mul3A_125 = vector.broadcast %mul3A_124 : i32 to vector<16xi32>
      %mul3A_126 = arith.muli %get3A_123, %mul3A_125 : vector<16xi32>
      %add3A_127 = vector.broadcast %add3A_34 : i32 to vector<16xi32>
      %add3A_128 = arith.addi %mul3A_126, %add3A_127 : vector<16xi32>
      %swap3A_129 = arith.constant 96 : index
      %swap3A_130 = tpu.vector_load %arg12[%swap3A_129] {strides = array<i32>} : memref<128xi32, #tpu.memory_space<vmem>>, vector<16xi32>,
      %swap3A_131 = vector.shape_cast %swap3A_130 : vector<16xi32> to vector<16xi32>
      %swap3A_132 = vector.shape_cast %add3A_128 : vector<16xi32> to vector<16xi32>
      tpu.vector_store %arg12[%swap3A_129], %swap3A_132 {strides = array<i32>} : memref<128xi32, #tpu.memory_space<vmem>>, vector<16xi32>,
      %get3A_133 = arith.constant 112 : index
      %get3A_134 = tpu.vector_load %arg10[%get3A_133] {strides = array<i32>} : memref<128xi32, #tpu.memory_space<vmem>>, vector<16xi32>,
      %get3A_135 = vector.shape_cast %get3A_134 : vector<16xi32> to vector<16xi32>
      %mul3A_136 = arith.constant 4 : i32
      %mul3A_137 = vector.broadcast %mul3A_136 : i32 to vector<16xi32>
      %mul3A_138 = arith.muli %get3A_135, %mul3A_137 : vector<16xi32>
      %add3A_139 = vector.broadcast %add3A_34 : i32 to vector<16xi32>
      %add3A_140 = arith.addi %mul3A_138, %add3A_139 : vector<16xi32>
      %swap3A_141 = arith.constant 112 : index
      %swap3A_142 = tpu.vector_load %arg12[%swap3A_141] {strides = array<i32>} : memref<128xi32, #tpu.memory_space<vmem>>, vector<16xi32>,
      %swap3A_143 = vector.shape_cast %swap3A_142 : vector<16xi32> to vector<16xi32>
      %swap3A_144 = vector.shape_cast %add3A_140 : vector<16xi32> to vector<16xi32>
      tpu.vector_store %arg12[%swap3A_141], %swap3A_144 {strides = array<i32>} : memref<128xi32, #tpu.memory_space<vmem>>, vector<16xi32>,
      %dma_start3A = arith.constant 0 : i32
      %dma_start3A_145 = arith.constant 0 : i32
      %dma_start3A_146 = tpu.memref_slice %arg2[%dma_start3A, %dma_start3A_145] : memref<16384x128xf32, #tpu.memory_space<hbm>> -> memref<16384x128xf32, #tpu.memory_space<hbm>>
      tpu.enqueue_indirect_dma source(%dma_start3A_146 : memref<16384x128xf32, #tpu.memory_space<hbm>>) target(%arg8 : memref<128x128xf32, #tpu.memory_space<vmem>>) offsets(%arg12 : memref<128xi32, #tpu.memory_space<vmem>>) semaphore(%arg13 : memref<!tpu.dma_semaphore, #tpu.memory_space<semaphore_mem>>)
      %dma_wait3A = arith.constant 0 : i32
      %dma_wait3A_147 = arith.constant 0 : i32
      %dma_wait3A_148 = tpu.memref_slice %arg2[%dma_wait3A, %dma_wait3A_147] : memref<16384x128xf32, #tpu.memory_space<hbm>> -> memref<16384x128xf32, #tpu.memory_space<hbm>>
      tpu.wait_indirect_dma semaphore(%arg13 : memref<!tpu.dma_semaphore, #tpu.memory_space<semaphore_mem>>) src(%dma_wait3A_148 : memref<16384x128xf32, #tpu.memory_space<hbm>>) dst(%arg8 : memref<128x128xf32, #tpu.memory_space<vmem>>)
      "tpu.region"() ({
        %run_scoped3A = tpu.sem_alloc : memref<!tpu.dma_semaphore, #tpu.memory_space<semaphore_mem>>
        %dma_start3A_149 = arith.constant 0 : i32
        %dma_start3A_150 = arith.constant 0 : i32
        %dma_start3A_151 = tpu.memref_slice %arg7[%dma_start3A_149, %dma_start3A_150] : memref<1024x128xf32, #tpu.memory_space<vmem_shared>> -> memref<1024x128xf32, #tpu.memory_space<vmem_shared>>
        tpu.enqueue_indirect_dma source(%arg8 : memref<128x128xf32, #tpu.memory_space<vmem>>) target(%dma_start3A_151 : memref<1024x128xf32, #tpu.memory_space<vmem_shared>>) offsets(%arg11 : memref<128xi32, #tpu.memory_space<vmem>>) semaphore(%run_scoped3A : memref<!tpu.dma_semaphore, #tpu.memory_space<semaphore_mem>>) {add = true}
        %dma_wait3A_152 = arith.constant 0 : i32
        %dma_wait3A_153 = arith.constant 0 : i32
        %dma_wait3A_154 = tpu.memref_slice %arg7[%dma_wait3A_152, %dma_wait3A_153] : memref<1024x128xf32, #tpu.memory_space<vmem_shared>> -> memref<1024x128xf32, #tpu.memory_space<vmem_shared>>
        tpu.wait_indirect_dma semaphore(%run_scoped3A : memref<!tpu.dma_semaphore, #tpu.memory_space<semaphore_mem>>) src(%arg8 : memref<128x128xf32, #tpu.memory_space<vmem>>) dst(%dma_wait3A_154 : memref<1024x128xf32, #tpu.memory_space<vmem_shared>>)
        tpu.yield
      }) : () -> ()
    }
    %scan3A_43 = arith.constant 8 : i32
    %barrier3A_44 = arith.constant 0 : index
    tpu.barrier barrier_id(%barrier3A_44)
    "tpu.region"() ({
      %run_scoped3A = tpu.sem_alloc : memref<!tpu.dma_semaphore, #tpu.memory_space<semaphore_mem>>
      %dma_start3A = arith.constant 0 : i32
      %dma_start3A_45 = tpu.memref_slice %arg5[%add3A_34, %mul3A_12, %dma_start3A] : memref<4x1024x128xf32, #tpu.memory_space<hbm>> -> memref<1x64x128xf32, #tpu.memory_space<hbm>>
      %dma_start3A_46 = tpu.memref_squeeze %dma_start3A_45 : memref<1x64x128xf32, #tpu.memory_space<hbm>> -> memref<64x128xf32, #tpu.memory_space<hbm>>
      %dma_start3A_47 = arith.constant 0 : i32
      %dma_start3A_48 = tpu.memref_slice %arg7[%mul3A_12, %dma_start3A_47] : memref<1024x128xf32, #tpu.memory_space<vmem_shared>> -> memref<64x128xf32, #tpu.memory_space<vmem_shared>>
      tpu.enqueue_dma source(%dma_start3A_48 : memref<64x128xf32, #tpu.memory_space<vmem_shared>>) target(%dma_start3A_46 : memref<64x128xf32, #tpu.memory_space<hbm>>) target_semaphore(%run_scoped3A : memref<!tpu.dma_semaphore, #tpu.memory_space<semaphore_mem>>)
      %dma_wait3A = arith.constant 0 : i32
      %dma_wait3A_49 = tpu.memref_slice %arg5[%add3A_34, %mul3A_12, %dma_wait3A] : memref<4x1024x128xf32, #tpu.memory_space<hbm>> -> memref<1x64x128xf32, #tpu.memory_space<hbm>>
      %dma_wait3A_50 = tpu.memref_squeeze %dma_wait3A_49 : memref<1x64x128xf32, #tpu.memory_space<hbm>> -> memref<64x128xf32, #tpu.memory_space<hbm>>
      %dma_wait3A_51 = arith.constant 0 : i32
      %dma_wait3A_52 = tpu.memref_slice %arg7[%mul3A_12, %dma_wait3A_51] : memref<1024x128xf32, #tpu.memory_space<vmem_shared>> -> memref<64x128xf32, #tpu.memory_space<vmem_shared>>
      tpu.wait_dma2 semaphore(%run_scoped3A : memref<!tpu.dma_semaphore, #tpu.memory_space<semaphore_mem>>) src(%dma_wait3A_52 : memref<64x128xf32, #tpu.memory_space<vmem_shared>>) dst(%dma_wait3A_50 : memref<64x128xf32, #tpu.memory_space<hbm>>)
      tpu.yield
    }) : () -> ()
    "tpu.region"() ({
      %run_scoped3A = tpu.sem_alloc : memref<!tpu.dma_semaphore, #tpu.memory_space<semaphore_mem>>
      %dma_start3A = arith.constant 0 : i32
      %dma_start3A_45 = arith.constant 0 : i32
      %dma_start3A_46 = tpu.memref_slice %arg6[%arg0, %arg1, %dma_start3A, %dma_start3A_45] : memref<2x16x64x16xf32, #tpu.memory_space<hbm>> -> memref<1x1x64x16xf32, #tpu.memory_space<hbm>>
      %dma_start3A_47 = tpu.memref_squeeze %dma_start3A_46 : memref<1x1x64x16xf32, #tpu.memory_space<hbm>> -> memref<64x16xf32, #tpu.memory_space<hbm>>
      %dma_start3A_48 = arith.constant 0 : i32
      %dma_start3A_49 = arith.constant 0 : i32
      %dma_start3A_50 = tpu.memref_slice %arg6[%arg0, %arg1, %dma_start3A_48, %dma_start3A_49] : memref<2x16x64x16xf32, #tpu.memory_space<hbm>> -> memref<1x1x64x16xf32, #tpu.memory_space<hbm>>
      %dma_start3A_51 = tpu.memref_squeeze %dma_start3A_50 : memref<1x1x64x16xf32, #tpu.memory_space<hbm>> -> memref<64x16xf32, #tpu.memory_space<hbm>>
      tpu.enqueue_dma source(%arg9 : memref<64x16xf32, #tpu.memory_space<vmem>>) target(%dma_start3A_51 : memref<64x16xf32, #tpu.memory_space<hbm>>) target_semaphore(%run_scoped3A : memref<!tpu.dma_semaphore, #tpu.memory_space<semaphore_mem>>)
      %dma_wait3A = arith.constant 0 : i32
      %dma_wait3A_52 = arith.constant 0 : i32
      %dma_wait3A_53 = tpu.memref_slice %arg6[%arg0, %arg1, %dma_wait3A, %dma_wait3A_52] : memref<2x16x64x16xf32, #tpu.memory_space<hbm>> -> memref<1x1x64x16xf32, #tpu.memory_space<hbm>>
      %dma_wait3A_54 = tpu.memref_squeeze %dma_wait3A_53 : memref<1x1x64x16xf32, #tpu.memory_space<hbm>> -> memref<64x16xf32, #tpu.memory_space<hbm>>
      %dma_wait3A_55 = arith.constant 0 : i32
      %dma_wait3A_56 = arith.constant 0 : i32
      %dma_wait3A_57 = tpu.memref_slice %arg6[%arg0, %arg1, %dma_wait3A_55, %dma_wait3A_56] : memref<2x16x64x16xf32, #tpu.memory_space<hbm>> -> memref<1x1x64x16xf32, #tpu.memory_space<hbm>>
      %dma_wait3A_58 = tpu.memref_squeeze %dma_wait3A_57 : memref<1x1x64x16xf32, #tpu.memory_space<hbm>> -> memref<64x16xf32, #tpu.memory_space<hbm>>
      tpu.wait_dma2 semaphore(%run_scoped3A : memref<!tpu.dma_semaphore, #tpu.memory_space<semaphore_mem>>) src(%arg9 : memref<64x16xf32, #tpu.memory_space<vmem>>) dst(%dma_wait3A_58 : memref<64x16xf32, #tpu.memory_space<hbm>>)
      tpu.yield
    }) : () -> ()
    return
  }
}

#map = affine_map<(d0, d1) -> (0, 0)>
#map1 = affine_map<(d0, d1) -> (0)>
#map2 = affine_map<(d0, d1) -> (0, 0, 0)>
#map3 = affine_map<(d0, d1) -> (0, 0, 0, 0)>
module attributes {stable_mosaic.version = 14 : i64} {
  func.func @agg(%arg0: i32, %arg1: i32, %arg2: memref<65536x128xf32, #tpu.memory_space<hbm>>, %arg3: memref<65536xi32, #tpu.memory_space<hbm>>, %arg4: memref<65536xi32, #tpu.memory_space<hbm>>, %arg5: memref<4x4096x128xf32, #tpu.memory_space<hbm>>, %arg6: memref<2x16x256x16xf32, #tpu.memory_space<hbm>>, %arg7: memref<4096x128xf32, #tpu.memory_space<vmem_shared>>, %arg8: memref<128x128xf32, #tpu.memory_space<vmem>>, %arg9: memref<256x16xf32, #tpu.memory_space<vmem>>, %arg10: memref<128xi32, #tpu.memory_space<vmem>>, %arg11: memref<128xi32, #tpu.memory_space<vmem>>, %arg12: memref<128xi32, #tpu.memory_space<vmem>>, %arg13: memref<!tpu.dma_semaphore, #tpu.memory_space<semaphore_mem>>) attributes {dimension_semantics = [#tpu.dimension_semantics<core_parallel>, #tpu.dimension_semantics<subcore_parallel>], iteration_bounds = array<i64: 2, 16>, scalar_prefetch = 0 : i64, scratch_operands = 7 : i64, tpu.core_type = #tpu.core_type<sc_vector_subcore>, window_params = [{transform_indices = #map}, {transform_indices = #map1}, {transform_indices = #map1}, {transform_indices = #map2}, {transform_indices = #map3}]} {
    %broadcast_in_dim3A = arith.constant 0.000000e+00 : f32
    %broadcast_in_dim3A_0 = vector.broadcast %broadcast_in_dim3A : f32 to vector<16xf32>
    %iota3A = tpu.iota {dimensions = array<i32: 0>} : vector<16xi32>
    %scan3A = arith.constant 0 : i32
    %scan3A_1 = arith.constant 0 : i32
    %scan3A_2 = arith.constant 128 : i32
    %scan3A_3 = arith.addi %scan3A_1, %scan3A_2 : i32
    %scan3A_4 = arith.constant 1 : i32
    scf.for %scan3A_49 = %scan3A_1 to %scan3A_3 step %scan3A_4  : i32 {
      %swap3A = arith.index_cast %scan3A_49 : i32 to index
      %swap3A_50 = arith.constant 0 : index
      %swap3A_51 = tpu.vector_load %arg8[%swap3A, %swap3A_50] {strides = array<i32>} : memref<128x128xf32, #tpu.memory_space<vmem>>, vector<1x16xf32>,
      %swap3A_52 = vector.shape_cast %swap3A_51 : vector<1x16xf32> to vector<16xf32>
      %swap3A_53 = vector.shape_cast %broadcast_in_dim3A_0 : vector<16xf32> to vector<1x16xf32>
      tpu.vector_store %arg8[%swap3A, %swap3A_50], %swap3A_53 {strides = array<i32>} : memref<128x128xf32, #tpu.memory_space<vmem>>, vector<1x16xf32>,
      %swap3A_54 = arith.index_cast %scan3A_49 : i32 to index
      %swap3A_55 = arith.constant 16 : index
      %swap3A_56 = tpu.vector_load %arg8[%swap3A_54, %swap3A_55] {strides = array<i32>} : memref<128x128xf32, #tpu.memory_space<vmem>>, vector<1x16xf32>,
      %swap3A_57 = vector.shape_cast %swap3A_56 : vector<1x16xf32> to vector<16xf32>
      %swap3A_58 = vector.shape_cast %broadcast_in_dim3A_0 : vector<16xf32> to vector<1x16xf32>
      tpu.vector_store %arg8[%swap3A_54, %swap3A_55], %swap3A_58 {strides = array<i32>} : memref<128x128xf32, #tpu.memory_space<vmem>>, vector<1x16xf32>,
      %swap3A_59 = arith.index_cast %scan3A_49 : i32 to index
      %swap3A_60 = arith.constant 32 : index
      %swap3A_61 = tpu.vector_load %arg8[%swap3A_59, %swap3A_60] {strides = array<i32>} : memref<128x128xf32, #tpu.memory_space<vmem>>, vector<1x16xf32>,
      %swap3A_62 = vector.shape_cast %swap3A_61 : vector<1x16xf32> to vector<16xf32>
      %swap3A_63 = vector.shape_cast %broadcast_in_dim3A_0 : vector<16xf32> to vector<1x16xf32>
      tpu.vector_store %arg8[%swap3A_59, %swap3A_60], %swap3A_63 {strides = array<i32>} : memref<128x128xf32, #tpu.memory_space<vmem>>, vector<1x16xf32>,
      %swap3A_64 = arith.index_cast %scan3A_49 : i32 to index
      %swap3A_65 = arith.constant 48 : index
      %swap3A_66 = tpu.vector_load %arg8[%swap3A_64, %swap3A_65] {strides = array<i32>} : memref<128x128xf32, #tpu.memory_space<vmem>>, vector<1x16xf32>,
      %swap3A_67 = vector.shape_cast %swap3A_66 : vector<1x16xf32> to vector<16xf32>
      %swap3A_68 = vector.shape_cast %broadcast_in_dim3A_0 : vector<16xf32> to vector<1x16xf32>
      tpu.vector_store %arg8[%swap3A_64, %swap3A_65], %swap3A_68 {strides = array<i32>} : memref<128x128xf32, #tpu.memory_space<vmem>>, vector<1x16xf32>,
      %swap3A_69 = arith.index_cast %scan3A_49 : i32 to index
      %swap3A_70 = arith.constant 64 : index
      %swap3A_71 = tpu.vector_load %arg8[%swap3A_69, %swap3A_70] {strides = array<i32>} : memref<128x128xf32, #tpu.memory_space<vmem>>, vector<1x16xf32>,
      %swap3A_72 = vector.shape_cast %swap3A_71 : vector<1x16xf32> to vector<16xf32>
      %swap3A_73 = vector.shape_cast %broadcast_in_dim3A_0 : vector<16xf32> to vector<1x16xf32>
      tpu.vector_store %arg8[%swap3A_69, %swap3A_70], %swap3A_73 {strides = array<i32>} : memref<128x128xf32, #tpu.memory_space<vmem>>, vector<1x16xf32>,
      %swap3A_74 = arith.index_cast %scan3A_49 : i32 to index
      %swap3A_75 = arith.constant 80 : index
      %swap3A_76 = tpu.vector_load %arg8[%swap3A_74, %swap3A_75] {strides = array<i32>} : memref<128x128xf32, #tpu.memory_space<vmem>>, vector<1x16xf32>,
      %swap3A_77 = vector.shape_cast %swap3A_76 : vector<1x16xf32> to vector<16xf32>
      %swap3A_78 = vector.shape_cast %broadcast_in_dim3A_0 : vector<16xf32> to vector<1x16xf32>
      tpu.vector_store %arg8[%swap3A_74, %swap3A_75], %swap3A_78 {strides = array<i32>} : memref<128x128xf32, #tpu.memory_space<vmem>>, vector<1x16xf32>,
      %swap3A_79 = arith.index_cast %scan3A_49 : i32 to index
      %swap3A_80 = arith.constant 96 : index
      %swap3A_81 = tpu.vector_load %arg8[%swap3A_79, %swap3A_80] {strides = array<i32>} : memref<128x128xf32, #tpu.memory_space<vmem>>, vector<1x16xf32>,
      %swap3A_82 = vector.shape_cast %swap3A_81 : vector<1x16xf32> to vector<16xf32>
      %swap3A_83 = vector.shape_cast %broadcast_in_dim3A_0 : vector<16xf32> to vector<1x16xf32>
      tpu.vector_store %arg8[%swap3A_79, %swap3A_80], %swap3A_83 {strides = array<i32>} : memref<128x128xf32, #tpu.memory_space<vmem>>, vector<1x16xf32>,
      %swap3A_84 = arith.index_cast %scan3A_49 : i32 to index
      %swap3A_85 = arith.constant 112 : index
      %swap3A_86 = tpu.vector_load %arg8[%swap3A_84, %swap3A_85] {strides = array<i32>} : memref<128x128xf32, #tpu.memory_space<vmem>>, vector<1x16xf32>,
      %swap3A_87 = vector.shape_cast %swap3A_86 : vector<1x16xf32> to vector<16xf32>
      %swap3A_88 = vector.shape_cast %broadcast_in_dim3A_0 : vector<16xf32> to vector<1x16xf32>
      tpu.vector_store %arg8[%swap3A_84, %swap3A_85], %swap3A_88 {strides = array<i32>} : memref<128x128xf32, #tpu.memory_space<vmem>>, vector<1x16xf32>,
    }
    %scan3A_5 = arith.constant 128 : i32
    %scan3A_6 = arith.constant 0 : i32
    %scan3A_7 = arith.constant 0 : i32
    %scan3A_8 = arith.constant 256 : i32
    %scan3A_9 = arith.addi %scan3A_7, %scan3A_8 : i32
    %scan3A_10 = arith.constant 1 : i32
    scf.for %scan3A_49 = %scan3A_7 to %scan3A_9 step %scan3A_10  : i32 {
      %swap3A = arith.index_cast %scan3A_49 : i32 to index
      %swap3A_50 = arith.constant 0 : index
      %swap3A_51 = tpu.vector_load %arg9[%swap3A, %swap3A_50] {strides = array<i32>} : memref<256x16xf32, #tpu.memory_space<vmem>>, vector<1x16xf32>,
      %swap3A_52 = vector.shape_cast %swap3A_51 : vector<1x16xf32> to vector<16xf32>
      %swap3A_53 = vector.shape_cast %broadcast_in_dim3A_0 : vector<16xf32> to vector<1x16xf32>
      tpu.vector_store %arg9[%swap3A, %swap3A_50], %swap3A_53 {strides = array<i32>} : memref<256x16xf32, #tpu.memory_space<vmem>>, vector<1x16xf32>,
    }
    %scan3A_11 = arith.constant 256 : i32
    %mul3A = arith.constant 256 : i32
    %mul3A_12 = arith.muli %arg1, %mul3A : i32
    %mul3A_13 = arith.constant 2 : i32
    %mul3A_14 = arith.muli %mul3A_13, %arg0 : i32
    %add3A = arith.constant 0 : i32
    %add3A_15 = arith.addi %mul3A_14, %add3A : i32
    %add3A_16 = arith.constant 0 : i32
    %add3A_17 = arith.addi %mul3A_12, %add3A_16 : i32
    "tpu.region"() ({
      %run_scoped3A = tpu.sem_alloc : memref<!tpu.dma_semaphore, #tpu.memory_space<semaphore_mem>>
      %dma_start3A = arith.constant 0 : i32
      %dma_start3A_49 = arith.constant 0 : i32
      %dma_start3A_50 = tpu.memref_slice %arg8[%dma_start3A, %dma_start3A_49] : memref<128x128xf32, #tpu.memory_space<vmem>> -> memref<128x128xf32, #tpu.memory_space<vmem>>
      %dma_start3A_51 = arith.constant 0 : i32
      %dma_start3A_52 = tpu.memref_slice %arg7[%add3A_17, %dma_start3A_51] : memref<4096x128xf32, #tpu.memory_space<vmem_shared>> -> memref<128x128xf32, #tpu.memory_space<vmem_shared>>
      %dma_start3A_53 = arith.constant 0 : i32
      %dma_start3A_54 = tpu.memref_slice %arg7[%add3A_17, %dma_start3A_53] : memref<4096x128xf32, #tpu.memory_space<vmem_shared>> -> memref<128x128xf32, #tpu.memory_space<vmem_shared>>
      %dma_start3A_55 = arith.constant 0 : i32
      %dma_start3A_56 = arith.constant 0 : i32
      %dma_start3A_57 = tpu.memref_slice %arg8[%dma_start3A_55, %dma_start3A_56] : memref<128x128xf32, #tpu.memory_space<vmem>> -> memref<128x128xf32, #tpu.memory_space<vmem>>
      tpu.enqueue_dma source(%dma_start3A_57 : memref<128x128xf32, #tpu.memory_space<vmem>>) target(%dma_start3A_54 : memref<128x128xf32, #tpu.memory_space<vmem_shared>>) target_semaphore(%run_scoped3A : memref<!tpu.dma_semaphore, #tpu.memory_space<semaphore_mem>>)
      %dma_wait3A = arith.constant 0 : i32
      %dma_wait3A_58 = arith.constant 0 : i32
      %dma_wait3A_59 = tpu.memref_slice %arg8[%dma_wait3A, %dma_wait3A_58] : memref<128x128xf32, #tpu.memory_space<vmem>> -> memref<128x128xf32, #tpu.memory_space<vmem>>
      %dma_wait3A_60 = arith.constant 0 : i32
      %dma_wait3A_61 = tpu.memref_slice %arg7[%add3A_17, %dma_wait3A_60] : memref<4096x128xf32, #tpu.memory_space<vmem_shared>> -> memref<128x128xf32, #tpu.memory_space<vmem_shared>>
      %dma_wait3A_62 = arith.constant 0 : i32
      %dma_wait3A_63 = tpu.memref_slice %arg7[%add3A_17, %dma_wait3A_62] : memref<4096x128xf32, #tpu.memory_space<vmem_shared>> -> memref<128x128xf32, #tpu.memory_space<vmem_shared>>
      %dma_wait3A_64 = arith.constant 0 : i32
      %dma_wait3A_65 = arith.constant 0 : i32
      %dma_wait3A_66 = tpu.memref_slice %arg8[%dma_wait3A_64, %dma_wait3A_65] : memref<128x128xf32, #tpu.memory_space<vmem>> -> memref<128x128xf32, #tpu.memory_space<vmem>>
      tpu.wait_dma2 semaphore(%run_scoped3A : memref<!tpu.dma_semaphore, #tpu.memory_space<semaphore_mem>>) src(%dma_wait3A_66 : memref<128x128xf32, #tpu.memory_space<vmem>>) dst(%dma_wait3A_63 : memref<128x128xf32, #tpu.memory_space<vmem_shared>>)
      tpu.yield
    }) : () -> ()
    %add3A_18 = arith.constant 128 : i32
    %add3A_19 = arith.addi %mul3A_12, %add3A_18 : i32
    "tpu.region"() ({
      %run_scoped3A = tpu.sem_alloc : memref<!tpu.dma_semaphore, #tpu.memory_space<semaphore_mem>>
      %dma_start3A = arith.constant 0 : i32
      %dma_start3A_49 = arith.constant 0 : i32
      %dma_start3A_50 = tpu.memref_slice %arg8[%dma_start3A, %dma_start3A_49] : memref<128x128xf32, #tpu.memory_space<vmem>> -> memref<128x128xf32, #tpu.memory_space<vmem>>
      %dma_start3A_51 = arith.constant 0 : i32
      %dma_start3A_52 = tpu.memref_slice %arg7[%add3A_19, %dma_start3A_51] : memref<4096x128xf32, #tpu.memory_space<vmem_shared>> -> memref<128x128xf32, #tpu.memory_space<vmem_shared>>
      %dma_start3A_53 = arith.constant 0 : i32
      %dma_start3A_54 = tpu.memref_slice %arg7[%add3A_19, %dma_start3A_53] : memref<4096x128xf32, #tpu.memory_space<vmem_shared>> -> memref<128x128xf32, #tpu.memory_space<vmem_shared>>
      %dma_start3A_55 = arith.constant 0 : i32
      %dma_start3A_56 = arith.constant 0 : i32
      %dma_start3A_57 = tpu.memref_slice %arg8[%dma_start3A_55, %dma_start3A_56] : memref<128x128xf32, #tpu.memory_space<vmem>> -> memref<128x128xf32, #tpu.memory_space<vmem>>
      tpu.enqueue_dma source(%dma_start3A_57 : memref<128x128xf32, #tpu.memory_space<vmem>>) target(%dma_start3A_54 : memref<128x128xf32, #tpu.memory_space<vmem_shared>>) target_semaphore(%run_scoped3A : memref<!tpu.dma_semaphore, #tpu.memory_space<semaphore_mem>>)
      %dma_wait3A = arith.constant 0 : i32
      %dma_wait3A_58 = arith.constant 0 : i32
      %dma_wait3A_59 = tpu.memref_slice %arg8[%dma_wait3A, %dma_wait3A_58] : memref<128x128xf32, #tpu.memory_space<vmem>> -> memref<128x128xf32, #tpu.memory_space<vmem>>
      %dma_wait3A_60 = arith.constant 0 : i32
      %dma_wait3A_61 = tpu.memref_slice %arg7[%add3A_19, %dma_wait3A_60] : memref<4096x128xf32, #tpu.memory_space<vmem_shared>> -> memref<128x128xf32, #tpu.memory_space<vmem_shared>>
      %dma_wait3A_62 = arith.constant 0 : i32
      %dma_wait3A_63 = tpu.memref_slice %arg7[%add3A_19, %dma_wait3A_62] : memref<4096x128xf32, #tpu.memory_space<vmem_shared>> -> memref<128x128xf32, #tpu.memory_space<vmem_shared>>
      %dma_wait3A_64 = arith.constant 0 : i32
      %dma_wait3A_65 = arith.constant 0 : i32
      %dma_wait3A_66 = tpu.memref_slice %arg8[%dma_wait3A_64, %dma_wait3A_65] : memref<128x128xf32, #tpu.memory_space<vmem>> -> memref<128x128xf32, #tpu.memory_space<vmem>>
      tpu.wait_dma2 semaphore(%run_scoped3A : memref<!tpu.dma_semaphore, #tpu.memory_space<semaphore_mem>>) src(%dma_wait3A_66 : memref<128x128xf32, #tpu.memory_space<vmem>>) dst(%dma_wait3A_63 : memref<128x128xf32, #tpu.memory_space<vmem_shared>>)
      tpu.yield
    }) : () -> ()
    %barrier3A = arith.constant 0 : index
    tpu.barrier barrier_id(%barrier3A)
    %scan3A_20 = arith.constant 0 : i32
    %scan3A_21 = arith.constant 0 : i32
    %scan3A_22 = arith.constant 32 : i32
    %scan3A_23 = arith.addi %scan3A_21, %scan3A_22 : i32
    %scan3A_24 = arith.constant 1 : i32
    scf.for %scan3A_49 = %scan3A_21 to %scan3A_23 step %scan3A_24  : i32 {
      %mul3A_50 = arith.constant 4096 : i32
      %mul3A_51 = arith.muli %arg1, %mul3A_50 : i32
      %mul3A_52 = arith.constant 128 : i32
      %mul3A_53 = arith.muli %scan3A_49, %mul3A_52 : i32
      %add3A_54 = arith.addi %mul3A_51, %mul3A_53 : i32
      "tpu.region"() ({
        %run_scoped3A = tpu.sem_alloc : memref<!tpu.dma_semaphore, #tpu.memory_space<semaphore_mem>>
        %dma_start3A_164 = tpu.memref_slice %arg3[%add3A_54] : memref<65536xi32, #tpu.memory_space<hbm>> -> memref<128xi32, #tpu.memory_space<hbm>>
        %dma_start3A_165 = tpu.memref_slice %arg3[%add3A_54] : memref<65536xi32, #tpu.memory_space<hbm>> -> memref<128xi32, #tpu.memory_space<hbm>>
        tpu.enqueue_dma source(%dma_start3A_165 : memref<128xi32, #tpu.memory_space<hbm>>) target(%arg10 : memref<128xi32, #tpu.memory_space<vmem>>) target_semaphore(%run_scoped3A : memref<!tpu.dma_semaphore, #tpu.memory_space<semaphore_mem>>)
        %dma_wait3A_166 = tpu.memref_slice %arg3[%add3A_54] : memref<65536xi32, #tpu.memory_space<hbm>> -> memref<128xi32, #tpu.memory_space<hbm>>
        %dma_wait3A_167 = tpu.memref_slice %arg3[%add3A_54] : memref<65536xi32, #tpu.memory_space<hbm>> -> memref<128xi32, #tpu.memory_space<hbm>>
        tpu.wait_dma2 semaphore(%run_scoped3A : memref<!tpu.dma_semaphore, #tpu.memory_space<semaphore_mem>>) src(%dma_wait3A_167 : memref<128xi32, #tpu.memory_space<hbm>>) dst(%arg10 : memref<128xi32, #tpu.memory_space<vmem>>)
        tpu.yield
      }) : () -> ()
      "tpu.region"() ({
        %run_scoped3A = tpu.sem_alloc : memref<!tpu.dma_semaphore, #tpu.memory_space<semaphore_mem>>
        %dma_start3A_164 = tpu.memref_slice %arg4[%add3A_54] : memref<65536xi32, #tpu.memory_space<hbm>> -> memref<128xi32, #tpu.memory_space<hbm>>
        %dma_start3A_165 = tpu.memref_slice %arg4[%add3A_54] : memref<65536xi32, #tpu.memory_space<hbm>> -> memref<128xi32, #tpu.memory_space<hbm>>
        tpu.enqueue_dma source(%dma_start3A_165 : memref<128xi32, #tpu.memory_space<hbm>>) target(%arg11 : memref<128xi32, #tpu.memory_space<vmem>>) target_semaphore(%run_scoped3A : memref<!tpu.dma_semaphore, #tpu.memory_space<semaphore_mem>>)
        %dma_wait3A_166 = tpu.memref_slice %arg4[%add3A_54] : memref<65536xi32, #tpu.memory_space<hbm>> -> memref<128xi32, #tpu.memory_space<hbm>>
        %dma_wait3A_167 = tpu.memref_slice %arg4[%add3A_54] : memref<65536xi32, #tpu.memory_space<hbm>> -> memref<128xi32, #tpu.memory_space<hbm>>
        tpu.wait_dma2 semaphore(%run_scoped3A : memref<!tpu.dma_semaphore, #tpu.memory_space<semaphore_mem>>) src(%dma_wait3A_167 : memref<128xi32, #tpu.memory_space<hbm>>) dst(%arg11 : memref<128xi32, #tpu.memory_space<vmem>>)
        tpu.yield
      }) : () -> ()
      %get3A = arith.constant 0 : index
      %get3A_55 = tpu.vector_load %arg10[%get3A] {strides = array<i32>} : memref<128xi32, #tpu.memory_space<vmem>>, vector<16xi32>,
      %get3A_56 = vector.shape_cast %get3A_55 : vector<16xi32> to vector<16xi32>
      %mul3A_57 = arith.constant 4 : i32
      %mul3A_58 = vector.broadcast %mul3A_57 : i32 to vector<16xi32>
      %mul3A_59 = arith.muli %get3A_56, %mul3A_58 : vector<16xi32>
      %add3A_60 = vector.broadcast %add3A_15 : i32 to vector<16xi32>
      %add3A_61 = arith.addi %mul3A_59, %add3A_60 : vector<16xi32>
      %swap3A = arith.constant 0 : index
      %swap3A_62 = tpu.vector_load %arg12[%swap3A] {strides = array<i32>} : memref<128xi32, #tpu.memory_space<vmem>>, vector<16xi32>,
      %swap3A_63 = vector.shape_cast %swap3A_62 : vector<16xi32> to vector<16xi32>
      %swap3A_64 = vector.shape_cast %add3A_61 : vector<16xi32> to vector<16xi32>
      tpu.vector_store %arg12[%swap3A], %swap3A_64 {strides = array<i32>} : memref<128xi32, #tpu.memory_space<vmem>>, vector<16xi32>,
      %get3A_65 = arith.constant 16 : index
      %get3A_66 = tpu.vector_load %arg10[%get3A_65] {strides = array<i32>} : memref<128xi32, #tpu.memory_space<vmem>>, vector<16xi32>,
      %get3A_67 = vector.shape_cast %get3A_66 : vector<16xi32> to vector<16xi32>
      %mul3A_68 = arith.constant 4 : i32
      %mul3A_69 = vector.broadcast %mul3A_68 : i32 to vector<16xi32>
      %mul3A_70 = arith.muli %get3A_67, %mul3A_69 : vector<16xi32>
      %add3A_71 = vector.broadcast %add3A_15 : i32 to vector<16xi32>
      %add3A_72 = arith.addi %mul3A_70, %add3A_71 : vector<16xi32>
      %swap3A_73 = arith.constant 16 : index
      %swap3A_74 = tpu.vector_load %arg12[%swap3A_73] {strides = array<i32>} : memref<128xi32, #tpu.memory_space<vmem>>, vector<16xi32>,
      %swap3A_75 = vector.shape_cast %swap3A_74 : vector<16xi32> to vector<16xi32>
      %swap3A_76 = vector.shape_cast %add3A_72 : vector<16xi32> to vector<16xi32>
      tpu.vector_store %arg12[%swap3A_73], %swap3A_76 {strides = array<i32>} : memref<128xi32, #tpu.memory_space<vmem>>, vector<16xi32>,
      %get3A_77 = arith.constant 32 : index
      %get3A_78 = tpu.vector_load %arg10[%get3A_77] {strides = array<i32>} : memref<128xi32, #tpu.memory_space<vmem>>, vector<16xi32>,
      %get3A_79 = vector.shape_cast %get3A_78 : vector<16xi32> to vector<16xi32>
      %mul3A_80 = arith.constant 4 : i32
      %mul3A_81 = vector.broadcast %mul3A_80 : i32 to vector<16xi32>
      %mul3A_82 = arith.muli %get3A_79, %mul3A_81 : vector<16xi32>
      %add3A_83 = vector.broadcast %add3A_15 : i32 to vector<16xi32>
      %add3A_84 = arith.addi %mul3A_82, %add3A_83 : vector<16xi32>
      %swap3A_85 = arith.constant 32 : index
      %swap3A_86 = tpu.vector_load %arg12[%swap3A_85] {strides = array<i32>} : memref<128xi32, #tpu.memory_space<vmem>>, vector<16xi32>,
      %swap3A_87 = vector.shape_cast %swap3A_86 : vector<16xi32> to vector<16xi32>
      %swap3A_88 = vector.shape_cast %add3A_84 : vector<16xi32> to vector<16xi32>
      tpu.vector_store %arg12[%swap3A_85], %swap3A_88 {strides = array<i32>} : memref<128xi32, #tpu.memory_space<vmem>>, vector<16xi32>,
      %get3A_89 = arith.constant 48 : index
      %get3A_90 = tpu.vector_load %arg10[%get3A_89] {strides = array<i32>} : memref<128xi32, #tpu.memory_space<vmem>>, vector<16xi32>,
      %get3A_91 = vector.shape_cast %get3A_90 : vector<16xi32> to vector<16xi32>
      %mul3A_92 = arith.constant 4 : i32
      %mul3A_93 = vector.broadcast %mul3A_92 : i32 to vector<16xi32>
      %mul3A_94 = arith.muli %get3A_91, %mul3A_93 : vector<16xi32>
      %add3A_95 = vector.broadcast %add3A_15 : i32 to vector<16xi32>
      %add3A_96 = arith.addi %mul3A_94, %add3A_95 : vector<16xi32>
      %swap3A_97 = arith.constant 48 : index
      %swap3A_98 = tpu.vector_load %arg12[%swap3A_97] {strides = array<i32>} : memref<128xi32, #tpu.memory_space<vmem>>, vector<16xi32>,
      %swap3A_99 = vector.shape_cast %swap3A_98 : vector<16xi32> to vector<16xi32>
      %swap3A_100 = vector.shape_cast %add3A_96 : vector<16xi32> to vector<16xi32>
      tpu.vector_store %arg12[%swap3A_97], %swap3A_100 {strides = array<i32>} : memref<128xi32, #tpu.memory_space<vmem>>, vector<16xi32>,
      %get3A_101 = arith.constant 64 : index
      %get3A_102 = tpu.vector_load %arg10[%get3A_101] {strides = array<i32>} : memref<128xi32, #tpu.memory_space<vmem>>, vector<16xi32>,
      %get3A_103 = vector.shape_cast %get3A_102 : vector<16xi32> to vector<16xi32>
      %mul3A_104 = arith.constant 4 : i32
      %mul3A_105 = vector.broadcast %mul3A_104 : i32 to vector<16xi32>
      %mul3A_106 = arith.muli %get3A_103, %mul3A_105 : vector<16xi32>
      %add3A_107 = vector.broadcast %add3A_15 : i32 to vector<16xi32>
      %add3A_108 = arith.addi %mul3A_106, %add3A_107 : vector<16xi32>
      %swap3A_109 = arith.constant 64 : index
      %swap3A_110 = tpu.vector_load %arg12[%swap3A_109] {strides = array<i32>} : memref<128xi32, #tpu.memory_space<vmem>>, vector<16xi32>,
      %swap3A_111 = vector.shape_cast %swap3A_110 : vector<16xi32> to vector<16xi32>
      %swap3A_112 = vector.shape_cast %add3A_108 : vector<16xi32> to vector<16xi32>
      tpu.vector_store %arg12[%swap3A_109], %swap3A_112 {strides = array<i32>} : memref<128xi32, #tpu.memory_space<vmem>>, vector<16xi32>,
      %get3A_113 = arith.constant 80 : index
      %get3A_114 = tpu.vector_load %arg10[%get3A_113] {strides = array<i32>} : memref<128xi32, #tpu.memory_space<vmem>>, vector<16xi32>,
      %get3A_115 = vector.shape_cast %get3A_114 : vector<16xi32> to vector<16xi32>
      %mul3A_116 = arith.constant 4 : i32
      %mul3A_117 = vector.broadcast %mul3A_116 : i32 to vector<16xi32>
      %mul3A_118 = arith.muli %get3A_115, %mul3A_117 : vector<16xi32>
      %add3A_119 = vector.broadcast %add3A_15 : i32 to vector<16xi32>
      %add3A_120 = arith.addi %mul3A_118, %add3A_119 : vector<16xi32>
      %swap3A_121 = arith.constant 80 : index
      %swap3A_122 = tpu.vector_load %arg12[%swap3A_121] {strides = array<i32>} : memref<128xi32, #tpu.memory_space<vmem>>, vector<16xi32>,
      %swap3A_123 = vector.shape_cast %swap3A_122 : vector<16xi32> to vector<16xi32>
      %swap3A_124 = vector.shape_cast %add3A_120 : vector<16xi32> to vector<16xi32>
      tpu.vector_store %arg12[%swap3A_121], %swap3A_124 {strides = array<i32>} : memref<128xi32, #tpu.memory_space<vmem>>, vector<16xi32>,
      %get3A_125 = arith.constant 96 : index
      %get3A_126 = tpu.vector_load %arg10[%get3A_125] {strides = array<i32>} : memref<128xi32, #tpu.memory_space<vmem>>, vector<16xi32>,
      %get3A_127 = vector.shape_cast %get3A_126 : vector<16xi32> to vector<16xi32>
      %mul3A_128 = arith.constant 4 : i32
      %mul3A_129 = vector.broadcast %mul3A_128 : i32 to vector<16xi32>
      %mul3A_130 = arith.muli %get3A_127, %mul3A_129 : vector<16xi32>
      %add3A_131 = vector.broadcast %add3A_15 : i32 to vector<16xi32>
      %add3A_132 = arith.addi %mul3A_130, %add3A_131 : vector<16xi32>
      %swap3A_133 = arith.constant 96 : index
      %swap3A_134 = tpu.vector_load %arg12[%swap3A_133] {strides = array<i32>} : memref<128xi32, #tpu.memory_space<vmem>>, vector<16xi32>,
      %swap3A_135 = vector.shape_cast %swap3A_134 : vector<16xi32> to vector<16xi32>
      %swap3A_136 = vector.shape_cast %add3A_132 : vector<16xi32> to vector<16xi32>
      tpu.vector_store %arg12[%swap3A_133], %swap3A_136 {strides = array<i32>} : memref<128xi32, #tpu.memory_space<vmem>>, vector<16xi32>,
      %get3A_137 = arith.constant 112 : index
      %get3A_138 = tpu.vector_load %arg10[%get3A_137] {strides = array<i32>} : memref<128xi32, #tpu.memory_space<vmem>>, vector<16xi32>,
      %get3A_139 = vector.shape_cast %get3A_138 : vector<16xi32> to vector<16xi32>
      %mul3A_140 = arith.constant 4 : i32
      %mul3A_141 = vector.broadcast %mul3A_140 : i32 to vector<16xi32>
      %mul3A_142 = arith.muli %get3A_139, %mul3A_141 : vector<16xi32>
      %add3A_143 = vector.broadcast %add3A_15 : i32 to vector<16xi32>
      %add3A_144 = arith.addi %mul3A_142, %add3A_143 : vector<16xi32>
      %swap3A_145 = arith.constant 112 : index
      %swap3A_146 = tpu.vector_load %arg12[%swap3A_145] {strides = array<i32>} : memref<128xi32, #tpu.memory_space<vmem>>, vector<16xi32>,
      %swap3A_147 = vector.shape_cast %swap3A_146 : vector<16xi32> to vector<16xi32>
      %swap3A_148 = vector.shape_cast %add3A_144 : vector<16xi32> to vector<16xi32>
      tpu.vector_store %arg12[%swap3A_145], %swap3A_148 {strides = array<i32>} : memref<128xi32, #tpu.memory_space<vmem>>, vector<16xi32>,
      %dma_start3A = arith.constant 0 : i32
      %dma_start3A_149 = arith.constant 0 : i32
      %dma_start3A_150 = tpu.memref_slice %arg2[%dma_start3A, %dma_start3A_149] : memref<65536x128xf32, #tpu.memory_space<hbm>> -> memref<65536x128xf32, #tpu.memory_space<hbm>>
      tpu.enqueue_indirect_dma source(%dma_start3A_150 : memref<65536x128xf32, #tpu.memory_space<hbm>>) target(%arg8 : memref<128x128xf32, #tpu.memory_space<vmem>>) offsets(%arg12 : memref<128xi32, #tpu.memory_space<vmem>>) semaphore(%arg13 : memref<!tpu.dma_semaphore, #tpu.memory_space<semaphore_mem>>)
      %dma_wait3A = arith.constant 0 : i32
      %dma_wait3A_151 = arith.constant 0 : i32
      %dma_wait3A_152 = tpu.memref_slice %arg2[%dma_wait3A, %dma_wait3A_151] : memref<65536x128xf32, #tpu.memory_space<hbm>> -> memref<65536x128xf32, #tpu.memory_space<hbm>>
      tpu.wait_indirect_dma semaphore(%arg13 : memref<!tpu.dma_semaphore, #tpu.memory_space<semaphore_mem>>) src(%dma_wait3A_152 : memref<65536x128xf32, #tpu.memory_space<hbm>>) dst(%arg8 : memref<128x128xf32, #tpu.memory_space<vmem>>)
      "tpu.region"() ({
        %run_scoped3A = tpu.sem_alloc : memref<!tpu.dma_semaphore, #tpu.memory_space<semaphore_mem>>
        %dma_start3A_164 = arith.constant 0 : i32
        %dma_start3A_165 = arith.constant 0 : i32
        %dma_start3A_166 = tpu.memref_slice %arg7[%dma_start3A_164, %dma_start3A_165] : memref<4096x128xf32, #tpu.memory_space<vmem_shared>> -> memref<4096x128xf32, #tpu.memory_space<vmem_shared>>
        tpu.enqueue_indirect_dma source(%arg8 : memref<128x128xf32, #tpu.memory_space<vmem>>) target(%dma_start3A_166 : memref<4096x128xf32, #tpu.memory_space<vmem_shared>>) offsets(%arg11 : memref<128xi32, #tpu.memory_space<vmem>>) semaphore(%run_scoped3A : memref<!tpu.dma_semaphore, #tpu.memory_space<semaphore_mem>>) {add = true}
        %dma_wait3A_167 = arith.constant 0 : i32
        %dma_wait3A_168 = arith.constant 0 : i32
        %dma_wait3A_169 = tpu.memref_slice %arg7[%dma_wait3A_167, %dma_wait3A_168] : memref<4096x128xf32, #tpu.memory_space<vmem_shared>> -> memref<4096x128xf32, #tpu.memory_space<vmem_shared>>
        tpu.wait_indirect_dma semaphore(%run_scoped3A : memref<!tpu.dma_semaphore, #tpu.memory_space<semaphore_mem>>) src(%arg8 : memref<128x128xf32, #tpu.memory_space<vmem>>) dst(%dma_wait3A_169 : memref<4096x128xf32, #tpu.memory_space<vmem_shared>>)
        tpu.yield
      }) : () -> ()
      %jit3A = arith.constant 2 : i32
      %eq3A = arith.constant 0 : i32
      %eq3A_153 = arith.cmpi eq, %jit3A, %eq3A : i32
      %jit3A_154 = arith.constant 1 : i32
      %select_n3A = arith.select %eq3A_153, %jit3A_154, %jit3A : i32
      %rem3A = arith.remsi %scan3A_49, %select_n3A : i32
      %ne3A = arith.constant 0 : i32
      %ne3A_155 = arith.cmpi ne, %rem3A, %ne3A : i32
      %lt3A = arith.constant 0 : i32
      %lt3A_156 = arith.cmpi slt, %rem3A, %lt3A : i32
      %lt3A_157 = arith.constant 0 : i32
      %lt3A_158 = arith.cmpi slt, %select_n3A, %lt3A_157 : i32
      %ne3A_159 = arith.xori %lt3A_156, %lt3A_158 : i1
      %and3A = arith.andi %ne3A_159, %ne3A_155 : i1
      %add3A_160 = arith.addi %rem3A, %select_n3A : i32
      %select_n3A_161 = arith.select %and3A, %add3A_160, %rem3A : i32
      %eq3A_162 = arith.cmpi eq, %select_n3A_161, %arg0 : i32
      %convert_element_type3A = arith.extui %eq3A_162 : i1 to i32
      %cond3A = arith.constant 0 : i32
      %cond3A_163 = arith.cmpi ne, %convert_element_type3A, %cond3A : i32
      scf.if %cond3A_163 {
        %scan3A_164 = arith.constant 0 : i32
        %scan3A_165 = arith.constant 0 : i32
        %scan3A_166 = arith.constant 8 : i32
        %scan3A_167 = arith.addi %scan3A_165, %scan3A_166 : i32
        %scan3A_168 = arith.constant 1 : i32
        scf.for %scan3A_170 = %scan3A_165 to %scan3A_167 step %scan3A_168  : i32 {
          %mul3A_171 = arith.constant 16 : i32
          %mul3A_172 = arith.muli %scan3A_170, %mul3A_171 : i32
          %get3A_173 = arith.index_cast %mul3A_172 : i32 to index
          %get3A_174 = tpu.vector_load %arg11[%get3A_173] {strides = array<i32>} : memref<128xi32, #tpu.memory_space<vmem>>, vector<16xi32>,
          %get3A_175 = vector.shape_cast %get3A_174 : vector<16xi32> to vector<16xi32>
          %slice3A = vector.extract_strided_slice %get3A_175 {offsets = [0], sizes = [1], strides = [1]} : vector<16xi32> to vector<1xi32>
          %squeeze3A = vector.extract %slice3A[0] : i32 from vector<1xi32>
          %shift_right_arithmetic3A = arith.constant 4 : i32
          %shift_right_arithmetic3A_176 = arith.shrsi %squeeze3A, %shift_right_arithmetic3A : i32
          %and3A_177 = arith.constant 15 : i32
          %and3A_178 = arith.andi %squeeze3A, %and3A_177 : i32
          %eq3A_179 = vector.broadcast %and3A_178 : i32 to vector<16xi32>
          %eq3A_180 = arith.cmpi eq, %iota3A, %eq3A_179 : vector<16xi32>
          %jit3A_181 = arith.constant 1.000000e+00 : f32
          %jit3A_182 = arith.constant 0.000000e+00 : f32
          %broadcast_in_dim3A_183 = vector.broadcast %jit3A_181 : f32 to vector<16xf32>
          %broadcast_in_dim3A_184 = vector.broadcast %jit3A_182 : f32 to vector<16xf32>
          %select_n3A_185 = arith.select %eq3A_180, %broadcast_in_dim3A_183, %broadcast_in_dim3A_184 : vector<16xi1>, vector<16xf32>
          %get3A_186 = arith.index_cast %shift_right_arithmetic3A_176 : i32 to index
          %get3A_187 = arith.constant 0 : index
          %get3A_188 = tpu.vector_load %arg9[%get3A_186, %get3A_187] {strides = array<i32>} : memref<256x16xf32, #tpu.memory_space<vmem>>, vector<1x16xf32>,
          %get3A_189 = vector.shape_cast %get3A_188 : vector<1x16xf32> to vector<16xf32>
          %add3A_190 = arith.addf %get3A_189, %select_n3A_185 : vector<16xf32>
          %swap3A_191 = arith.index_cast %shift_right_arithmetic3A_176 : i32 to index
          %swap3A_192 = arith.constant 0 : index
          %swap3A_193 = tpu.vector_load %arg9[%swap3A_191, %swap3A_192] {strides = array<i32>} : memref<256x16xf32, #tpu.memory_space<vmem>>, vector<1x16xf32>,
          %swap3A_194 = vector.shape_cast %swap3A_193 : vector<1x16xf32> to vector<16xf32>
          %swap3A_195 = vector.shape_cast %add3A_190 : vector<16xf32> to vector<1x16xf32>
          tpu.vector_store %arg9[%swap3A_191, %swap3A_192], %swap3A_195 {strides = array<i32>} : memref<256x16xf32, #tpu.memory_space<vmem>>, vector<1x16xf32>,
          %slice3A_196 = vector.extract_strided_slice %get3A_175 {offsets = [1], sizes = [1], strides = [1]} : vector<16xi32> to vector<1xi32>
          %squeeze3A_197 = vector.extract %slice3A_196[0] : i32 from vector<1xi32>
          %shift_right_arithmetic3A_198 = arith.constant 4 : i32
          %shift_right_arithmetic3A_199 = arith.shrsi %squeeze3A_197, %shift_right_arithmetic3A_198 : i32
          %and3A_200 = arith.constant 15 : i32
          %and3A_201 = arith.andi %squeeze3A_197, %and3A_200 : i32
          %eq3A_202 = vector.broadcast %and3A_201 : i32 to vector<16xi32>
          %eq3A_203 = arith.cmpi eq, %iota3A, %eq3A_202 : vector<16xi32>
          %jit3A_204 = arith.constant 1.000000e+00 : f32
          %jit3A_205 = arith.constant 0.000000e+00 : f32
          %broadcast_in_dim3A_206 = vector.broadcast %jit3A_204 : f32 to vector<16xf32>
          %broadcast_in_dim3A_207 = vector.broadcast %jit3A_205 : f32 to vector<16xf32>
          %select_n3A_208 = arith.select %eq3A_203, %broadcast_in_dim3A_206, %broadcast_in_dim3A_207 : vector<16xi1>, vector<16xf32>
          %get3A_209 = arith.index_cast %shift_right_arithmetic3A_199 : i32 to index
          %get3A_210 = arith.constant 0 : index
          %get3A_211 = tpu.vector_load %arg9[%get3A_209, %get3A_210] {strides = array<i32>} : memref<256x16xf32, #tpu.memory_space<vmem>>, vector<1x16xf32>,
          %get3A_212 = vector.shape_cast %get3A_211 : vector<1x16xf32> to vector<16xf32>
          %add3A_213 = arith.addf %get3A_212, %select_n3A_208 : vector<16xf32>
          %swap3A_214 = arith.index_cast %shift_right_arithmetic3A_199 : i32 to index
          %swap3A_215 = arith.constant 0 : index
          %swap3A_216 = tpu.vector_load %arg9[%swap3A_214, %swap3A_215] {strides = array<i32>} : memref<256x16xf32, #tpu.memory_space<vmem>>, vector<1x16xf32>,
          %swap3A_217 = vector.shape_cast %swap3A_216 : vector<1x16xf32> to vector<16xf32>
          %swap3A_218 = vector.shape_cast %add3A_213 : vector<16xf32> to vector<1x16xf32>
          tpu.vector_store %arg9[%swap3A_214, %swap3A_215], %swap3A_218 {strides = array<i32>} : memref<256x16xf32, #tpu.memory_space<vmem>>, vector<1x16xf32>,
          %slice3A_219 = vector.extract_strided_slice %get3A_175 {offsets = [2], sizes = [1], strides = [1]} : vector<16xi32> to vector<1xi32>
          %squeeze3A_220 = vector.extract %slice3A_219[0] : i32 from vector<1xi32>
          %shift_right_arithmetic3A_221 = arith.constant 4 : i32
          %shift_right_arithmetic3A_222 = arith.shrsi %squeeze3A_220, %shift_right_arithmetic3A_221 : i32
          %and3A_223 = arith.constant 15 : i32
          %and3A_224 = arith.andi %squeeze3A_220, %and3A_223 : i32
          %eq3A_225 = vector.broadcast %and3A_224 : i32 to vector<16xi32>
          %eq3A_226 = arith.cmpi eq, %iota3A, %eq3A_225 : vector<16xi32>
          %jit3A_227 = arith.constant 1.000000e+00 : f32
          %jit3A_228 = arith.constant 0.000000e+00 : f32
          %broadcast_in_dim3A_229 = vector.broadcast %jit3A_227 : f32 to vector<16xf32>
          %broadcast_in_dim3A_230 = vector.broadcast %jit3A_228 : f32 to vector<16xf32>
          %select_n3A_231 = arith.select %eq3A_226, %broadcast_in_dim3A_229, %broadcast_in_dim3A_230 : vector<16xi1>, vector<16xf32>
          %get3A_232 = arith.index_cast %shift_right_arithmetic3A_222 : i32 to index
          %get3A_233 = arith.constant 0 : index
          %get3A_234 = tpu.vector_load %arg9[%get3A_232, %get3A_233] {strides = array<i32>} : memref<256x16xf32, #tpu.memory_space<vmem>>, vector<1x16xf32>,
          %get3A_235 = vector.shape_cast %get3A_234 : vector<1x16xf32> to vector<16xf32>
          %add3A_236 = arith.addf %get3A_235, %select_n3A_231 : vector<16xf32>
          %swap3A_237 = arith.index_cast %shift_right_arithmetic3A_222 : i32 to index
          %swap3A_238 = arith.constant 0 : index
          %swap3A_239 = tpu.vector_load %arg9[%swap3A_237, %swap3A_238] {strides = array<i32>} : memref<256x16xf32, #tpu.memory_space<vmem>>, vector<1x16xf32>,
          %swap3A_240 = vector.shape_cast %swap3A_239 : vector<1x16xf32> to vector<16xf32>
          %swap3A_241 = vector.shape_cast %add3A_236 : vector<16xf32> to vector<1x16xf32>
          tpu.vector_store %arg9[%swap3A_237, %swap3A_238], %swap3A_241 {strides = array<i32>} : memref<256x16xf32, #tpu.memory_space<vmem>>, vector<1x16xf32>,
          %slice3A_242 = vector.extract_strided_slice %get3A_175 {offsets = [3], sizes = [1], strides = [1]} : vector<16xi32> to vector<1xi32>
          %squeeze3A_243 = vector.extract %slice3A_242[0] : i32 from vector<1xi32>
          %shift_right_arithmetic3A_244 = arith.constant 4 : i32
          %shift_right_arithmetic3A_245 = arith.shrsi %squeeze3A_243, %shift_right_arithmetic3A_244 : i32
          %and3A_246 = arith.constant 15 : i32
          %and3A_247 = arith.andi %squeeze3A_243, %and3A_246 : i32
          %eq3A_248 = vector.broadcast %and3A_247 : i32 to vector<16xi32>
          %eq3A_249 = arith.cmpi eq, %iota3A, %eq3A_248 : vector<16xi32>
          %jit3A_250 = arith.constant 1.000000e+00 : f32
          %jit3A_251 = arith.constant 0.000000e+00 : f32
          %broadcast_in_dim3A_252 = vector.broadcast %jit3A_250 : f32 to vector<16xf32>
          %broadcast_in_dim3A_253 = vector.broadcast %jit3A_251 : f32 to vector<16xf32>
          %select_n3A_254 = arith.select %eq3A_249, %broadcast_in_dim3A_252, %broadcast_in_dim3A_253 : vector<16xi1>, vector<16xf32>
          %get3A_255 = arith.index_cast %shift_right_arithmetic3A_245 : i32 to index
          %get3A_256 = arith.constant 0 : index
          %get3A_257 = tpu.vector_load %arg9[%get3A_255, %get3A_256] {strides = array<i32>} : memref<256x16xf32, #tpu.memory_space<vmem>>, vector<1x16xf32>,
          %get3A_258 = vector.shape_cast %get3A_257 : vector<1x16xf32> to vector<16xf32>
          %add3A_259 = arith.addf %get3A_258, %select_n3A_254 : vector<16xf32>
          %swap3A_260 = arith.index_cast %shift_right_arithmetic3A_245 : i32 to index
          %swap3A_261 = arith.constant 0 : index
          %swap3A_262 = tpu.vector_load %arg9[%swap3A_260, %swap3A_261] {strides = array<i32>} : memref<256x16xf32, #tpu.memory_space<vmem>>, vector<1x16xf32>,
          %swap3A_263 = vector.shape_cast %swap3A_262 : vector<1x16xf32> to vector<16xf32>
          %swap3A_264 = vector.shape_cast %add3A_259 : vector<16xf32> to vector<1x16xf32>
          tpu.vector_store %arg9[%swap3A_260, %swap3A_261], %swap3A_264 {strides = array<i32>} : memref<256x16xf32, #tpu.memory_space<vmem>>, vector<1x16xf32>,
          %slice3A_265 = vector.extract_strided_slice %get3A_175 {offsets = [4], sizes = [1], strides = [1]} : vector<16xi32> to vector<1xi32>
          %squeeze3A_266 = vector.extract %slice3A_265[0] : i32 from vector<1xi32>
          %shift_right_arithmetic3A_267 = arith.constant 4 : i32
          %shift_right_arithmetic3A_268 = arith.shrsi %squeeze3A_266, %shift_right_arithmetic3A_267 : i32
          %and3A_269 = arith.constant 15 : i32
          %and3A_270 = arith.andi %squeeze3A_266, %and3A_269 : i32
          %eq3A_271 = vector.broadcast %and3A_270 : i32 to vector<16xi32>
          %eq3A_272 = arith.cmpi eq, %iota3A, %eq3A_271 : vector<16xi32>
          %jit3A_273 = arith.constant 1.000000e+00 : f32
          %jit3A_274 = arith.constant 0.000000e+00 : f32
          %broadcast_in_dim3A_275 = vector.broadcast %jit3A_273 : f32 to vector<16xf32>
          %broadcast_in_dim3A_276 = vector.broadcast %jit3A_274 : f32 to vector<16xf32>
          %select_n3A_277 = arith.select %eq3A_272, %broadcast_in_dim3A_275, %broadcast_in_dim3A_276 : vector<16xi1>, vector<16xf32>
          %get3A_278 = arith.index_cast %shift_right_arithmetic3A_268 : i32 to index
          %get3A_279 = arith.constant 0 : index
          %get3A_280 = tpu.vector_load %arg9[%get3A_278, %get3A_279] {strides = array<i32>} : memref<256x16xf32, #tpu.memory_space<vmem>>, vector<1x16xf32>,
          %get3A_281 = vector.shape_cast %get3A_280 : vector<1x16xf32> to vector<16xf32>
          %add3A_282 = arith.addf %get3A_281, %select_n3A_277 : vector<16xf32>
          %swap3A_283 = arith.index_cast %shift_right_arithmetic3A_268 : i32 to index
          %swap3A_284 = arith.constant 0 : index
          %swap3A_285 = tpu.vector_load %arg9[%swap3A_283, %swap3A_284] {strides = array<i32>} : memref<256x16xf32, #tpu.memory_space<vmem>>, vector<1x16xf32>,
          %swap3A_286 = vector.shape_cast %swap3A_285 : vector<1x16xf32> to vector<16xf32>
          %swap3A_287 = vector.shape_cast %add3A_282 : vector<16xf32> to vector<1x16xf32>
          tpu.vector_store %arg9[%swap3A_283, %swap3A_284], %swap3A_287 {strides = array<i32>} : memref<256x16xf32, #tpu.memory_space<vmem>>, vector<1x16xf32>,
          %slice3A_288 = vector.extract_strided_slice %get3A_175 {offsets = [5], sizes = [1], strides = [1]} : vector<16xi32> to vector<1xi32>
          %squeeze3A_289 = vector.extract %slice3A_288[0] : i32 from vector<1xi32>
          %shift_right_arithmetic3A_290 = arith.constant 4 : i32
          %shift_right_arithmetic3A_291 = arith.shrsi %squeeze3A_289, %shift_right_arithmetic3A_290 : i32
          %and3A_292 = arith.constant 15 : i32
          %and3A_293 = arith.andi %squeeze3A_289, %and3A_292 : i32
          %eq3A_294 = vector.broadcast %and3A_293 : i32 to vector<16xi32>
          %eq3A_295 = arith.cmpi eq, %iota3A, %eq3A_294 : vector<16xi32>
          %jit3A_296 = arith.constant 1.000000e+00 : f32
          %jit3A_297 = arith.constant 0.000000e+00 : f32
          %broadcast_in_dim3A_298 = vector.broadcast %jit3A_296 : f32 to vector<16xf32>
          %broadcast_in_dim3A_299 = vector.broadcast %jit3A_297 : f32 to vector<16xf32>
          %select_n3A_300 = arith.select %eq3A_295, %broadcast_in_dim3A_298, %broadcast_in_dim3A_299 : vector<16xi1>, vector<16xf32>
          %get3A_301 = arith.index_cast %shift_right_arithmetic3A_291 : i32 to index
          %get3A_302 = arith.constant 0 : index
          %get3A_303 = tpu.vector_load %arg9[%get3A_301, %get3A_302] {strides = array<i32>} : memref<256x16xf32, #tpu.memory_space<vmem>>, vector<1x16xf32>,
          %get3A_304 = vector.shape_cast %get3A_303 : vector<1x16xf32> to vector<16xf32>
          %add3A_305 = arith.addf %get3A_304, %select_n3A_300 : vector<16xf32>
          %swap3A_306 = arith.index_cast %shift_right_arithmetic3A_291 : i32 to index
          %swap3A_307 = arith.constant 0 : index
          %swap3A_308 = tpu.vector_load %arg9[%swap3A_306, %swap3A_307] {strides = array<i32>} : memref<256x16xf32, #tpu.memory_space<vmem>>, vector<1x16xf32>,
          %swap3A_309 = vector.shape_cast %swap3A_308 : vector<1x16xf32> to vector<16xf32>
          %swap3A_310 = vector.shape_cast %add3A_305 : vector<16xf32> to vector<1x16xf32>
          tpu.vector_store %arg9[%swap3A_306, %swap3A_307], %swap3A_310 {strides = array<i32>} : memref<256x16xf32, #tpu.memory_space<vmem>>, vector<1x16xf32>,
          %slice3A_311 = vector.extract_strided_slice %get3A_175 {offsets = [6], sizes = [1], strides = [1]} : vector<16xi32> to vector<1xi32>
          %squeeze3A_312 = vector.extract %slice3A_311[0] : i32 from vector<1xi32>
          %shift_right_arithmetic3A_313 = arith.constant 4 : i32
          %shift_right_arithmetic3A_314 = arith.shrsi %squeeze3A_312, %shift_right_arithmetic3A_313 : i32
          %and3A_315 = arith.constant 15 : i32
          %and3A_316 = arith.andi %squeeze3A_312, %and3A_315 : i32
          %eq3A_317 = vector.broadcast %and3A_316 : i32 to vector<16xi32>
          %eq3A_318 = arith.cmpi eq, %iota3A, %eq3A_317 : vector<16xi32>
          %jit3A_319 = arith.constant 1.000000e+00 : f32
          %jit3A_320 = arith.constant 0.000000e+00 : f32
          %broadcast_in_dim3A_321 = vector.broadcast %jit3A_319 : f32 to vector<16xf32>
          %broadcast_in_dim3A_322 = vector.broadcast %jit3A_320 : f32 to vector<16xf32>
          %select_n3A_323 = arith.select %eq3A_318, %broadcast_in_dim3A_321, %broadcast_in_dim3A_322 : vector<16xi1>, vector<16xf32>
          %get3A_324 = arith.index_cast %shift_right_arithmetic3A_314 : i32 to index
          %get3A_325 = arith.constant 0 : index
          %get3A_326 = tpu.vector_load %arg9[%get3A_324, %get3A_325] {strides = array<i32>} : memref<256x16xf32, #tpu.memory_space<vmem>>, vector<1x16xf32>,
          %get3A_327 = vector.shape_cast %get3A_326 : vector<1x16xf32> to vector<16xf32>
          %add3A_328 = arith.addf %get3A_327, %select_n3A_323 : vector<16xf32>
          %swap3A_329 = arith.index_cast %shift_right_arithmetic3A_314 : i32 to index
          %swap3A_330 = arith.constant 0 : index
          %swap3A_331 = tpu.vector_load %arg9[%swap3A_329, %swap3A_330] {strides = array<i32>} : memref<256x16xf32, #tpu.memory_space<vmem>>, vector<1x16xf32>,
          %swap3A_332 = vector.shape_cast %swap3A_331 : vector<1x16xf32> to vector<16xf32>
          %swap3A_333 = vector.shape_cast %add3A_328 : vector<16xf32> to vector<1x16xf32>
          tpu.vector_store %arg9[%swap3A_329, %swap3A_330], %swap3A_333 {strides = array<i32>} : memref<256x16xf32, #tpu.memory_space<vmem>>, vector<1x16xf32>,
          %slice3A_334 = vector.extract_strided_slice %get3A_175 {offsets = [7], sizes = [1], strides = [1]} : vector<16xi32> to vector<1xi32>
          %squeeze3A_335 = vector.extract %slice3A_334[0] : i32 from vector<1xi32>
          %shift_right_arithmetic3A_336 = arith.constant 4 : i32
          %shift_right_arithmetic3A_337 = arith.shrsi %squeeze3A_335, %shift_right_arithmetic3A_336 : i32
          %and3A_338 = arith.constant 15 : i32
          %and3A_339 = arith.andi %squeeze3A_335, %and3A_338 : i32
          %eq3A_340 = vector.broadcast %and3A_339 : i32 to vector<16xi32>
          %eq3A_341 = arith.cmpi eq, %iota3A, %eq3A_340 : vector<16xi32>
          %jit3A_342 = arith.constant 1.000000e+00 : f32
          %jit3A_343 = arith.constant 0.000000e+00 : f32
          %broadcast_in_dim3A_344 = vector.broadcast %jit3A_342 : f32 to vector<16xf32>
          %broadcast_in_dim3A_345 = vector.broadcast %jit3A_343 : f32 to vector<16xf32>
          %select_n3A_346 = arith.select %eq3A_341, %broadcast_in_dim3A_344, %broadcast_in_dim3A_345 : vector<16xi1>, vector<16xf32>
          %get3A_347 = arith.index_cast %shift_right_arithmetic3A_337 : i32 to index
          %get3A_348 = arith.constant 0 : index
          %get3A_349 = tpu.vector_load %arg9[%get3A_347, %get3A_348] {strides = array<i32>} : memref<256x16xf32, #tpu.memory_space<vmem>>, vector<1x16xf32>,
          %get3A_350 = vector.shape_cast %get3A_349 : vector<1x16xf32> to vector<16xf32>
          %add3A_351 = arith.addf %get3A_350, %select_n3A_346 : vector<16xf32>
          %swap3A_352 = arith.index_cast %shift_right_arithmetic3A_337 : i32 to index
          %swap3A_353 = arith.constant 0 : index
          %swap3A_354 = tpu.vector_load %arg9[%swap3A_352, %swap3A_353] {strides = array<i32>} : memref<256x16xf32, #tpu.memory_space<vmem>>, vector<1x16xf32>,
          %swap3A_355 = vector.shape_cast %swap3A_354 : vector<1x16xf32> to vector<16xf32>
          %swap3A_356 = vector.shape_cast %add3A_351 : vector<16xf32> to vector<1x16xf32>
          tpu.vector_store %arg9[%swap3A_352, %swap3A_353], %swap3A_356 {strides = array<i32>} : memref<256x16xf32, #tpu.memory_space<vmem>>, vector<1x16xf32>,
          %slice3A_357 = vector.extract_strided_slice %get3A_175 {offsets = [8], sizes = [1], strides = [1]} : vector<16xi32> to vector<1xi32>
          %squeeze3A_358 = vector.extract %slice3A_357[0] : i32 from vector<1xi32>
          %shift_right_arithmetic3A_359 = arith.constant 4 : i32
          %shift_right_arithmetic3A_360 = arith.shrsi %squeeze3A_358, %shift_right_arithmetic3A_359 : i32
          %and3A_361 = arith.constant 15 : i32
          %and3A_362 = arith.andi %squeeze3A_358, %and3A_361 : i32
          %eq3A_363 = vector.broadcast %and3A_362 : i32 to vector<16xi32>
          %eq3A_364 = arith.cmpi eq, %iota3A, %eq3A_363 : vector<16xi32>
          %jit3A_365 = arith.constant 1.000000e+00 : f32
          %jit3A_366 = arith.constant 0.000000e+00 : f32
          %broadcast_in_dim3A_367 = vector.broadcast %jit3A_365 : f32 to vector<16xf32>
          %broadcast_in_dim3A_368 = vector.broadcast %jit3A_366 : f32 to vector<16xf32>
          %select_n3A_369 = arith.select %eq3A_364, %broadcast_in_dim3A_367, %broadcast_in_dim3A_368 : vector<16xi1>, vector<16xf32>
          %get3A_370 = arith.index_cast %shift_right_arithmetic3A_360 : i32 to index
          %get3A_371 = arith.constant 0 : index
          %get3A_372 = tpu.vector_load %arg9[%get3A_370, %get3A_371] {strides = array<i32>} : memref<256x16xf32, #tpu.memory_space<vmem>>, vector<1x16xf32>,
          %get3A_373 = vector.shape_cast %get3A_372 : vector<1x16xf32> to vector<16xf32>
          %add3A_374 = arith.addf %get3A_373, %select_n3A_369 : vector<16xf32>
          %swap3A_375 = arith.index_cast %shift_right_arithmetic3A_360 : i32 to index
          %swap3A_376 = arith.constant 0 : index
          %swap3A_377 = tpu.vector_load %arg9[%swap3A_375, %swap3A_376] {strides = array<i32>} : memref<256x16xf32, #tpu.memory_space<vmem>>, vector<1x16xf32>,
          %swap3A_378 = vector.shape_cast %swap3A_377 : vector<1x16xf32> to vector<16xf32>
          %swap3A_379 = vector.shape_cast %add3A_374 : vector<16xf32> to vector<1x16xf32>
          tpu.vector_store %arg9[%swap3A_375, %swap3A_376], %swap3A_379 {strides = array<i32>} : memref<256x16xf32, #tpu.memory_space<vmem>>, vector<1x16xf32>,
          %slice3A_380 = vector.extract_strided_slice %get3A_175 {offsets = [9], sizes = [1], strides = [1]} : vector<16xi32> to vector<1xi32>
          %squeeze3A_381 = vector.extract %slice3A_380[0] : i32 from vector<1xi32>
          %shift_right_arithmetic3A_382 = arith.constant 4 : i32
          %shift_right_arithmetic3A_383 = arith.shrsi %squeeze3A_381, %shift_right_arithmetic3A_382 : i32
          %and3A_384 = arith.constant 15 : i32
          %and3A_385 = arith.andi %squeeze3A_381, %and3A_384 : i32
          %eq3A_386 = vector.broadcast %and3A_385 : i32 to vector<16xi32>
          %eq3A_387 = arith.cmpi eq, %iota3A, %eq3A_386 : vector<16xi32>
          %jit3A_388 = arith.constant 1.000000e+00 : f32
          %jit3A_389 = arith.constant 0.000000e+00 : f32
          %broadcast_in_dim3A_390 = vector.broadcast %jit3A_388 : f32 to vector<16xf32>
          %broadcast_in_dim3A_391 = vector.broadcast %jit3A_389 : f32 to vector<16xf32>
          %select_n3A_392 = arith.select %eq3A_387, %broadcast_in_dim3A_390, %broadcast_in_dim3A_391 : vector<16xi1>, vector<16xf32>
          %get3A_393 = arith.index_cast %shift_right_arithmetic3A_383 : i32 to index
          %get3A_394 = arith.constant 0 : index
          %get3A_395 = tpu.vector_load %arg9[%get3A_393, %get3A_394] {strides = array<i32>} : memref<256x16xf32, #tpu.memory_space<vmem>>, vector<1x16xf32>,
          %get3A_396 = vector.shape_cast %get3A_395 : vector<1x16xf32> to vector<16xf32>
          %add3A_397 = arith.addf %get3A_396, %select_n3A_392 : vector<16xf32>
          %swap3A_398 = arith.index_cast %shift_right_arithmetic3A_383 : i32 to index
          %swap3A_399 = arith.constant 0 : index
          %swap3A_400 = tpu.vector_load %arg9[%swap3A_398, %swap3A_399] {strides = array<i32>} : memref<256x16xf32, #tpu.memory_space<vmem>>, vector<1x16xf32>,
          %swap3A_401 = vector.shape_cast %swap3A_400 : vector<1x16xf32> to vector<16xf32>
          %swap3A_402 = vector.shape_cast %add3A_397 : vector<16xf32> to vector<1x16xf32>
          tpu.vector_store %arg9[%swap3A_398, %swap3A_399], %swap3A_402 {strides = array<i32>} : memref<256x16xf32, #tpu.memory_space<vmem>>, vector<1x16xf32>,
          %slice3A_403 = vector.extract_strided_slice %get3A_175 {offsets = [10], sizes = [1], strides = [1]} : vector<16xi32> to vector<1xi32>
          %squeeze3A_404 = vector.extract %slice3A_403[0] : i32 from vector<1xi32>
          %shift_right_arithmetic3A_405 = arith.constant 4 : i32
          %shift_right_arithmetic3A_406 = arith.shrsi %squeeze3A_404, %shift_right_arithmetic3A_405 : i32
          %and3A_407 = arith.constant 15 : i32
          %and3A_408 = arith.andi %squeeze3A_404, %and3A_407 : i32
          %eq3A_409 = vector.broadcast %and3A_408 : i32 to vector<16xi32>
          %eq3A_410 = arith.cmpi eq, %iota3A, %eq3A_409 : vector<16xi32>
          %jit3A_411 = arith.constant 1.000000e+00 : f32
          %jit3A_412 = arith.constant 0.000000e+00 : f32
          %broadcast_in_dim3A_413 = vector.broadcast %jit3A_411 : f32 to vector<16xf32>
          %broadcast_in_dim3A_414 = vector.broadcast %jit3A_412 : f32 to vector<16xf32>
          %select_n3A_415 = arith.select %eq3A_410, %broadcast_in_dim3A_413, %broadcast_in_dim3A_414 : vector<16xi1>, vector<16xf32>
          %get3A_416 = arith.index_cast %shift_right_arithmetic3A_406 : i32 to index
          %get3A_417 = arith.constant 0 : index
          %get3A_418 = tpu.vector_load %arg9[%get3A_416, %get3A_417] {strides = array<i32>} : memref<256x16xf32, #tpu.memory_space<vmem>>, vector<1x16xf32>,
          %get3A_419 = vector.shape_cast %get3A_418 : vector<1x16xf32> to vector<16xf32>
          %add3A_420 = arith.addf %get3A_419, %select_n3A_415 : vector<16xf32>
          %swap3A_421 = arith.index_cast %shift_right_arithmetic3A_406 : i32 to index
          %swap3A_422 = arith.constant 0 : index
          %swap3A_423 = tpu.vector_load %arg9[%swap3A_421, %swap3A_422] {strides = array<i32>} : memref<256x16xf32, #tpu.memory_space<vmem>>, vector<1x16xf32>,
          %swap3A_424 = vector.shape_cast %swap3A_423 : vector<1x16xf32> to vector<16xf32>
          %swap3A_425 = vector.shape_cast %add3A_420 : vector<16xf32> to vector<1x16xf32>
          tpu.vector_store %arg9[%swap3A_421, %swap3A_422], %swap3A_425 {strides = array<i32>} : memref<256x16xf32, #tpu.memory_space<vmem>>, vector<1x16xf32>,
          %slice3A_426 = vector.extract_strided_slice %get3A_175 {offsets = [11], sizes = [1], strides = [1]} : vector<16xi32> to vector<1xi32>
          %squeeze3A_427 = vector.extract %slice3A_426[0] : i32 from vector<1xi32>
          %shift_right_arithmetic3A_428 = arith.constant 4 : i32
          %shift_right_arithmetic3A_429 = arith.shrsi %squeeze3A_427, %shift_right_arithmetic3A_428 : i32
          %and3A_430 = arith.constant 15 : i32
          %and3A_431 = arith.andi %squeeze3A_427, %and3A_430 : i32
          %eq3A_432 = vector.broadcast %and3A_431 : i32 to vector<16xi32>
          %eq3A_433 = arith.cmpi eq, %iota3A, %eq3A_432 : vector<16xi32>
          %jit3A_434 = arith.constant 1.000000e+00 : f32
          %jit3A_435 = arith.constant 0.000000e+00 : f32
          %broadcast_in_dim3A_436 = vector.broadcast %jit3A_434 : f32 to vector<16xf32>
          %broadcast_in_dim3A_437 = vector.broadcast %jit3A_435 : f32 to vector<16xf32>
          %select_n3A_438 = arith.select %eq3A_433, %broadcast_in_dim3A_436, %broadcast_in_dim3A_437 : vector<16xi1>, vector<16xf32>
          %get3A_439 = arith.index_cast %shift_right_arithmetic3A_429 : i32 to index
          %get3A_440 = arith.constant 0 : index
          %get3A_441 = tpu.vector_load %arg9[%get3A_439, %get3A_440] {strides = array<i32>} : memref<256x16xf32, #tpu.memory_space<vmem>>, vector<1x16xf32>,
          %get3A_442 = vector.shape_cast %get3A_441 : vector<1x16xf32> to vector<16xf32>
          %add3A_443 = arith.addf %get3A_442, %select_n3A_438 : vector<16xf32>
          %swap3A_444 = arith.index_cast %shift_right_arithmetic3A_429 : i32 to index
          %swap3A_445 = arith.constant 0 : index
          %swap3A_446 = tpu.vector_load %arg9[%swap3A_444, %swap3A_445] {strides = array<i32>} : memref<256x16xf32, #tpu.memory_space<vmem>>, vector<1x16xf32>,
          %swap3A_447 = vector.shape_cast %swap3A_446 : vector<1x16xf32> to vector<16xf32>
          %swap3A_448 = vector.shape_cast %add3A_443 : vector<16xf32> to vector<1x16xf32>
          tpu.vector_store %arg9[%swap3A_444, %swap3A_445], %swap3A_448 {strides = array<i32>} : memref<256x16xf32, #tpu.memory_space<vmem>>, vector<1x16xf32>,
          %slice3A_449 = vector.extract_strided_slice %get3A_175 {offsets = [12], sizes = [1], strides = [1]} : vector<16xi32> to vector<1xi32>
          %squeeze3A_450 = vector.extract %slice3A_449[0] : i32 from vector<1xi32>
          %shift_right_arithmetic3A_451 = arith.constant 4 : i32
          %shift_right_arithmetic3A_452 = arith.shrsi %squeeze3A_450, %shift_right_arithmetic3A_451 : i32
          %and3A_453 = arith.constant 15 : i32
          %and3A_454 = arith.andi %squeeze3A_450, %and3A_453 : i32
          %eq3A_455 = vector.broadcast %and3A_454 : i32 to vector<16xi32>
          %eq3A_456 = arith.cmpi eq, %iota3A, %eq3A_455 : vector<16xi32>
          %jit3A_457 = arith.constant 1.000000e+00 : f32
          %jit3A_458 = arith.constant 0.000000e+00 : f32
          %broadcast_in_dim3A_459 = vector.broadcast %jit3A_457 : f32 to vector<16xf32>
          %broadcast_in_dim3A_460 = vector.broadcast %jit3A_458 : f32 to vector<16xf32>
          %select_n3A_461 = arith.select %eq3A_456, %broadcast_in_dim3A_459, %broadcast_in_dim3A_460 : vector<16xi1>, vector<16xf32>
          %get3A_462 = arith.index_cast %shift_right_arithmetic3A_452 : i32 to index
          %get3A_463 = arith.constant 0 : index
          %get3A_464 = tpu.vector_load %arg9[%get3A_462, %get3A_463] {strides = array<i32>} : memref<256x16xf32, #tpu.memory_space<vmem>>, vector<1x16xf32>,
          %get3A_465 = vector.shape_cast %get3A_464 : vector<1x16xf32> to vector<16xf32>
          %add3A_466 = arith.addf %get3A_465, %select_n3A_461 : vector<16xf32>
          %swap3A_467 = arith.index_cast %shift_right_arithmetic3A_452 : i32 to index
          %swap3A_468 = arith.constant 0 : index
          %swap3A_469 = tpu.vector_load %arg9[%swap3A_467, %swap3A_468] {strides = array<i32>} : memref<256x16xf32, #tpu.memory_space<vmem>>, vector<1x16xf32>,
          %swap3A_470 = vector.shape_cast %swap3A_469 : vector<1x16xf32> to vector<16xf32>
          %swap3A_471 = vector.shape_cast %add3A_466 : vector<16xf32> to vector<1x16xf32>
          tpu.vector_store %arg9[%swap3A_467, %swap3A_468], %swap3A_471 {strides = array<i32>} : memref<256x16xf32, #tpu.memory_space<vmem>>, vector<1x16xf32>,
          %slice3A_472 = vector.extract_strided_slice %get3A_175 {offsets = [13], sizes = [1], strides = [1]} : vector<16xi32> to vector<1xi32>
          %squeeze3A_473 = vector.extract %slice3A_472[0] : i32 from vector<1xi32>
          %shift_right_arithmetic3A_474 = arith.constant 4 : i32
          %shift_right_arithmetic3A_475 = arith.shrsi %squeeze3A_473, %shift_right_arithmetic3A_474 : i32
          %and3A_476 = arith.constant 15 : i32
          %and3A_477 = arith.andi %squeeze3A_473, %and3A_476 : i32
          %eq3A_478 = vector.broadcast %and3A_477 : i32 to vector<16xi32>
          %eq3A_479 = arith.cmpi eq, %iota3A, %eq3A_478 : vector<16xi32>
          %jit3A_480 = arith.constant 1.000000e+00 : f32
          %jit3A_481 = arith.constant 0.000000e+00 : f32
          %broadcast_in_dim3A_482 = vector.broadcast %jit3A_480 : f32 to vector<16xf32>
          %broadcast_in_dim3A_483 = vector.broadcast %jit3A_481 : f32 to vector<16xf32>
          %select_n3A_484 = arith.select %eq3A_479, %broadcast_in_dim3A_482, %broadcast_in_dim3A_483 : vector<16xi1>, vector<16xf32>
          %get3A_485 = arith.index_cast %shift_right_arithmetic3A_475 : i32 to index
          %get3A_486 = arith.constant 0 : index
          %get3A_487 = tpu.vector_load %arg9[%get3A_485, %get3A_486] {strides = array<i32>} : memref<256x16xf32, #tpu.memory_space<vmem>>, vector<1x16xf32>,
          %get3A_488 = vector.shape_cast %get3A_487 : vector<1x16xf32> to vector<16xf32>
          %add3A_489 = arith.addf %get3A_488, %select_n3A_484 : vector<16xf32>
          %swap3A_490 = arith.index_cast %shift_right_arithmetic3A_475 : i32 to index
          %swap3A_491 = arith.constant 0 : index
          %swap3A_492 = tpu.vector_load %arg9[%swap3A_490, %swap3A_491] {strides = array<i32>} : memref<256x16xf32, #tpu.memory_space<vmem>>, vector<1x16xf32>,
          %swap3A_493 = vector.shape_cast %swap3A_492 : vector<1x16xf32> to vector<16xf32>
          %swap3A_494 = vector.shape_cast %add3A_489 : vector<16xf32> to vector<1x16xf32>
          tpu.vector_store %arg9[%swap3A_490, %swap3A_491], %swap3A_494 {strides = array<i32>} : memref<256x16xf32, #tpu.memory_space<vmem>>, vector<1x16xf32>,
          %slice3A_495 = vector.extract_strided_slice %get3A_175 {offsets = [14], sizes = [1], strides = [1]} : vector<16xi32> to vector<1xi32>
          %squeeze3A_496 = vector.extract %slice3A_495[0] : i32 from vector<1xi32>
          %shift_right_arithmetic3A_497 = arith.constant 4 : i32
          %shift_right_arithmetic3A_498 = arith.shrsi %squeeze3A_496, %shift_right_arithmetic3A_497 : i32
          %and3A_499 = arith.constant 15 : i32
          %and3A_500 = arith.andi %squeeze3A_496, %and3A_499 : i32
          %eq3A_501 = vector.broadcast %and3A_500 : i32 to vector<16xi32>
          %eq3A_502 = arith.cmpi eq, %iota3A, %eq3A_501 : vector<16xi32>
          %jit3A_503 = arith.constant 1.000000e+00 : f32
          %jit3A_504 = arith.constant 0.000000e+00 : f32
          %broadcast_in_dim3A_505 = vector.broadcast %jit3A_503 : f32 to vector<16xf32>
          %broadcast_in_dim3A_506 = vector.broadcast %jit3A_504 : f32 to vector<16xf32>
          %select_n3A_507 = arith.select %eq3A_502, %broadcast_in_dim3A_505, %broadcast_in_dim3A_506 : vector<16xi1>, vector<16xf32>
          %get3A_508 = arith.index_cast %shift_right_arithmetic3A_498 : i32 to index
          %get3A_509 = arith.constant 0 : index
          %get3A_510 = tpu.vector_load %arg9[%get3A_508, %get3A_509] {strides = array<i32>} : memref<256x16xf32, #tpu.memory_space<vmem>>, vector<1x16xf32>,
          %get3A_511 = vector.shape_cast %get3A_510 : vector<1x16xf32> to vector<16xf32>
          %add3A_512 = arith.addf %get3A_511, %select_n3A_507 : vector<16xf32>
          %swap3A_513 = arith.index_cast %shift_right_arithmetic3A_498 : i32 to index
          %swap3A_514 = arith.constant 0 : index
          %swap3A_515 = tpu.vector_load %arg9[%swap3A_513, %swap3A_514] {strides = array<i32>} : memref<256x16xf32, #tpu.memory_space<vmem>>, vector<1x16xf32>,
          %swap3A_516 = vector.shape_cast %swap3A_515 : vector<1x16xf32> to vector<16xf32>
          %swap3A_517 = vector.shape_cast %add3A_512 : vector<16xf32> to vector<1x16xf32>
          tpu.vector_store %arg9[%swap3A_513, %swap3A_514], %swap3A_517 {strides = array<i32>} : memref<256x16xf32, #tpu.memory_space<vmem>>, vector<1x16xf32>,
          %slice3A_518 = vector.extract_strided_slice %get3A_175 {offsets = [15], sizes = [1], strides = [1]} : vector<16xi32> to vector<1xi32>
          %squeeze3A_519 = vector.extract %slice3A_518[0] : i32 from vector<1xi32>
          %shift_right_arithmetic3A_520 = arith.constant 4 : i32
          %shift_right_arithmetic3A_521 = arith.shrsi %squeeze3A_519, %shift_right_arithmetic3A_520 : i32
          %and3A_522 = arith.constant 15 : i32
          %and3A_523 = arith.andi %squeeze3A_519, %and3A_522 : i32
          %eq3A_524 = vector.broadcast %and3A_523 : i32 to vector<16xi32>
          %eq3A_525 = arith.cmpi eq, %iota3A, %eq3A_524 : vector<16xi32>
          %jit3A_526 = arith.constant 1.000000e+00 : f32
          %jit3A_527 = arith.constant 0.000000e+00 : f32
          %broadcast_in_dim3A_528 = vector.broadcast %jit3A_526 : f32 to vector<16xf32>
          %broadcast_in_dim3A_529 = vector.broadcast %jit3A_527 : f32 to vector<16xf32>
          %select_n3A_530 = arith.select %eq3A_525, %broadcast_in_dim3A_528, %broadcast_in_dim3A_529 : vector<16xi1>, vector<16xf32>
          %get3A_531 = arith.index_cast %shift_right_arithmetic3A_521 : i32 to index
          %get3A_532 = arith.constant 0 : index
          %get3A_533 = tpu.vector_load %arg9[%get3A_531, %get3A_532] {strides = array<i32>} : memref<256x16xf32, #tpu.memory_space<vmem>>, vector<1x16xf32>,
          %get3A_534 = vector.shape_cast %get3A_533 : vector<1x16xf32> to vector<16xf32>
          %add3A_535 = arith.addf %get3A_534, %select_n3A_530 : vector<16xf32>
          %swap3A_536 = arith.index_cast %shift_right_arithmetic3A_521 : i32 to index
          %swap3A_537 = arith.constant 0 : index
          %swap3A_538 = tpu.vector_load %arg9[%swap3A_536, %swap3A_537] {strides = array<i32>} : memref<256x16xf32, #tpu.memory_space<vmem>>, vector<1x16xf32>,
          %swap3A_539 = vector.shape_cast %swap3A_538 : vector<1x16xf32> to vector<16xf32>
          %swap3A_540 = vector.shape_cast %add3A_535 : vector<16xf32> to vector<1x16xf32>
          tpu.vector_store %arg9[%swap3A_536, %swap3A_537], %swap3A_540 {strides = array<i32>} : memref<256x16xf32, #tpu.memory_space<vmem>>, vector<1x16xf32>,
        }
        %scan3A_169 = arith.constant 8 : i32
      } else {
      }
    }
    %scan3A_25 = arith.constant 32 : i32
    %barrier3A_26 = arith.constant 0 : index
    tpu.barrier barrier_id(%barrier3A_26)
    "tpu.region"() ({
      %run_scoped3A = tpu.sem_alloc : memref<!tpu.dma_semaphore, #tpu.memory_space<semaphore_mem>>
      %dma_start3A = arith.constant 0 : i32
      %dma_start3A_49 = tpu.memref_slice %arg5[%add3A_15, %mul3A_12, %dma_start3A] : memref<4x4096x128xf32, #tpu.memory_space<hbm>> -> memref<1x256x128xf32, #tpu.memory_space<hbm>>
      %dma_start3A_50 = tpu.memref_squeeze %dma_start3A_49 : memref<1x256x128xf32, #tpu.memory_space<hbm>> -> memref<256x128xf32, #tpu.memory_space<hbm>>
      %dma_start3A_51 = arith.constant 0 : i32
      %dma_start3A_52 = tpu.memref_slice %arg7[%mul3A_12, %dma_start3A_51] : memref<4096x128xf32, #tpu.memory_space<vmem_shared>> -> memref<256x128xf32, #tpu.memory_space<vmem_shared>>
      tpu.enqueue_dma source(%dma_start3A_52 : memref<256x128xf32, #tpu.memory_space<vmem_shared>>) target(%dma_start3A_50 : memref<256x128xf32, #tpu.memory_space<hbm>>) target_semaphore(%run_scoped3A : memref<!tpu.dma_semaphore, #tpu.memory_space<semaphore_mem>>)
      %dma_wait3A = arith.constant 0 : i32
      %dma_wait3A_53 = tpu.memref_slice %arg5[%add3A_15, %mul3A_12, %dma_wait3A] : memref<4x4096x128xf32, #tpu.memory_space<hbm>> -> memref<1x256x128xf32, #tpu.memory_space<hbm>>
      %dma_wait3A_54 = tpu.memref_squeeze %dma_wait3A_53 : memref<1x256x128xf32, #tpu.memory_space<hbm>> -> memref<256x128xf32, #tpu.memory_space<hbm>>
      %dma_wait3A_55 = arith.constant 0 : i32
      %dma_wait3A_56 = tpu.memref_slice %arg7[%mul3A_12, %dma_wait3A_55] : memref<4096x128xf32, #tpu.memory_space<vmem_shared>> -> memref<256x128xf32, #tpu.memory_space<vmem_shared>>
      tpu.wait_dma2 semaphore(%run_scoped3A : memref<!tpu.dma_semaphore, #tpu.memory_space<semaphore_mem>>) src(%dma_wait3A_56 : memref<256x128xf32, #tpu.memory_space<vmem_shared>>) dst(%dma_wait3A_54 : memref<256x128xf32, #tpu.memory_space<hbm>>)
      tpu.yield
    }) : () -> ()
    %scan3A_27 = arith.constant 0 : i32
    %scan3A_28 = arith.constant 0 : i32
    %scan3A_29 = arith.constant 128 : i32
    %scan3A_30 = arith.addi %scan3A_28, %scan3A_29 : i32
    %scan3A_31 = arith.constant 1 : i32
    scf.for %scan3A_49 = %scan3A_28 to %scan3A_30 step %scan3A_31  : i32 {
      %swap3A = arith.index_cast %scan3A_49 : i32 to index
      %swap3A_50 = arith.constant 0 : index
      %swap3A_51 = tpu.vector_load %arg8[%swap3A, %swap3A_50] {strides = array<i32>} : memref<128x128xf32, #tpu.memory_space<vmem>>, vector<1x16xf32>,
      %swap3A_52 = vector.shape_cast %swap3A_51 : vector<1x16xf32> to vector<16xf32>
      %swap3A_53 = vector.shape_cast %broadcast_in_dim3A_0 : vector<16xf32> to vector<1x16xf32>
      tpu.vector_store %arg8[%swap3A, %swap3A_50], %swap3A_53 {strides = array<i32>} : memref<128x128xf32, #tpu.memory_space<vmem>>, vector<1x16xf32>,
      %swap3A_54 = arith.index_cast %scan3A_49 : i32 to index
      %swap3A_55 = arith.constant 16 : index
      %swap3A_56 = tpu.vector_load %arg8[%swap3A_54, %swap3A_55] {strides = array<i32>} : memref<128x128xf32, #tpu.memory_space<vmem>>, vector<1x16xf32>,
      %swap3A_57 = vector.shape_cast %swap3A_56 : vector<1x16xf32> to vector<16xf32>
      %swap3A_58 = vector.shape_cast %broadcast_in_dim3A_0 : vector<16xf32> to vector<1x16xf32>
      tpu.vector_store %arg8[%swap3A_54, %swap3A_55], %swap3A_58 {strides = array<i32>} : memref<128x128xf32, #tpu.memory_space<vmem>>, vector<1x16xf32>,
      %swap3A_59 = arith.index_cast %scan3A_49 : i32 to index
      %swap3A_60 = arith.constant 32 : index
      %swap3A_61 = tpu.vector_load %arg8[%swap3A_59, %swap3A_60] {strides = array<i32>} : memref<128x128xf32, #tpu.memory_space<vmem>>, vector<1x16xf32>,
      %swap3A_62 = vector.shape_cast %swap3A_61 : vector<1x16xf32> to vector<16xf32>
      %swap3A_63 = vector.shape_cast %broadcast_in_dim3A_0 : vector<16xf32> to vector<1x16xf32>
      tpu.vector_store %arg8[%swap3A_59, %swap3A_60], %swap3A_63 {strides = array<i32>} : memref<128x128xf32, #tpu.memory_space<vmem>>, vector<1x16xf32>,
      %swap3A_64 = arith.index_cast %scan3A_49 : i32 to index
      %swap3A_65 = arith.constant 48 : index
      %swap3A_66 = tpu.vector_load %arg8[%swap3A_64, %swap3A_65] {strides = array<i32>} : memref<128x128xf32, #tpu.memory_space<vmem>>, vector<1x16xf32>,
      %swap3A_67 = vector.shape_cast %swap3A_66 : vector<1x16xf32> to vector<16xf32>
      %swap3A_68 = vector.shape_cast %broadcast_in_dim3A_0 : vector<16xf32> to vector<1x16xf32>
      tpu.vector_store %arg8[%swap3A_64, %swap3A_65], %swap3A_68 {strides = array<i32>} : memref<128x128xf32, #tpu.memory_space<vmem>>, vector<1x16xf32>,
      %swap3A_69 = arith.index_cast %scan3A_49 : i32 to index
      %swap3A_70 = arith.constant 64 : index
      %swap3A_71 = tpu.vector_load %arg8[%swap3A_69, %swap3A_70] {strides = array<i32>} : memref<128x128xf32, #tpu.memory_space<vmem>>, vector<1x16xf32>,
      %swap3A_72 = vector.shape_cast %swap3A_71 : vector<1x16xf32> to vector<16xf32>
      %swap3A_73 = vector.shape_cast %broadcast_in_dim3A_0 : vector<16xf32> to vector<1x16xf32>
      tpu.vector_store %arg8[%swap3A_69, %swap3A_70], %swap3A_73 {strides = array<i32>} : memref<128x128xf32, #tpu.memory_space<vmem>>, vector<1x16xf32>,
      %swap3A_74 = arith.index_cast %scan3A_49 : i32 to index
      %swap3A_75 = arith.constant 80 : index
      %swap3A_76 = tpu.vector_load %arg8[%swap3A_74, %swap3A_75] {strides = array<i32>} : memref<128x128xf32, #tpu.memory_space<vmem>>, vector<1x16xf32>,
      %swap3A_77 = vector.shape_cast %swap3A_76 : vector<1x16xf32> to vector<16xf32>
      %swap3A_78 = vector.shape_cast %broadcast_in_dim3A_0 : vector<16xf32> to vector<1x16xf32>
      tpu.vector_store %arg8[%swap3A_74, %swap3A_75], %swap3A_78 {strides = array<i32>} : memref<128x128xf32, #tpu.memory_space<vmem>>, vector<1x16xf32>,
      %swap3A_79 = arith.index_cast %scan3A_49 : i32 to index
      %swap3A_80 = arith.constant 96 : index
      %swap3A_81 = tpu.vector_load %arg8[%swap3A_79, %swap3A_80] {strides = array<i32>} : memref<128x128xf32, #tpu.memory_space<vmem>>, vector<1x16xf32>,
      %swap3A_82 = vector.shape_cast %swap3A_81 : vector<1x16xf32> to vector<16xf32>
      %swap3A_83 = vector.shape_cast %broadcast_in_dim3A_0 : vector<16xf32> to vector<1x16xf32>
      tpu.vector_store %arg8[%swap3A_79, %swap3A_80], %swap3A_83 {strides = array<i32>} : memref<128x128xf32, #tpu.memory_space<vmem>>, vector<1x16xf32>,
      %swap3A_84 = arith.index_cast %scan3A_49 : i32 to index
      %swap3A_85 = arith.constant 112 : index
      %swap3A_86 = tpu.vector_load %arg8[%swap3A_84, %swap3A_85] {strides = array<i32>} : memref<128x128xf32, #tpu.memory_space<vmem>>, vector<1x16xf32>,
      %swap3A_87 = vector.shape_cast %swap3A_86 : vector<1x16xf32> to vector<16xf32>
      %swap3A_88 = vector.shape_cast %broadcast_in_dim3A_0 : vector<16xf32> to vector<1x16xf32>
      tpu.vector_store %arg8[%swap3A_84, %swap3A_85], %swap3A_88 {strides = array<i32>} : memref<128x128xf32, #tpu.memory_space<vmem>>, vector<1x16xf32>,
    }
    %scan3A_32 = arith.constant 128 : i32
    %mul3A_33 = arith.constant 2 : i32
    %mul3A_34 = arith.muli %mul3A_33, %arg0 : i32
    %add3A_35 = arith.constant 1 : i32
    %add3A_36 = arith.addi %mul3A_34, %add3A_35 : i32
    %add3A_37 = arith.constant 0 : i32
    %add3A_38 = arith.addi %mul3A_12, %add3A_37 : i32
    "tpu.region"() ({
      %run_scoped3A = tpu.sem_alloc : memref<!tpu.dma_semaphore, #tpu.memory_space<semaphore_mem>>
      %dma_start3A = arith.constant 0 : i32
      %dma_start3A_49 = arith.constant 0 : i32
      %dma_start3A_50 = tpu.memref_slice %arg8[%dma_start3A, %dma_start3A_49] : memref<128x128xf32, #tpu.memory_space<vmem>> -> memref<128x128xf32, #tpu.memory_space<vmem>>
      %dma_start3A_51 = arith.constant 0 : i32
      %dma_start3A_52 = tpu.memref_slice %arg7[%add3A_38, %dma_start3A_51] : memref<4096x128xf32, #tpu.memory_space<vmem_shared>> -> memref<128x128xf32, #tpu.memory_space<vmem_shared>>
      %dma_start3A_53 = arith.constant 0 : i32
      %dma_start3A_54 = tpu.memref_slice %arg7[%add3A_38, %dma_start3A_53] : memref<4096x128xf32, #tpu.memory_space<vmem_shared>> -> memref<128x128xf32, #tpu.memory_space<vmem_shared>>
      %dma_start3A_55 = arith.constant 0 : i32
      %dma_start3A_56 = arith.constant 0 : i32
      %dma_start3A_57 = tpu.memref_slice %arg8[%dma_start3A_55, %dma_start3A_56] : memref<128x128xf32, #tpu.memory_space<vmem>> -> memref<128x128xf32, #tpu.memory_space<vmem>>
      tpu.enqueue_dma source(%dma_start3A_57 : memref<128x128xf32, #tpu.memory_space<vmem>>) target(%dma_start3A_54 : memref<128x128xf32, #tpu.memory_space<vmem_shared>>) target_semaphore(%run_scoped3A : memref<!tpu.dma_semaphore, #tpu.memory_space<semaphore_mem>>)
      %dma_wait3A = arith.constant 0 : i32
      %dma_wait3A_58 = arith.constant 0 : i32
      %dma_wait3A_59 = tpu.memref_slice %arg8[%dma_wait3A, %dma_wait3A_58] : memref<128x128xf32, #tpu.memory_space<vmem>> -> memref<128x128xf32, #tpu.memory_space<vmem>>
      %dma_wait3A_60 = arith.constant 0 : i32
      %dma_wait3A_61 = tpu.memref_slice %arg7[%add3A_38, %dma_wait3A_60] : memref<4096x128xf32, #tpu.memory_space<vmem_shared>> -> memref<128x128xf32, #tpu.memory_space<vmem_shared>>
      %dma_wait3A_62 = arith.constant 0 : i32
      %dma_wait3A_63 = tpu.memref_slice %arg7[%add3A_38, %dma_wait3A_62] : memref<4096x128xf32, #tpu.memory_space<vmem_shared>> -> memref<128x128xf32, #tpu.memory_space<vmem_shared>>
      %dma_wait3A_64 = arith.constant 0 : i32
      %dma_wait3A_65 = arith.constant 0 : i32
      %dma_wait3A_66 = tpu.memref_slice %arg8[%dma_wait3A_64, %dma_wait3A_65] : memref<128x128xf32, #tpu.memory_space<vmem>> -> memref<128x128xf32, #tpu.memory_space<vmem>>
      tpu.wait_dma2 semaphore(%run_scoped3A : memref<!tpu.dma_semaphore, #tpu.memory_space<semaphore_mem>>) src(%dma_wait3A_66 : memref<128x128xf32, #tpu.memory_space<vmem>>) dst(%dma_wait3A_63 : memref<128x128xf32, #tpu.memory_space<vmem_shared>>)
      tpu.yield
    }) : () -> ()
    %add3A_39 = arith.constant 128 : i32
    %add3A_40 = arith.addi %mul3A_12, %add3A_39 : i32
    "tpu.region"() ({
      %run_scoped3A = tpu.sem_alloc : memref<!tpu.dma_semaphore, #tpu.memory_space<semaphore_mem>>
      %dma_start3A = arith.constant 0 : i32
      %dma_start3A_49 = arith.constant 0 : i32
      %dma_start3A_50 = tpu.memref_slice %arg8[%dma_start3A, %dma_start3A_49] : memref<128x128xf32, #tpu.memory_space<vmem>> -> memref<128x128xf32, #tpu.memory_space<vmem>>
      %dma_start3A_51 = arith.constant 0 : i32
      %dma_start3A_52 = tpu.memref_slice %arg7[%add3A_40, %dma_start3A_51] : memref<4096x128xf32, #tpu.memory_space<vmem_shared>> -> memref<128x128xf32, #tpu.memory_space<vmem_shared>>
      %dma_start3A_53 = arith.constant 0 : i32
      %dma_start3A_54 = tpu.memref_slice %arg7[%add3A_40, %dma_start3A_53] : memref<4096x128xf32, #tpu.memory_space<vmem_shared>> -> memref<128x128xf32, #tpu.memory_space<vmem_shared>>
      %dma_start3A_55 = arith.constant 0 : i32
      %dma_start3A_56 = arith.constant 0 : i32
      %dma_start3A_57 = tpu.memref_slice %arg8[%dma_start3A_55, %dma_start3A_56] : memref<128x128xf32, #tpu.memory_space<vmem>> -> memref<128x128xf32, #tpu.memory_space<vmem>>
      tpu.enqueue_dma source(%dma_start3A_57 : memref<128x128xf32, #tpu.memory_space<vmem>>) target(%dma_start3A_54 : memref<128x128xf32, #tpu.memory_space<vmem_shared>>) target_semaphore(%run_scoped3A : memref<!tpu.dma_semaphore, #tpu.memory_space<semaphore_mem>>)
      %dma_wait3A = arith.constant 0 : i32
      %dma_wait3A_58 = arith.constant 0 : i32
      %dma_wait3A_59 = tpu.memref_slice %arg8[%dma_wait3A, %dma_wait3A_58] : memref<128x128xf32, #tpu.memory_space<vmem>> -> memref<128x128xf32, #tpu.memory_space<vmem>>
      %dma_wait3A_60 = arith.constant 0 : i32
      %dma_wait3A_61 = tpu.memref_slice %arg7[%add3A_40, %dma_wait3A_60] : memref<4096x128xf32, #tpu.memory_space<vmem_shared>> -> memref<128x128xf32, #tpu.memory_space<vmem_shared>>
      %dma_wait3A_62 = arith.constant 0 : i32
      %dma_wait3A_63 = tpu.memref_slice %arg7[%add3A_40, %dma_wait3A_62] : memref<4096x128xf32, #tpu.memory_space<vmem_shared>> -> memref<128x128xf32, #tpu.memory_space<vmem_shared>>
      %dma_wait3A_64 = arith.constant 0 : i32
      %dma_wait3A_65 = arith.constant 0 : i32
      %dma_wait3A_66 = tpu.memref_slice %arg8[%dma_wait3A_64, %dma_wait3A_65] : memref<128x128xf32, #tpu.memory_space<vmem>> -> memref<128x128xf32, #tpu.memory_space<vmem>>
      tpu.wait_dma2 semaphore(%run_scoped3A : memref<!tpu.dma_semaphore, #tpu.memory_space<semaphore_mem>>) src(%dma_wait3A_66 : memref<128x128xf32, #tpu.memory_space<vmem>>) dst(%dma_wait3A_63 : memref<128x128xf32, #tpu.memory_space<vmem_shared>>)
      tpu.yield
    }) : () -> ()
    %barrier3A_41 = arith.constant 0 : index
    tpu.barrier barrier_id(%barrier3A_41)
    %scan3A_42 = arith.constant 0 : i32
    %scan3A_43 = arith.constant 0 : i32
    %scan3A_44 = arith.constant 32 : i32
    %scan3A_45 = arith.addi %scan3A_43, %scan3A_44 : i32
    %scan3A_46 = arith.constant 1 : i32
    scf.for %scan3A_49 = %scan3A_43 to %scan3A_45 step %scan3A_46  : i32 {
      %mul3A_50 = arith.constant 4096 : i32
      %mul3A_51 = arith.muli %arg1, %mul3A_50 : i32
      %mul3A_52 = arith.constant 128 : i32
      %mul3A_53 = arith.muli %scan3A_49, %mul3A_52 : i32
      %add3A_54 = arith.addi %mul3A_51, %mul3A_53 : i32
      "tpu.region"() ({
        %run_scoped3A = tpu.sem_alloc : memref<!tpu.dma_semaphore, #tpu.memory_space<semaphore_mem>>
        %dma_start3A_153 = tpu.memref_slice %arg3[%add3A_54] : memref<65536xi32, #tpu.memory_space<hbm>> -> memref<128xi32, #tpu.memory_space<hbm>>
        %dma_start3A_154 = tpu.memref_slice %arg3[%add3A_54] : memref<65536xi32, #tpu.memory_space<hbm>> -> memref<128xi32, #tpu.memory_space<hbm>>
        tpu.enqueue_dma source(%dma_start3A_154 : memref<128xi32, #tpu.memory_space<hbm>>) target(%arg10 : memref<128xi32, #tpu.memory_space<vmem>>) target_semaphore(%run_scoped3A : memref<!tpu.dma_semaphore, #tpu.memory_space<semaphore_mem>>)
        %dma_wait3A_155 = tpu.memref_slice %arg3[%add3A_54] : memref<65536xi32, #tpu.memory_space<hbm>> -> memref<128xi32, #tpu.memory_space<hbm>>
        %dma_wait3A_156 = tpu.memref_slice %arg3[%add3A_54] : memref<65536xi32, #tpu.memory_space<hbm>> -> memref<128xi32, #tpu.memory_space<hbm>>
        tpu.wait_dma2 semaphore(%run_scoped3A : memref<!tpu.dma_semaphore, #tpu.memory_space<semaphore_mem>>) src(%dma_wait3A_156 : memref<128xi32, #tpu.memory_space<hbm>>) dst(%arg10 : memref<128xi32, #tpu.memory_space<vmem>>)
        tpu.yield
      }) : () -> ()
      "tpu.region"() ({
        %run_scoped3A = tpu.sem_alloc : memref<!tpu.dma_semaphore, #tpu.memory_space<semaphore_mem>>
        %dma_start3A_153 = tpu.memref_slice %arg4[%add3A_54] : memref<65536xi32, #tpu.memory_space<hbm>> -> memref<128xi32, #tpu.memory_space<hbm>>
        %dma_start3A_154 = tpu.memref_slice %arg4[%add3A_54] : memref<65536xi32, #tpu.memory_space<hbm>> -> memref<128xi32, #tpu.memory_space<hbm>>
        tpu.enqueue_dma source(%dma_start3A_154 : memref<128xi32, #tpu.memory_space<hbm>>) target(%arg11 : memref<128xi32, #tpu.memory_space<vmem>>) target_semaphore(%run_scoped3A : memref<!tpu.dma_semaphore, #tpu.memory_space<semaphore_mem>>)
        %dma_wait3A_155 = tpu.memref_slice %arg4[%add3A_54] : memref<65536xi32, #tpu.memory_space<hbm>> -> memref<128xi32, #tpu.memory_space<hbm>>
        %dma_wait3A_156 = tpu.memref_slice %arg4[%add3A_54] : memref<65536xi32, #tpu.memory_space<hbm>> -> memref<128xi32, #tpu.memory_space<hbm>>
        tpu.wait_dma2 semaphore(%run_scoped3A : memref<!tpu.dma_semaphore, #tpu.memory_space<semaphore_mem>>) src(%dma_wait3A_156 : memref<128xi32, #tpu.memory_space<hbm>>) dst(%arg11 : memref<128xi32, #tpu.memory_space<vmem>>)
        tpu.yield
      }) : () -> ()
      %get3A = arith.constant 0 : index
      %get3A_55 = tpu.vector_load %arg10[%get3A] {strides = array<i32>} : memref<128xi32, #tpu.memory_space<vmem>>, vector<16xi32>,
      %get3A_56 = vector.shape_cast %get3A_55 : vector<16xi32> to vector<16xi32>
      %mul3A_57 = arith.constant 4 : i32
      %mul3A_58 = vector.broadcast %mul3A_57 : i32 to vector<16xi32>
      %mul3A_59 = arith.muli %get3A_56, %mul3A_58 : vector<16xi32>
      %add3A_60 = vector.broadcast %add3A_36 : i32 to vector<16xi32>
      %add3A_61 = arith.addi %mul3A_59, %add3A_60 : vector<16xi32>
      %swap3A = arith.constant 0 : index
      %swap3A_62 = tpu.vector_load %arg12[%swap3A] {strides = array<i32>} : memref<128xi32, #tpu.memory_space<vmem>>, vector<16xi32>,
      %swap3A_63 = vector.shape_cast %swap3A_62 : vector<16xi32> to vector<16xi32>
      %swap3A_64 = vector.shape_cast %add3A_61 : vector<16xi32> to vector<16xi32>
      tpu.vector_store %arg12[%swap3A], %swap3A_64 {strides = array<i32>} : memref<128xi32, #tpu.memory_space<vmem>>, vector<16xi32>,
      %get3A_65 = arith.constant 16 : index
      %get3A_66 = tpu.vector_load %arg10[%get3A_65] {strides = array<i32>} : memref<128xi32, #tpu.memory_space<vmem>>, vector<16xi32>,
      %get3A_67 = vector.shape_cast %get3A_66 : vector<16xi32> to vector<16xi32>
      %mul3A_68 = arith.constant 4 : i32
      %mul3A_69 = vector.broadcast %mul3A_68 : i32 to vector<16xi32>
      %mul3A_70 = arith.muli %get3A_67, %mul3A_69 : vector<16xi32>
      %add3A_71 = vector.broadcast %add3A_36 : i32 to vector<16xi32>
      %add3A_72 = arith.addi %mul3A_70, %add3A_71 : vector<16xi32>
      %swap3A_73 = arith.constant 16 : index
      %swap3A_74 = tpu.vector_load %arg12[%swap3A_73] {strides = array<i32>} : memref<128xi32, #tpu.memory_space<vmem>>, vector<16xi32>,
      %swap3A_75 = vector.shape_cast %swap3A_74 : vector<16xi32> to vector<16xi32>
      %swap3A_76 = vector.shape_cast %add3A_72 : vector<16xi32> to vector<16xi32>
      tpu.vector_store %arg12[%swap3A_73], %swap3A_76 {strides = array<i32>} : memref<128xi32, #tpu.memory_space<vmem>>, vector<16xi32>,
      %get3A_77 = arith.constant 32 : index
      %get3A_78 = tpu.vector_load %arg10[%get3A_77] {strides = array<i32>} : memref<128xi32, #tpu.memory_space<vmem>>, vector<16xi32>,
      %get3A_79 = vector.shape_cast %get3A_78 : vector<16xi32> to vector<16xi32>
      %mul3A_80 = arith.constant 4 : i32
      %mul3A_81 = vector.broadcast %mul3A_80 : i32 to vector<16xi32>
      %mul3A_82 = arith.muli %get3A_79, %mul3A_81 : vector<16xi32>
      %add3A_83 = vector.broadcast %add3A_36 : i32 to vector<16xi32>
      %add3A_84 = arith.addi %mul3A_82, %add3A_83 : vector<16xi32>
      %swap3A_85 = arith.constant 32 : index
      %swap3A_86 = tpu.vector_load %arg12[%swap3A_85] {strides = array<i32>} : memref<128xi32, #tpu.memory_space<vmem>>, vector<16xi32>,
      %swap3A_87 = vector.shape_cast %swap3A_86 : vector<16xi32> to vector<16xi32>
      %swap3A_88 = vector.shape_cast %add3A_84 : vector<16xi32> to vector<16xi32>
      tpu.vector_store %arg12[%swap3A_85], %swap3A_88 {strides = array<i32>} : memref<128xi32, #tpu.memory_space<vmem>>, vector<16xi32>,
      %get3A_89 = arith.constant 48 : index
      %get3A_90 = tpu.vector_load %arg10[%get3A_89] {strides = array<i32>} : memref<128xi32, #tpu.memory_space<vmem>>, vector<16xi32>,
      %get3A_91 = vector.shape_cast %get3A_90 : vector<16xi32> to vector<16xi32>
      %mul3A_92 = arith.constant 4 : i32
      %mul3A_93 = vector.broadcast %mul3A_92 : i32 to vector<16xi32>
      %mul3A_94 = arith.muli %get3A_91, %mul3A_93 : vector<16xi32>
      %add3A_95 = vector.broadcast %add3A_36 : i32 to vector<16xi32>
      %add3A_96 = arith.addi %mul3A_94, %add3A_95 : vector<16xi32>
      %swap3A_97 = arith.constant 48 : index
      %swap3A_98 = tpu.vector_load %arg12[%swap3A_97] {strides = array<i32>} : memref<128xi32, #tpu.memory_space<vmem>>, vector<16xi32>,
      %swap3A_99 = vector.shape_cast %swap3A_98 : vector<16xi32> to vector<16xi32>
      %swap3A_100 = vector.shape_cast %add3A_96 : vector<16xi32> to vector<16xi32>
      tpu.vector_store %arg12[%swap3A_97], %swap3A_100 {strides = array<i32>} : memref<128xi32, #tpu.memory_space<vmem>>, vector<16xi32>,
      %get3A_101 = arith.constant 64 : index
      %get3A_102 = tpu.vector_load %arg10[%get3A_101] {strides = array<i32>} : memref<128xi32, #tpu.memory_space<vmem>>, vector<16xi32>,
      %get3A_103 = vector.shape_cast %get3A_102 : vector<16xi32> to vector<16xi32>
      %mul3A_104 = arith.constant 4 : i32
      %mul3A_105 = vector.broadcast %mul3A_104 : i32 to vector<16xi32>
      %mul3A_106 = arith.muli %get3A_103, %mul3A_105 : vector<16xi32>
      %add3A_107 = vector.broadcast %add3A_36 : i32 to vector<16xi32>
      %add3A_108 = arith.addi %mul3A_106, %add3A_107 : vector<16xi32>
      %swap3A_109 = arith.constant 64 : index
      %swap3A_110 = tpu.vector_load %arg12[%swap3A_109] {strides = array<i32>} : memref<128xi32, #tpu.memory_space<vmem>>, vector<16xi32>,
      %swap3A_111 = vector.shape_cast %swap3A_110 : vector<16xi32> to vector<16xi32>
      %swap3A_112 = vector.shape_cast %add3A_108 : vector<16xi32> to vector<16xi32>
      tpu.vector_store %arg12[%swap3A_109], %swap3A_112 {strides = array<i32>} : memref<128xi32, #tpu.memory_space<vmem>>, vector<16xi32>,
      %get3A_113 = arith.constant 80 : index
      %get3A_114 = tpu.vector_load %arg10[%get3A_113] {strides = array<i32>} : memref<128xi32, #tpu.memory_space<vmem>>, vector<16xi32>,
      %get3A_115 = vector.shape_cast %get3A_114 : vector<16xi32> to vector<16xi32>
      %mul3A_116 = arith.constant 4 : i32
      %mul3A_117 = vector.broadcast %mul3A_116 : i32 to vector<16xi32>
      %mul3A_118 = arith.muli %get3A_115, %mul3A_117 : vector<16xi32>
      %add3A_119 = vector.broadcast %add3A_36 : i32 to vector<16xi32>
      %add3A_120 = arith.addi %mul3A_118, %add3A_119 : vector<16xi32>
      %swap3A_121 = arith.constant 80 : index
      %swap3A_122 = tpu.vector_load %arg12[%swap3A_121] {strides = array<i32>} : memref<128xi32, #tpu.memory_space<vmem>>, vector<16xi32>,
      %swap3A_123 = vector.shape_cast %swap3A_122 : vector<16xi32> to vector<16xi32>
      %swap3A_124 = vector.shape_cast %add3A_120 : vector<16xi32> to vector<16xi32>
      tpu.vector_store %arg12[%swap3A_121], %swap3A_124 {strides = array<i32>} : memref<128xi32, #tpu.memory_space<vmem>>, vector<16xi32>,
      %get3A_125 = arith.constant 96 : index
      %get3A_126 = tpu.vector_load %arg10[%get3A_125] {strides = array<i32>} : memref<128xi32, #tpu.memory_space<vmem>>, vector<16xi32>,
      %get3A_127 = vector.shape_cast %get3A_126 : vector<16xi32> to vector<16xi32>
      %mul3A_128 = arith.constant 4 : i32
      %mul3A_129 = vector.broadcast %mul3A_128 : i32 to vector<16xi32>
      %mul3A_130 = arith.muli %get3A_127, %mul3A_129 : vector<16xi32>
      %add3A_131 = vector.broadcast %add3A_36 : i32 to vector<16xi32>
      %add3A_132 = arith.addi %mul3A_130, %add3A_131 : vector<16xi32>
      %swap3A_133 = arith.constant 96 : index
      %swap3A_134 = tpu.vector_load %arg12[%swap3A_133] {strides = array<i32>} : memref<128xi32, #tpu.memory_space<vmem>>, vector<16xi32>,
      %swap3A_135 = vector.shape_cast %swap3A_134 : vector<16xi32> to vector<16xi32>
      %swap3A_136 = vector.shape_cast %add3A_132 : vector<16xi32> to vector<16xi32>
      tpu.vector_store %arg12[%swap3A_133], %swap3A_136 {strides = array<i32>} : memref<128xi32, #tpu.memory_space<vmem>>, vector<16xi32>,
      %get3A_137 = arith.constant 112 : index
      %get3A_138 = tpu.vector_load %arg10[%get3A_137] {strides = array<i32>} : memref<128xi32, #tpu.memory_space<vmem>>, vector<16xi32>,
      %get3A_139 = vector.shape_cast %get3A_138 : vector<16xi32> to vector<16xi32>
      %mul3A_140 = arith.constant 4 : i32
      %mul3A_141 = vector.broadcast %mul3A_140 : i32 to vector<16xi32>
      %mul3A_142 = arith.muli %get3A_139, %mul3A_141 : vector<16xi32>
      %add3A_143 = vector.broadcast %add3A_36 : i32 to vector<16xi32>
      %add3A_144 = arith.addi %mul3A_142, %add3A_143 : vector<16xi32>
      %swap3A_145 = arith.constant 112 : index
      %swap3A_146 = tpu.vector_load %arg12[%swap3A_145] {strides = array<i32>} : memref<128xi32, #tpu.memory_space<vmem>>, vector<16xi32>,
      %swap3A_147 = vector.shape_cast %swap3A_146 : vector<16xi32> to vector<16xi32>
      %swap3A_148 = vector.shape_cast %add3A_144 : vector<16xi32> to vector<16xi32>
      tpu.vector_store %arg12[%swap3A_145], %swap3A_148 {strides = array<i32>} : memref<128xi32, #tpu.memory_space<vmem>>, vector<16xi32>,
      %dma_start3A = arith.constant 0 : i32
      %dma_start3A_149 = arith.constant 0 : i32
      %dma_start3A_150 = tpu.memref_slice %arg2[%dma_start3A, %dma_start3A_149] : memref<65536x128xf32, #tpu.memory_space<hbm>> -> memref<65536x128xf32, #tpu.memory_space<hbm>>
      tpu.enqueue_indirect_dma source(%dma_start3A_150 : memref<65536x128xf32, #tpu.memory_space<hbm>>) target(%arg8 : memref<128x128xf32, #tpu.memory_space<vmem>>) offsets(%arg12 : memref<128xi32, #tpu.memory_space<vmem>>) semaphore(%arg13 : memref<!tpu.dma_semaphore, #tpu.memory_space<semaphore_mem>>)
      %dma_wait3A = arith.constant 0 : i32
      %dma_wait3A_151 = arith.constant 0 : i32
      %dma_wait3A_152 = tpu.memref_slice %arg2[%dma_wait3A, %dma_wait3A_151] : memref<65536x128xf32, #tpu.memory_space<hbm>> -> memref<65536x128xf32, #tpu.memory_space<hbm>>
      tpu.wait_indirect_dma semaphore(%arg13 : memref<!tpu.dma_semaphore, #tpu.memory_space<semaphore_mem>>) src(%dma_wait3A_152 : memref<65536x128xf32, #tpu.memory_space<hbm>>) dst(%arg8 : memref<128x128xf32, #tpu.memory_space<vmem>>)
      "tpu.region"() ({
        %run_scoped3A = tpu.sem_alloc : memref<!tpu.dma_semaphore, #tpu.memory_space<semaphore_mem>>
        %dma_start3A_153 = arith.constant 0 : i32
        %dma_start3A_154 = arith.constant 0 : i32
        %dma_start3A_155 = tpu.memref_slice %arg7[%dma_start3A_153, %dma_start3A_154] : memref<4096x128xf32, #tpu.memory_space<vmem_shared>> -> memref<4096x128xf32, #tpu.memory_space<vmem_shared>>
        tpu.enqueue_indirect_dma source(%arg8 : memref<128x128xf32, #tpu.memory_space<vmem>>) target(%dma_start3A_155 : memref<4096x128xf32, #tpu.memory_space<vmem_shared>>) offsets(%arg11 : memref<128xi32, #tpu.memory_space<vmem>>) semaphore(%run_scoped3A : memref<!tpu.dma_semaphore, #tpu.memory_space<semaphore_mem>>) {add = true}
        %dma_wait3A_156 = arith.constant 0 : i32
        %dma_wait3A_157 = arith.constant 0 : i32
        %dma_wait3A_158 = tpu.memref_slice %arg7[%dma_wait3A_156, %dma_wait3A_157] : memref<4096x128xf32, #tpu.memory_space<vmem_shared>> -> memref<4096x128xf32, #tpu.memory_space<vmem_shared>>
        tpu.wait_indirect_dma semaphore(%run_scoped3A : memref<!tpu.dma_semaphore, #tpu.memory_space<semaphore_mem>>) src(%arg8 : memref<128x128xf32, #tpu.memory_space<vmem>>) dst(%dma_wait3A_158 : memref<4096x128xf32, #tpu.memory_space<vmem_shared>>)
        tpu.yield
      }) : () -> ()
    }
    %scan3A_47 = arith.constant 32 : i32
    %barrier3A_48 = arith.constant 0 : index
    tpu.barrier barrier_id(%barrier3A_48)
    "tpu.region"() ({
      %run_scoped3A = tpu.sem_alloc : memref<!tpu.dma_semaphore, #tpu.memory_space<semaphore_mem>>
      %dma_start3A = arith.constant 0 : i32
      %dma_start3A_49 = tpu.memref_slice %arg5[%add3A_36, %mul3A_12, %dma_start3A] : memref<4x4096x128xf32, #tpu.memory_space<hbm>> -> memref<1x256x128xf32, #tpu.memory_space<hbm>>
      %dma_start3A_50 = tpu.memref_squeeze %dma_start3A_49 : memref<1x256x128xf32, #tpu.memory_space<hbm>> -> memref<256x128xf32, #tpu.memory_space<hbm>>
      %dma_start3A_51 = arith.constant 0 : i32
      %dma_start3A_52 = tpu.memref_slice %arg7[%mul3A_12, %dma_start3A_51] : memref<4096x128xf32, #tpu.memory_space<vmem_shared>> -> memref<256x128xf32, #tpu.memory_space<vmem_shared>>
      tpu.enqueue_dma source(%dma_start3A_52 : memref<256x128xf32, #tpu.memory_space<vmem_shared>>) target(%dma_start3A_50 : memref<256x128xf32, #tpu.memory_space<hbm>>) target_semaphore(%run_scoped3A : memref<!tpu.dma_semaphore, #tpu.memory_space<semaphore_mem>>)
      %dma_wait3A = arith.constant 0 : i32
      %dma_wait3A_53 = tpu.memref_slice %arg5[%add3A_36, %mul3A_12, %dma_wait3A] : memref<4x4096x128xf32, #tpu.memory_space<hbm>> -> memref<1x256x128xf32, #tpu.memory_space<hbm>>
      %dma_wait3A_54 = tpu.memref_squeeze %dma_wait3A_53 : memref<1x256x128xf32, #tpu.memory_space<hbm>> -> memref<256x128xf32, #tpu.memory_space<hbm>>
      %dma_wait3A_55 = arith.constant 0 : i32
      %dma_wait3A_56 = tpu.memref_slice %arg7[%mul3A_12, %dma_wait3A_55] : memref<4096x128xf32, #tpu.memory_space<vmem_shared>> -> memref<256x128xf32, #tpu.memory_space<vmem_shared>>
      tpu.wait_dma2 semaphore(%run_scoped3A : memref<!tpu.dma_semaphore, #tpu.memory_space<semaphore_mem>>) src(%dma_wait3A_56 : memref<256x128xf32, #tpu.memory_space<vmem_shared>>) dst(%dma_wait3A_54 : memref<256x128xf32, #tpu.memory_space<hbm>>)
      tpu.yield
    }) : () -> ()
    "tpu.region"() ({
      %run_scoped3A = tpu.sem_alloc : memref<!tpu.dma_semaphore, #tpu.memory_space<semaphore_mem>>
      %dma_start3A = arith.constant 0 : i32
      %dma_start3A_49 = arith.constant 0 : i32
      %dma_start3A_50 = tpu.memref_slice %arg6[%arg0, %arg1, %dma_start3A, %dma_start3A_49] : memref<2x16x256x16xf32, #tpu.memory_space<hbm>> -> memref<1x1x256x16xf32, #tpu.memory_space<hbm>>
      %dma_start3A_51 = tpu.memref_squeeze %dma_start3A_50 : memref<1x1x256x16xf32, #tpu.memory_space<hbm>> -> memref<256x16xf32, #tpu.memory_space<hbm>>
      %dma_start3A_52 = arith.constant 0 : i32
      %dma_start3A_53 = arith.constant 0 : i32
      %dma_start3A_54 = tpu.memref_slice %arg6[%arg0, %arg1, %dma_start3A_52, %dma_start3A_53] : memref<2x16x256x16xf32, #tpu.memory_space<hbm>> -> memref<1x1x256x16xf32, #tpu.memory_space<hbm>>
      %dma_start3A_55 = tpu.memref_squeeze %dma_start3A_54 : memref<1x1x256x16xf32, #tpu.memory_space<hbm>> -> memref<256x16xf32, #tpu.memory_space<hbm>>
      tpu.enqueue_dma source(%arg9 : memref<256x16xf32, #tpu.memory_space<vmem>>) target(%dma_start3A_55 : memref<256x16xf32, #tpu.memory_space<hbm>>) target_semaphore(%run_scoped3A : memref<!tpu.dma_semaphore, #tpu.memory_space<semaphore_mem>>)
      %dma_wait3A = arith.constant 0 : i32
      %dma_wait3A_56 = arith.constant 0 : i32
      %dma_wait3A_57 = tpu.memref_slice %arg6[%arg0, %arg1, %dma_wait3A, %dma_wait3A_56] : memref<2x16x256x16xf32, #tpu.memory_space<hbm>> -> memref<1x1x256x16xf32, #tpu.memory_space<hbm>>
      %dma_wait3A_58 = tpu.memref_squeeze %dma_wait3A_57 : memref<1x1x256x16xf32, #tpu.memory_space<hbm>> -> memref<256x16xf32, #tpu.memory_space<hbm>>
      %dma_wait3A_59 = arith.constant 0 : i32
      %dma_wait3A_60 = arith.constant 0 : i32
      %dma_wait3A_61 = tpu.memref_slice %arg6[%arg0, %arg1, %dma_wait3A_59, %dma_wait3A_60] : memref<2x16x256x16xf32, #tpu.memory_space<hbm>> -> memref<1x1x256x16xf32, #tpu.memory_space<hbm>>
      %dma_wait3A_62 = tpu.memref_squeeze %dma_wait3A_61 : memref<1x1x256x16xf32, #tpu.memory_space<hbm>> -> memref<256x16xf32, #tpu.memory_space<hbm>>
      tpu.wait_dma2 semaphore(%run_scoped3A : memref<!tpu.dma_semaphore, #tpu.memory_space<semaphore_mem>>) src(%arg9 : memref<256x16xf32, #tpu.memory_space<vmem>>) dst(%dma_wait3A_62 : memref<256x16xf32, #tpu.memory_space<hbm>>)
      tpu.yield
    }) : () -> ()
    return
  }
}

module attributes {stable_mosaic.version = 14 : i64} {
  func.func @body(%arg0: i32, %arg1: memref<4x512x128xf32, #tpu.memory_space<vmem>>, %arg2: memref<32x512xf32, #tpu.memory_space<vmem>>, %arg3: memref<512x512xf32, #tpu.memory_space<vmem>>, %arg4: memref<512x512xf32, #tpu.memory_space<vmem>>, %arg5: memref<512x512xf32, #tpu.memory_space<vmem>>, %arg6: memref<1x512xf32, #tpu.memory_space<vmem>>, %arg7: memref<512x512xf32, #tpu.memory_space<vmem>>) attributes {dimension_semantics = [#tpu.dimension_semantics<arbitrary>], iteration_bounds = array<i64: 8>, scalar_prefetch = 0 : i64, scratch_operands = 0 : i64, tpu.core_type = #tpu.core_type<tc>, window_params = [{transform_indices = @transform_0, window_bounds = array<i64: 4, 512, 128>}, {transform_indices = @transform_1, window_bounds = array<i64: 32, 512>}, {transform_indices = @transform_2, window_bounds = array<i64: 512, 512>}, {pipeline_mode = #tpu.pipeline_mode<synchronous>, transform_indices = @transform_3, window_bounds = array<i64: 512, 512>}, {pipeline_mode = #tpu.pipeline_mode<synchronous>, transform_indices = @transform_4, window_bounds = array<i64: 512, 512>}, {pipeline_mode = #tpu.pipeline_mode<synchronous>, transform_indices = @transform_5, window_bounds = array<i64: 1, 512>}, {transform_indices = @transform_6, window_bounds = array<i64: 512, 512>}]} {
    %get3A = arith.constant 0 : index
    %get3A_0 = arith.constant 0 : index
    %get3A_1 = vector.load %arg2[%get3A, %get3A_0] : memref<32x512xf32, #tpu.memory_space<vmem>>, vector<32x512xf32>
    %reduce_sum3A = arith.constant dense<0.000000e+00> : vector<512xf32>
    %reduce_sum3A_2 = vector.multi_reduction <add>, %get3A_1, %reduce_sum3A [0] : vector<32x512xf32> to vector<512xf32>
    %max3A = arith.constant 1.000000e+00 : f32
    %max3A_3 = vector.broadcast %max3A : f32 to vector<512xf32>
    %max3A_4 = arith.maximumf %reduce_sum3A_2, %max3A_3 : vector<512xf32>
    %broadcast_in_dim3A = vector.shape_cast %max3A_4 : vector<512xf32> to vector<512x1xf32>
    %get3A_5 = arith.constant 0 : index
    %get3A_6 = arith.constant 0 : index
    %get3A_7 = vector.load %arg3[%get3A_5, %get3A_6] : memref<512x512xf32, #tpu.memory_space<vmem>>, vector<512x512xf32>
    %get3A_8 = arith.constant 0 : index
    %get3A_9 = arith.constant 0 : index
    %get3A_10 = vector.load %arg5[%get3A_8, %get3A_9] : memref<512x512xf32, #tpu.memory_space<vmem>>, vector<512x512xf32>
    %dot_general3A = arith.constant dense<0.000000e+00> : vector<512x512xf32>
    %dot_general3A_11 = tpu.matmul %get3A_7, %get3A_10, %dot_general3A {dimension_numbers = #tpu.dot_dimension_numbers<[1], [0], [0], [1], [0, 0, 1, 1], [], []>, transpose_lhs_hint = false} : vector<512x512xf32>, vector<512x512xf32>, vector<512x512xf32> -> vector<512x512xf32>
    %get3A_12 = arith.constant 0 : index
    %get3A_13 = arith.constant 0 : index
    %get3A_14 = arith.constant 0 : index
    %get3A_15 = vector.load %arg1[%get3A_12, %get3A_13, %get3A_14] : memref<4x512x128xf32, #tpu.memory_space<vmem>>, vector<1x512x128xf32>
    %get3A_16 = vector.shape_cast %get3A_15 : vector<1x512x128xf32> to vector<512x128xf32>
    %div3A = vector.broadcast %broadcast_in_dim3A : vector<512x1xf32> to vector<512x128xf32>
    %div3A_17 = arith.divf %get3A_16, %div3A : vector<512x128xf32>
    %get3A_18 = arith.constant 0 : index
    %get3A_19 = arith.constant 0 : index
    %get3A_20 = vector.load %arg4[%get3A_18, %get3A_19] : memref<512x512xf32, #tpu.memory_space<vmem>>, vector<128x512xf32>
    %dot_general3A_21 = arith.constant dense<0.000000e+00> : vector<512x512xf32>
    %dot_general3A_22 = tpu.matmul %div3A_17, %get3A_20, %dot_general3A_21 {dimension_numbers = #tpu.dot_dimension_numbers<[1], [0], [0], [1], [0, 0, 1, 1], [], []>, transpose_lhs_hint = false} : vector<512x128xf32>, vector<128x512xf32>, vector<512x512xf32> -> vector<512x512xf32>
    %add3A = arith.addf %dot_general3A_11, %dot_general3A_22 : vector<512x512xf32>
    %get3A_23 = arith.constant 1 : index
    %get3A_24 = arith.constant 0 : index
    %get3A_25 = arith.constant 0 : index
    %get3A_26 = vector.load %arg1[%get3A_23, %get3A_24, %get3A_25] : memref<4x512x128xf32, #tpu.memory_space<vmem>>, vector<1x512x128xf32>
    %get3A_27 = vector.shape_cast %get3A_26 : vector<1x512x128xf32> to vector<512x128xf32>
    %div3A_28 = vector.broadcast %broadcast_in_dim3A : vector<512x1xf32> to vector<512x128xf32>
    %div3A_29 = arith.divf %get3A_27, %div3A_28 : vector<512x128xf32>
    %get3A_30 = arith.constant 128 : index
    %get3A_31 = arith.constant 0 : index
    %get3A_32 = vector.load %arg4[%get3A_30, %get3A_31] : memref<512x512xf32, #tpu.memory_space<vmem>>, vector<128x512xf32>
    %dot_general3A_33 = arith.constant dense<0.000000e+00> : vector<512x512xf32>
    %dot_general3A_34 = tpu.matmul %div3A_29, %get3A_32, %dot_general3A_33 {dimension_numbers = #tpu.dot_dimension_numbers<[1], [0], [0], [1], [0, 0, 1, 1], [], []>, transpose_lhs_hint = false} : vector<512x128xf32>, vector<128x512xf32>, vector<512x512xf32> -> vector<512x512xf32>
    %add3A_35 = arith.addf %add3A, %dot_general3A_34 : vector<512x512xf32>
    %get3A_36 = arith.constant 2 : index
    %get3A_37 = arith.constant 0 : index
    %get3A_38 = arith.constant 0 : index
    %get3A_39 = vector.load %arg1[%get3A_36, %get3A_37, %get3A_38] : memref<4x512x128xf32, #tpu.memory_space<vmem>>, vector<1x512x128xf32>
    %get3A_40 = vector.shape_cast %get3A_39 : vector<1x512x128xf32> to vector<512x128xf32>
    %div3A_41 = vector.broadcast %broadcast_in_dim3A : vector<512x1xf32> to vector<512x128xf32>
    %div3A_42 = arith.divf %get3A_40, %div3A_41 : vector<512x128xf32>
    %get3A_43 = arith.constant 256 : index
    %get3A_44 = arith.constant 0 : index
    %get3A_45 = vector.load %arg4[%get3A_43, %get3A_44] : memref<512x512xf32, #tpu.memory_space<vmem>>, vector<128x512xf32>
    %dot_general3A_46 = arith.constant dense<0.000000e+00> : vector<512x512xf32>
    %dot_general3A_47 = tpu.matmul %div3A_42, %get3A_45, %dot_general3A_46 {dimension_numbers = #tpu.dot_dimension_numbers<[1], [0], [0], [1], [0, 0, 1, 1], [], []>, transpose_lhs_hint = false} : vector<512x128xf32>, vector<128x512xf32>, vector<512x512xf32> -> vector<512x512xf32>
    %add3A_48 = arith.addf %add3A_35, %dot_general3A_47 : vector<512x512xf32>
    %get3A_49 = arith.constant 3 : index
    %get3A_50 = arith.constant 0 : index
    %get3A_51 = arith.constant 0 : index
    %get3A_52 = vector.load %arg1[%get3A_49, %get3A_50, %get3A_51] : memref<4x512x128xf32, #tpu.memory_space<vmem>>, vector<1x512x128xf32>
    %get3A_53 = vector.shape_cast %get3A_52 : vector<1x512x128xf32> to vector<512x128xf32>
    %div3A_54 = vector.broadcast %broadcast_in_dim3A : vector<512x1xf32> to vector<512x128xf32>
    %div3A_55 = arith.divf %get3A_53, %div3A_54 : vector<512x128xf32>
    %get3A_56 = arith.constant 384 : index
    %get3A_57 = arith.constant 0 : index
    %get3A_58 = vector.load %arg4[%get3A_56, %get3A_57] : memref<512x512xf32, #tpu.memory_space<vmem>>, vector<128x512xf32>
    %dot_general3A_59 = arith.constant dense<0.000000e+00> : vector<512x512xf32>
    %dot_general3A_60 = tpu.matmul %div3A_55, %get3A_58, %dot_general3A_59 {dimension_numbers = #tpu.dot_dimension_numbers<[1], [0], [0], [1], [0, 0, 1, 1], [], []>, transpose_lhs_hint = false} : vector<512x128xf32>, vector<128x512xf32>, vector<512x512xf32> -> vector<512x512xf32>
    %add3A_61 = arith.addf %add3A_48, %dot_general3A_60 : vector<512x512xf32>
    %get3A_62 = arith.constant 0 : index
    %get3A_63 = arith.constant 0 : index
    %get3A_64 = vector.load %arg6[%get3A_62, %get3A_63] : memref<1x512xf32, #tpu.memory_space<vmem>>, vector<1x512xf32>
    %add3A_65 = vector.broadcast %get3A_64 : vector<1x512xf32> to vector<512x512xf32>
    %add3A_66 = arith.addf %add3A_61, %add3A_65 : vector<512x512xf32>
    %max3A_67 = arith.constant 0.000000e+00 : f32
    %max3A_68 = vector.broadcast %max3A_67 : f32 to vector<512x512xf32>
    %max3A_69 = arith.maximumf %add3A_66, %max3A_68 : vector<512x512xf32>
    %swap3A = arith.constant 0 : index
    %swap3A_70 = arith.constant 0 : index
    %swap3A_71 = vector.load %arg7[%swap3A, %swap3A_70] : memref<512x512xf32, #tpu.memory_space<vmem>>, vector<512x512xf32>
    tpu.vector_store %arg7[%swap3A, %swap3A_70], %max3A_69 {strides = array<i32>} : memref<512x512xf32, #tpu.memory_space<vmem>>, vector<512x512xf32>,
    return
  }
  func.func @transform_0(%arg0: i32) -> (i32, i32, i32) {
    %c0_i32 = arith.constant 0 : i32
    %c0_i32_0 = arith.constant 0 : i32
    %c0_i32_1 = arith.constant 0 : i32
    return %c0_i32, %arg0, %c0_i32_0 : i32, i32, i32
  }
  func.func @transform_1(%arg0: i32) -> (i32, i32) {
    %c0_i32 = arith.constant 0 : i32
    %c0_i32_0 = arith.constant 0 : i32
    return %c0_i32, %arg0 : i32, i32
  }
  func.func @transform_2(%arg0: i32) -> (i32, i32) {
    %c0_i32 = arith.constant 0 : i32
    %c0_i32_0 = arith.constant 0 : i32
    return %arg0, %c0_i32 : i32, i32
  }
  func.func @transform_3(%arg0: i32) -> (i32, i32) {
    %c0_i32 = arith.constant 0 : i32
    %c0_i32_0 = arith.constant 0 : i32
    %c0_i32_1 = arith.constant 0 : i32
    return %c0_i32, %c0_i32_0 : i32, i32
  }
  func.func @transform_4(%arg0: i32) -> (i32, i32) {
    %c0_i32 = arith.constant 0 : i32
    %c0_i32_0 = arith.constant 0 : i32
    %c0_i32_1 = arith.constant 0 : i32
    return %c0_i32, %c0_i32_0 : i32, i32
  }
  func.func @transform_5(%arg0: i32) -> (i32, i32) {
    %c0_i32 = arith.constant 0 : i32
    %c0_i32_0 = arith.constant 0 : i32
    %c0_i32_1 = arith.constant 0 : i32
    return %c0_i32, %c0_i32_0 : i32, i32
  }
  func.func @transform_6(%arg0: i32) -> (i32, i32) {
    %c0_i32 = arith.constant 0 : i32
    %c0_i32_0 = arith.constant 0 : i32
    return %arg0, %c0_i32 : i32, i32
  }
}

module attributes {stable_mosaic.version = 14 : i64} {
  func.func @body(%arg0: i32, %arg1: memref<4x512x128xf32, #tpu.memory_space<vmem>>, %arg2: memref<32x512xf32, #tpu.memory_space<vmem>>, %arg3: memref<512x512xf32, #tpu.memory_space<vmem>>, %arg4: memref<512x512xf32, #tpu.memory_space<vmem>>, %arg5: memref<512x512xf32, #tpu.memory_space<vmem>>, %arg6: memref<1x512xf32, #tpu.memory_space<vmem>>, %arg7: memref<1x512xf32, #tpu.memory_space<vmem>>, %arg8: memref<512x64xf32, #tpu.memory_space<vmem>>, %arg9: memref<1x64xf32, #tpu.memory_space<vmem>>, %arg10: memref<512x64xf32, #tpu.memory_space<vmem>>) attributes {dimension_semantics = [#tpu.dimension_semantics<arbitrary>], iteration_bounds = array<i64: 2>, scalar_prefetch = 0 : i64, scratch_operands = 0 : i64, tpu.core_type = #tpu.core_type<tc>, window_params = [{transform_indices = @transform_0, window_bounds = array<i64: 4, 512, 128>}, {transform_indices = @transform_1, window_bounds = array<i64: 32, 512>}, {transform_indices = @transform_2, window_bounds = array<i64: 512, 512>}, {pipeline_mode = #tpu.pipeline_mode<synchronous>, transform_indices = @transform_3, window_bounds = array<i64: 512, 512>}, {pipeline_mode = #tpu.pipeline_mode<synchronous>, transform_indices = @transform_4, window_bounds = array<i64: 512, 512>}, {pipeline_mode = #tpu.pipeline_mode<synchronous>, transform_indices = @transform_5, window_bounds = array<i64: 1, 512>}, {pipeline_mode = #tpu.pipeline_mode<synchronous>, transform_indices = @transform_6, window_bounds = array<i64: 1, 512>}, {pipeline_mode = #tpu.pipeline_mode<synchronous>, transform_indices = @transform_7, window_bounds = array<i64: 512, 64>}, {pipeline_mode = #tpu.pipeline_mode<synchronous>, transform_indices = @transform_8, window_bounds = array<i64: 1, 64>}, {transform_indices = @transform_9, window_bounds = array<i64: 512, 64>}]} {
    %get3A = arith.constant 0 : index
    %get3A_0 = arith.constant 0 : index
    %get3A_1 = vector.load %arg2[%get3A, %get3A_0] : memref<32x512xf32, #tpu.memory_space<vmem>>, vector<32x512xf32>
    %reduce_sum3A = arith.constant dense<0.000000e+00> : vector<512xf32>
    %reduce_sum3A_2 = vector.multi_reduction <add>, %get3A_1, %reduce_sum3A [0] : vector<32x512xf32> to vector<512xf32>
    %max3A = arith.constant 1.000000e+00 : f32
    %max3A_3 = vector.broadcast %max3A : f32 to vector<512xf32>
    %max3A_4 = arith.maximumf %reduce_sum3A_2, %max3A_3 : vector<512xf32>
    %broadcast_in_dim3A = vector.shape_cast %max3A_4 : vector<512xf32> to vector<512x1xf32>
    %get3A_5 = arith.constant 0 : index
    %get3A_6 = arith.constant 0 : index
    %get3A_7 = vector.load %arg3[%get3A_5, %get3A_6] : memref<512x512xf32, #tpu.memory_space<vmem>>, vector<512x512xf32>
    %get3A_8 = arith.constant 0 : index
    %get3A_9 = arith.constant 0 : index
    %get3A_10 = vector.load %arg5[%get3A_8, %get3A_9] : memref<512x512xf32, #tpu.memory_space<vmem>>, vector<512x512xf32>
    %dot_general3A = arith.constant dense<0.000000e+00> : vector<512x512xf32>
    %dot_general3A_11 = tpu.matmul %get3A_7, %get3A_10, %dot_general3A {dimension_numbers = #tpu.dot_dimension_numbers<[1], [0], [0], [1], [0, 0, 1, 1], [], []>, transpose_lhs_hint = false} : vector<512x512xf32>, vector<512x512xf32>, vector<512x512xf32> -> vector<512x512xf32>
    %get3A_12 = arith.constant 0 : index
    %get3A_13 = arith.constant 0 : index
    %get3A_14 = arith.constant 0 : index
    %get3A_15 = vector.load %arg1[%get3A_12, %get3A_13, %get3A_14] : memref<4x512x128xf32, #tpu.memory_space<vmem>>, vector<1x512x128xf32>
    %get3A_16 = vector.shape_cast %get3A_15 : vector<1x512x128xf32> to vector<512x128xf32>
    %div3A = vector.broadcast %broadcast_in_dim3A : vector<512x1xf32> to vector<512x128xf32>
    %div3A_17 = arith.divf %get3A_16, %div3A : vector<512x128xf32>
    %get3A_18 = arith.constant 0 : index
    %get3A_19 = arith.constant 0 : index
    %get3A_20 = vector.load %arg4[%get3A_18, %get3A_19] : memref<512x512xf32, #tpu.memory_space<vmem>>, vector<128x512xf32>
    %dot_general3A_21 = arith.constant dense<0.000000e+00> : vector<512x512xf32>
    %dot_general3A_22 = tpu.matmul %div3A_17, %get3A_20, %dot_general3A_21 {dimension_numbers = #tpu.dot_dimension_numbers<[1], [0], [0], [1], [0, 0, 1, 1], [], []>, transpose_lhs_hint = false} : vector<512x128xf32>, vector<128x512xf32>, vector<512x512xf32> -> vector<512x512xf32>
    %add3A = arith.addf %dot_general3A_11, %dot_general3A_22 : vector<512x512xf32>
    %get3A_23 = arith.constant 1 : index
    %get3A_24 = arith.constant 0 : index
    %get3A_25 = arith.constant 0 : index
    %get3A_26 = vector.load %arg1[%get3A_23, %get3A_24, %get3A_25] : memref<4x512x128xf32, #tpu.memory_space<vmem>>, vector<1x512x128xf32>
    %get3A_27 = vector.shape_cast %get3A_26 : vector<1x512x128xf32> to vector<512x128xf32>
    %div3A_28 = vector.broadcast %broadcast_in_dim3A : vector<512x1xf32> to vector<512x128xf32>
    %div3A_29 = arith.divf %get3A_27, %div3A_28 : vector<512x128xf32>
    %get3A_30 = arith.constant 128 : index
    %get3A_31 = arith.constant 0 : index
    %get3A_32 = vector.load %arg4[%get3A_30, %get3A_31] : memref<512x512xf32, #tpu.memory_space<vmem>>, vector<128x512xf32>
    %dot_general3A_33 = arith.constant dense<0.000000e+00> : vector<512x512xf32>
    %dot_general3A_34 = tpu.matmul %div3A_29, %get3A_32, %dot_general3A_33 {dimension_numbers = #tpu.dot_dimension_numbers<[1], [0], [0], [1], [0, 0, 1, 1], [], []>, transpose_lhs_hint = false} : vector<512x128xf32>, vector<128x512xf32>, vector<512x512xf32> -> vector<512x512xf32>
    %add3A_35 = arith.addf %add3A, %dot_general3A_34 : vector<512x512xf32>
    %get3A_36 = arith.constant 2 : index
    %get3A_37 = arith.constant 0 : index
    %get3A_38 = arith.constant 0 : index
    %get3A_39 = vector.load %arg1[%get3A_36, %get3A_37, %get3A_38] : memref<4x512x128xf32, #tpu.memory_space<vmem>>, vector<1x512x128xf32>
    %get3A_40 = vector.shape_cast %get3A_39 : vector<1x512x128xf32> to vector<512x128xf32>
    %div3A_41 = vector.broadcast %broadcast_in_dim3A : vector<512x1xf32> to vector<512x128xf32>
    %div3A_42 = arith.divf %get3A_40, %div3A_41 : vector<512x128xf32>
    %get3A_43 = arith.constant 256 : index
    %get3A_44 = arith.constant 0 : index
    %get3A_45 = vector.load %arg4[%get3A_43, %get3A_44] : memref<512x512xf32, #tpu.memory_space<vmem>>, vector<128x512xf32>
    %dot_general3A_46 = arith.constant dense<0.000000e+00> : vector<512x512xf32>
    %dot_general3A_47 = tpu.matmul %div3A_42, %get3A_45, %dot_general3A_46 {dimension_numbers = #tpu.dot_dimension_numbers<[1], [0], [0], [1], [0, 0, 1, 1], [], []>, transpose_lhs_hint = false} : vector<512x128xf32>, vector<128x512xf32>, vector<512x512xf32> -> vector<512x512xf32>
    %add3A_48 = arith.addf %add3A_35, %dot_general3A_47 : vector<512x512xf32>
    %get3A_49 = arith.constant 3 : index
    %get3A_50 = arith.constant 0 : index
    %get3A_51 = arith.constant 0 : index
    %get3A_52 = vector.load %arg1[%get3A_49, %get3A_50, %get3A_51] : memref<4x512x128xf32, #tpu.memory_space<vmem>>, vector<1x512x128xf32>
    %get3A_53 = vector.shape_cast %get3A_52 : vector<1x512x128xf32> to vector<512x128xf32>
    %div3A_54 = vector.broadcast %broadcast_in_dim3A : vector<512x1xf32> to vector<512x128xf32>
    %div3A_55 = arith.divf %get3A_53, %div3A_54 : vector<512x128xf32>
    %get3A_56 = arith.constant 384 : index
    %get3A_57 = arith.constant 0 : index
    %get3A_58 = vector.load %arg4[%get3A_56, %get3A_57] : memref<512x512xf32, #tpu.memory_space<vmem>>, vector<128x512xf32>
    %dot_general3A_59 = arith.constant dense<0.000000e+00> : vector<512x512xf32>
    %dot_general3A_60 = tpu.matmul %div3A_55, %get3A_58, %dot_general3A_59 {dimension_numbers = #tpu.dot_dimension_numbers<[1], [0], [0], [1], [0, 0, 1, 1], [], []>, transpose_lhs_hint = false} : vector<512x128xf32>, vector<128x512xf32>, vector<512x512xf32> -> vector<512x512xf32>
    %add3A_61 = arith.addf %add3A_48, %dot_general3A_60 : vector<512x512xf32>
    %get3A_62 = arith.constant 0 : index
    %get3A_63 = arith.constant 0 : index
    %get3A_64 = vector.load %arg6[%get3A_62, %get3A_63] : memref<1x512xf32, #tpu.memory_space<vmem>>, vector<1x512xf32>
    %add3A_65 = vector.broadcast %get3A_64 : vector<1x512xf32> to vector<512x512xf32>
    %add3A_66 = arith.addf %add3A_61, %add3A_65 : vector<512x512xf32>
    %max3A_67 = arith.constant 0.000000e+00 : f32
    %max3A_68 = vector.broadcast %max3A_67 : f32 to vector<512x512xf32>
    %max3A_69 = arith.maximumf %add3A_66, %max3A_68 : vector<512x512xf32>
    %get3A_70 = arith.constant 0 : index
    %get3A_71 = arith.constant 0 : index
    %get3A_72 = vector.load %arg7[%get3A_70, %get3A_71] : memref<1x512xf32, #tpu.memory_space<vmem>>, vector<1x512xf32>
    %tanh3A = math.tanh %get3A_7 : vector<512x512xf32>
    %mul3A = vector.broadcast %get3A_72 : vector<1x512xf32> to vector<512x512xf32>
    %mul3A_73 = arith.mulf %tanh3A, %mul3A : vector<512x512xf32>
    %reduce_sum3A_74 = arith.constant dense<0.000000e+00> : vector<512xf32>
    %reduce_sum3A_75 = vector.multi_reduction <add>, %mul3A_73, %reduce_sum3A_74 [1] : vector<512x512xf32> to vector<512xf32>
    %broadcast_in_dim3A_76 = vector.shape_cast %reduce_sum3A_75 : vector<512xf32> to vector<512x1xf32>
    %tanh3A_77 = math.tanh %max3A_69 : vector<512x512xf32>
    %mul3A_78 = vector.broadcast %get3A_72 : vector<1x512xf32> to vector<512x512xf32>
    %mul3A_79 = arith.mulf %tanh3A_77, %mul3A_78 : vector<512x512xf32>
    %reduce_sum3A_80 = arith.constant dense<0.000000e+00> : vector<512xf32>
    %reduce_sum3A_81 = vector.multi_reduction <add>, %mul3A_79, %reduce_sum3A_80 [1] : vector<512x512xf32> to vector<512xf32>
    %broadcast_in_dim3A_82 = vector.shape_cast %reduce_sum3A_81 : vector<512xf32> to vector<512x1xf32>
    %max3A_83 = arith.maximumf %broadcast_in_dim3A_76, %broadcast_in_dim3A_82 : vector<512x1xf32>
    %sub3A = arith.subf %broadcast_in_dim3A_76, %max3A_83 : vector<512x1xf32>
    %exp3A = math.exp %sub3A : vector<512x1xf32>
    %sub3A_84 = arith.subf %broadcast_in_dim3A_82, %max3A_83 : vector<512x1xf32>
    %exp3A_85 = math.exp %sub3A_84 : vector<512x1xf32>
    %add3A_86 = arith.addf %exp3A, %exp3A_85 : vector<512x1xf32>
    %div3A_87 = arith.constant 1.000000e+00 : f32
    %div3A_88 = vector.broadcast %div3A_87 : f32 to vector<512x1xf32>
    %div3A_89 = arith.divf %div3A_88, %add3A_86 : vector<512x1xf32>
    %mul3A_90 = arith.mulf %exp3A, %div3A_89 : vector<512x1xf32>
    %mul3A_91 = vector.broadcast %mul3A_90 : vector<512x1xf32> to vector<512x512xf32>
    %mul3A_92 = arith.mulf %mul3A_91, %get3A_7 : vector<512x512xf32>
    %mul3A_93 = arith.mulf %exp3A_85, %div3A_89 : vector<512x1xf32>
    %mul3A_94 = vector.broadcast %mul3A_93 : vector<512x1xf32> to vector<512x512xf32>
    %mul3A_95 = arith.mulf %mul3A_94, %max3A_69 : vector<512x512xf32>
    %add3A_96 = arith.addf %mul3A_92, %mul3A_95 : vector<512x512xf32>
    %get3A_97 = arith.constant 0 : index
    %get3A_98 = arith.constant 0 : index
    %get3A_99 = vector.load %arg8[%get3A_97, %get3A_98] : memref<512x64xf32, #tpu.memory_space<vmem>>, vector<512x64xf32>
    %dot_general3A_100 = arith.constant dense<0.000000e+00> : vector<512x64xf32>
    %dot_general3A_101 = tpu.matmul %add3A_96, %get3A_99, %dot_general3A_100 {dimension_numbers = #tpu.dot_dimension_numbers<[1], [0], [0], [1], [0, 0, 1, 1], [], []>, transpose_lhs_hint = false} : vector<512x512xf32>, vector<512x64xf32>, vector<512x64xf32> -> vector<512x64xf32>
    %get3A_102 = arith.constant 0 : index
    %get3A_103 = arith.constant 0 : index
    %get3A_104 = vector.load %arg9[%get3A_102, %get3A_103] : memref<1x64xf32, #tpu.memory_space<vmem>>, vector<1x64xf32>
    %add3A_105 = vector.broadcast %get3A_104 : vector<1x64xf32> to vector<512x64xf32>
    %add3A_106 = arith.addf %dot_general3A_101, %add3A_105 : vector<512x64xf32>
    %swap3A = arith.constant 0 : index
    %swap3A_107 = arith.constant 0 : index
    %swap3A_108 = vector.load %arg10[%swap3A, %swap3A_107] : memref<512x64xf32, #tpu.memory_space<vmem>>, vector<512x64xf32>
    tpu.vector_store %arg10[%swap3A, %swap3A_107], %add3A_106 {strides = array<i32>} : memref<512x64xf32, #tpu.memory_space<vmem>>, vector<512x64xf32>,
    return
  }
  func.func @transform_0(%arg0: i32) -> (i32, i32, i32) {
    %c0_i32 = arith.constant 0 : i32
    %c0_i32_0 = arith.constant 0 : i32
    %c0_i32_1 = arith.constant 0 : i32
    return %c0_i32, %arg0, %c0_i32_0 : i32, i32, i32
  }
  func.func @transform_1(%arg0: i32) -> (i32, i32) {
    %c0_i32 = arith.constant 0 : i32
    %c0_i32_0 = arith.constant 0 : i32
    return %c0_i32, %arg0 : i32, i32
  }
  func.func @transform_2(%arg0: i32) -> (i32, i32) {
    %c0_i32 = arith.constant 0 : i32
    %c0_i32_0 = arith.constant 0 : i32
    return %arg0, %c0_i32 : i32, i32
  }
  func.func @transform_3(%arg0: i32) -> (i32, i32) {
    %c0_i32 = arith.constant 0 : i32
    %c0_i32_0 = arith.constant 0 : i32
    %c0_i32_1 = arith.constant 0 : i32
    return %c0_i32, %c0_i32_0 : i32, i32
  }
  func.func @transform_4(%arg0: i32) -> (i32, i32) {
    %c0_i32 = arith.constant 0 : i32
    %c0_i32_0 = arith.constant 0 : i32
    %c0_i32_1 = arith.constant 0 : i32
    return %c0_i32, %c0_i32_0 : i32, i32
  }
  func.func @transform_5(%arg0: i32) -> (i32, i32) {
    %c0_i32 = arith.constant 0 : i32
    %c0_i32_0 = arith.constant 0 : i32
    %c0_i32_1 = arith.constant 0 : i32
    return %c0_i32, %c0_i32_0 : i32, i32
  }
  func.func @transform_6(%arg0: i32) -> (i32, i32) {
    %c0_i32 = arith.constant 0 : i32
    %c0_i32_0 = arith.constant 0 : i32
    %c0_i32_1 = arith.constant 0 : i32
    return %c0_i32, %c0_i32_0 : i32, i32
  }
  func.func @transform_7(%arg0: i32) -> (i32, i32) {
    %c0_i32 = arith.constant 0 : i32
    %c0_i32_0 = arith.constant 0 : i32
    %c0_i32_1 = arith.constant 0 : i32
    return %c0_i32, %c0_i32_0 : i32, i32
  }
  func.func @transform_8(%arg0: i32) -> (i32, i32) {
    %c0_i32 = arith.constant 0 : i32
    %c0_i32_0 = arith.constant 0 : i32
    %c0_i32_1 = arith.constant 0 : i32
    return %c0_i32, %c0_i32_0 : i32, i32
  }
  func.func @transform_9(%arg0: i32) -> (i32, i32) {
    %c0_i32 = arith.constant 0 : i32
    %c0_i32_0 = arith.constant 0 : i32
    return %arg0, %c0_i32 : i32, i32
  }
}

</mosaic_0001>

<sc_bundles>
// kernel: kernel.6.cloned.1.call-start
scs
__scs_entry_jumppad:
0x0: {  	(pc) =	sbr.rel $0x88, $3  }
0x1: {  	(tag) =	ssettag $0x0;
	lr =	simm.s32 $0x1  }
0x2: {  	[smem:$0x3F95] =	sst lr;
	_ =	strace $0xD0000000  }
0x3: {  	_ = 	snop  }
0x4: {  	_ = 	snop  }
0x5: {  	_ = 	snop  }
0x6: {  	_ = 	snop  }
0x7: {  	_ = 	snop  }
__scs_overlays_trampoline_lowered:
0x8: {  	[smem:$0x3FA4] =	sst s0  }
0x9: {  	[smem:$0x3FA5] =	sst s1  }
0xa: {  	[smem:$0x3FA6] =	sst s2  }
0xb: {  	[smem:$0x3FA7] =	sst s3  }
0xc: {  	[smem:$0x3FA8] =	sst s4  }
0xd: {  	[smem:$0x3FA9] =	sst s5  }
0xe: {  	[smem:$0x3FAA] =	sst s6  }
0xf: {  	[smem:$0x3FAB] =	sst s7  }
0x10: {  	[smem:$0x3FAC] =	sst s8  }
0x11: {  	[smem:$0x3FAD] =	sst s9;
	s0 =	simm.s32 @!p0 $0x0  }
0x12: {  	s1 =	sld [smem:$0x3F93];
	s0 =	simm.s32 @p0 $0x1  }
0x13: {  	[smem:$0x3FAE] =	sst s0;
	s0 =	simm.s32 @!p1 $0x0  }
0x14: {  	s2 =	sld [smem:$0x3F92];
	s0 =	simm.s32 @p1 $0x1  }
0x15: {  	[smem:$0x3FAF] =	sst s0;
	s0 =	simm.s32 @!p2 $0x0  }
0x16: {  	s3 =	sld [smem:$0x3FDB];
	s0 =	simm.s32 @p2 $0x1  }
0x17: {  	s4 =	simm.s32 $0x1BF5;
	[smem:$0x3FB1] =	sst s0  }
0x18: {  	s0 =	sld [smem:$0x3F94];
	_ =	swait.ge [sflag:s4], $0x0  }
0x19: {  	s7 =	sld [smem:$0x3F95]  }
0x1a: {  	s8 =	sadd.s32 $0xFFFFE003, lr  }
0x1b: {  	s9 =	sadd.s32 $0xFFFFFEF7, lr;
	s5 =	simm.s32 $0xFFFFFFFF;
	p2 =	slt.u32 s8, $0xFFFFF086  }
0x1c: {  	p1 =	slt.u32 s9, $0xF7A;
	s5 =	simm.s32 @!p2 $0x0  }
0x1d: {  	s5 =	simm.s32 @p1 $0x1;
	p0 =	seq.s32 s7, s2  }
0x1e: {  	s7 =	smul.u32 @!p0 $0xF7A, s2;
	p2 =	seq.s32 @!p0 s5, $0x0  }
0x1f: {  	s9 =	smul.u32 $0xF7A, s1;
	s8 =	simm.s32 @!p0 $0x1BF5;
	p2 =	por !p2, p0  }
0x20: {  	[sflag:s8] =	ssyncset.s32 @!p0 $0xFFFFF086;
	s6 =	sadd.s32 @!p0 s3, s7;
	s7 =	simm.s32 @!p0 $0x108  }
0x21: {  	s3 =	sadd.s32 s3, s9;
	s6 =	sadd.s32 @!p0 $0x88, s6;
	s7 =	simm.s32 @p2 $0x1082  }
0x22: {  	[simem:s7], [sflag:s8] =	dma.local @!p0 [hbm:s6], $0xF7A  }
0x23: {  	s9 =	sor.u32 $0xD0000000, s2;
	s6 =	simm.s32 $0x108;
	_ =	swait.ge @!p0 [sflag:s8], $0x0  }
0x24: {  	s3 =	sadd.s32 $0x88, s3;
	s6 =	simm.s32 @!p1 $0x1082;
	[sflag:s4] =	ssyncset.s32 $0xFFFFF086  }
0x25: {  	[simem:s6], [sflag:s4] =	dma.local [hbm:s3], $0xF7A  }
0x26: {  	[smem:$0x3F95] =	sst s1;
	(tag) =	ssettag s2;
	_ =	strace s9  }
0x27: {  	s1 =	sld [smem:$0x3FA5]  }
0x28: {  	s2 =	sld [smem:$0x3FA6]  }
0x29: {  	s4 =	sld [smem:$0x3FA8]  }
0x2a: {  	p0 =	seq.s32 s5, $0x0;
	s5 =	sld [smem:$0x3FA9]  }
0x2b: {  	s6 =	sld [smem:$0x3FAA]  }
0x2c: {  	s7 =	sld [smem:$0x3FAB]  }
0x2d: {  	s3 =	simm.s32 $0x108;
	s8 =	sld [smem:$0x3FAC]  }
0x2e: {  	s3 =	simm.s32 @!p0 $0x1082;
	s9 =	sld [smem:$0x3FAD]  }
0x2f: {  	lr =	sadd.s32 s0, s3;
	s0 =	sld [smem:$0x3FA4]  }
0x30: {  	s3 =	sld [smem:$0x3FA7]  }
0x31: {  	[smem:$0x3FB0] =	sst s10  }
0x32: {  	s10 =	sld [smem:$0x3FAE];
	_ =	sdelay $0x3  }
0x33: {  	p0 =	seq.s32 s10, $0x1;
	s10 =	sld [smem:$0x3FB0];
	_ =	sdelay $0x3  }
0x34: {  	[smem:$0x3FB0] =	sst s10  }
0x35: {  	s10 =	sld [smem:$0x3FAF];
	_ =	sdelay $0x3  }
0x36: {  	p1 =	seq.s32 s10, $0x1;
	s10 =	sld [smem:$0x3FB0];
	_ =	sdelay $0x3  }
0x37: {  	[smem:$0x3FB0] =	sst s10  }
0x38: {  	s10 =	sld [smem:$0x3FB1]  }
0x39: {  	_ = 	snop;
	(pc) =	sbr.ind lr, $3  }
0x3a: {  	_ = 	snop  }
0x3b: {  	_ = 	snop  }
0x3c: {  	p2 =	seq.s32 s10, $0x1;
	s10 =	sld [smem:$0x3FB0]  }
0x3d: {  	_ =	shalt  }
0x3e: {  	_ =	shalt  }
0x3f: {  	_ =	shalt  }
0x40: {  	_ =	shalt  }
0x41: {  	_ =	shalt  }
0x42: {  	_ =	shalt  }
0x43: {  	_ =	shalt  }
0x44: {  	_ =	shalt  }
0x45: {  	_ =	shalt  }
0x46: {  	_ =	shalt  }
0x47: {  	_ =	shalt  }
0x48: {  	_ =	shalt  }
0x49: {  	_ =	shalt  }
0x4a: {  	_ =	shalt  }
0x4b: {  	_ =	shalt  }
0x4c: {  	_ =	shalt  }
0x4d: {  	_ =	shalt  }
0x4e: {  	_ =	shalt  }
0x4f: {  	_ =	shalt  }
0x50: {  	_ =	shalt  }
0x51: {  	_ =	shalt  }
0x52: {  	_ =	shalt  }
0x53: {  	_ =	shalt  }
0x54: {  	_ =	shalt  }
0x55: {  	_ =	shalt  }
0x56: {  	_ =	shalt  }
0x57: {  	_ =	shalt  }
0x58: {  	_ =	shalt  }
0x59: {  	_ =	shalt  }
0x5a: {  	_ =	shalt  }
0x5b: {  	_ =	shalt  }
0x5c: {  	_ =	shalt  }
0x5d: {  	_ =	shalt  }
0x5e: {  	_ =	shalt  }
0x5f: {  	_ =	shalt  }
0x60: {  	_ =	shalt  }
0x61: {  	_ =	shalt  }
0x62: {  	_ =	shalt  }
0x63: {  	_ =	shalt  }
0x64: {  	_ =	shalt  }
0x65: {  	_ =	shalt  }
0x66: {  	_ =	shalt  }
0x67: {  	_ =	shalt  }
0x68: {  	_ =	shalt  }
0x69: {  	_ =	shalt  }
0x6a: {  	_ =	shalt  }
0x6b: {  	_ =	shalt  }
0x6c: {  	_ =	shalt  }
0x6d: {  	_ =	shalt  }
0x6e: {  	_ =	shalt  }
0x6f: {  	_ =	shalt  }
0x70: {  	_ =	shalt  }
0x71: {  	_ =	shalt  }
0x72: {  	_ =	shalt  }
0x73: {  	_ =	shalt  }
0x74: {  	_ =	shalt  }
0x75: {  	_ =	shalt  }
0x76: {  	_ =	shalt  }
0x77: {  	_ =	shalt  }
0x78: {  	_ =	shalt  }
0x79: {  	_ =	shalt  }
0x7a: {  	_ =	shalt  }
0x7b: {  	_ =	shalt  }
0x7c: {  	_ =	shalt  }
0x7d: {  	_ =	shalt  }
0x7e: {  	_ =	shalt  }
0x7f: {  	_ =	shalt  }
0x80: {  	_ =	shalt  }
0x81: {  	_ =	shalt  }
0x82: {  	_ =	shalt  }
0x83: {  	_ =	shalt  }
0x84: {  	_ =	shalt  }
0x85: {  	_ =	shalt  }
0x86: {  	_ =	shalt  }
0x87: {  	_ =	shalt  }
.Lfunc_end0:
.L_simem_size_0:
called_computation_lowered:
.L_overlay_start_0:
0x88: {  	s2 =	sld [smem:$0x3FD9]  }
0x89: {  	s3 =	sld [smem:$0x3FFE];
	_ =	sdelay $0x1  }
0x8a: {  	s1 =	srdreg.scid  }
0x8b: {  	s0 =	sand.u32 $0x1, s1  }
0x8c: {  	s17 =	sshll.u32 s0, $0xA;
	s2 =	sadd.s32 s3, s2  }
0x8d: {  	s2 =	sadd.s32 s2, s17  }
0x8e: {  	[smem:$0x3FBC] =	sst s2  }
0x8f: {  	_ = 	snop  }
0x90: {  	s2 =	sld [smem:$0x3FD0];
	(tm) =	ssettm $0x1  }
0x91: {  	s18 =	sld [smem:$0x3FFB];
	_ =	sdelay $0x3  }
0x92: {  	_ =	strace s18  }
0x93: {  	s3 =	sld [smem:$0x3FFC];
	_ =	sdelay $0x3  }
0x94: {  	_ =	strace s3  }
0x95: {  	s3 =	sld [smem:$0x3FFD];
	_ =	sdelay $0x3  }
0x96: {  	_ =	strace s3  }
0x97: {  	_ =	strace $0x8FFFFFFF  }
0x98: {  	s19 =	sld [smem:$0x3FDB];
	_ =	sdelay $0x1  }
0x99: {  	s4 =	simm.s32 $_scs_section_size  }
0x9a: {  	s5 =	simm.s32 $_size__tile_overlayer_lowered;
	s6 =	simm.s32 $_tile_overlayer_lowered  }
0x9b: {  	s22 =	simm.s32 $0x1BFF;
	s21 =	sshll.u32 s6, $0x1;
	s3 =	sadd.s32 s4, s19  }
0x9c: {  	s7 =	simm.s32 $0x0;
	s20 =	sshll.u32 s5, $0x1;
	s5 =	sadd.s32 s21, s3  }
0x9d: {  	[timem:s7], [sflag:s22] =	dma.local [hbm:s5], s20  }
0x9e: {  	_ =	swait.ge [sflag:s22], s20  }
0x9f: {  	s4 =	ssub.s32 $0x0, s20;
	[sflag:s22] =	ssyncset.done $0x0  }
0xa0: {  	[sflag:s22] =	ssyncadd.s32 s4;
	_ =	sdelay $0x1  }
0xa1: {  	s23 =	simm.s32 $0x1B8B  }
0xa2: {  	_ =	swait.ge [sflag:s23], $0x1  }
0xa3: {  	[sflag:s23] =	ssyncset.done $0x0  }
0xa4: {  	s25 =	simm.s32 $0x1B8E;
	s24 =	sld [smem:$0x3FFE];
	[sflag:s23] =	ssyncadd.s32 $0xFFFFFFFF  }
0xa5: {  	s26 =	simm.s32 $execute0_lowered;
	[smem:$0x3FD2] =	sst s25  }
0xa6: {  	s5 =	sshll.u32 s26, $0x1;
	_ =	strace $0x80000046;
	[dreg:$0x1] =	wrdreg $0xFFFFFFFF  }
0xa7: {  	s28 =	simm.s32 $_size_execute0_lowered;
	s3 =	sadd.s32 s3, s5;
	[dreg:$0x0] =	wrdreg $0x0  }
0xa8: {  	s5 =	sshll.u32 s28, $0x1;
	[dreg:$0x2] =	wrdreg s3  }
0xa9: {  	[dreg:$0x3] =	wrdreg s5  }
0xaa: {  	[dreg:$0x4] =	wrdreg $0xC0  }
0xab: {  	_ =	task [dreg:s7], $0x5FFFF  }
0xac: {  	[dreg:$0x1] =	wrdreg $0xFFFFFFFF  }
0xad: {  	[dreg:$0x0] =	wrdreg $0x60  }
0xae: {  	[dreg:$0x2] =	wrdreg s24  }
0xaf: {  	[dreg:$0x3] =	wrdreg s2  }
0xb0: {  	[dreg:$0x4] =	wrdreg $0x0  }
0xb1: {  	[dreg:$0x5] =	wrdreg $0x9  }
0xb2: {  	_ =	task.clear_ibuf [dreg:s7], $0x6FFFF;
	_ =	strace $0x90000046  }
0xb3: {  	s29 =	simm.s32 $0x9;
	_ =	strace $0x80000048  }
0xb4: {  	_ =	swait.ge [sflag:s29], $0x1  }
0xb5: {  	[sflag:s29] =	ssyncadd.s32 $0xFFFFFFFF  }
0xb6: {  	_ =	strace $0x90000048  }
0xb7: {  	_ =	sfence  }
0xb8: {  	s30 =	sld [smem:$0x0];
	_ =	sdelay $0x2  }
0xb9: {  	s31 =	sshll.u32 s1, $0xD;
	s1 =	sshrl.u32 s1, $0x2  }
0xba: {  	s3 =	sand.u32 $0x4000, s31;
	s1 =	sadd.s32 s1, s30  }
0xbb: {  	s0 =	sor.u32 s3, s0;
	s1 =	sshll.u32 s1, $0x11  }
0xbc: {  	s0 =	sor.u32 s1, s0  }
0xbd: {  	s0 =	sadd.s32 $0x8F2B, s0  }
0xbe: {  	[sflag:s0] =	ssyncadd.remote.s32 $0x1  }
0xbf: {  	_ =	sfence.sel $0xFFFF  }
0xc0: {  	[dreg:$0x0] =	wrdreg $0xFFFFFFFF;
	(pc) =	sbr.abs _section_cstart, $3  }
0xc1: {  	[dreg:$0x1] =	wrdreg $0xFFFFFFFF  }
0xc2: {  	_ =	task.clear_ibuf [dreg:s7], $0x2FFFF;
	_ =	strace $0x9FFFFFFF  }
0xc3: {  	(tm) =	ssettm $0x7FFFFFFF  }
tec
execute0_lowered:
.L_overlay_start_1:
0x0: {  	(tag) =	ssettag $0x1  }
0x1: {  	s0 =	rddreg [dreg:$0x0]  }
0x2: {  	s7 =	rddreg [dreg:$0x1]  }
0x3: {  	s2 =	rddreg [dreg:$0x2]  }
0x4: {  	s1 =	srdreg.scid;
	s4 =	simm.s32 $0x0;
	s13 =	stileid.u32  }
0x5: {  	s17 =	simm.s32 $0x8000;
	s18 =	simm.s32 $0x2;
	s19 =	simm.s32 $0x14000  }
0x6: {  	s20 =	simm.s32 $0x14080;
	s21 =	simm.s32 $0x80;
	s22 =	simm.s32 $0x14100  }
0x7: {  	s23 =	simm.s32 $0x1;
	s14 =	sand.u32 $0x1, s1;
	[smem:$0x7FF] =	sst s4  }
0x8: {  	s25 =	sshll.u32 s13, $0xF;
	s6 =	sadd.s32 $0x4C00, s0;
	s8 =	sadd.s32 $0x124C00, s0  }
0x9: {  	s24 =	sadd.s32 $0x2C00, s0;
	s3 =	sshll.u32 s14, $0x13;
	_ =	strace $0x80000047  }
0xa: {  	s5 =	ssub.s32 $0x2, s14;
	s28 =	sshll.u32 s14, $0x1;
	s9 =	sshllo.u32 s14, $0x1  }
0xb: {  	s12 =	sadd.s32 s25, s2;
	s10 =	sshll.u32 s14, $0x14;
	[dreg:$0x4] =	wrdreg s14  }
0xc: {  	[dreg:$0x5] =	wrdreg s24;
	s3 =	sor.u32 s25, s3;
	s26 =	sshrl.u32 s5, $0x1  }
0xd: {  	s11 =	sshll.u32 s9, $0x13;
	[dreg:$0x6] =	wrdreg s12;
	s12 =	sadd.s32 $0x4000, s12  }
0xe: {  	s29 =	sor.u32 s25, s10;
	s10 =	sshll.u32 s13, $0x9;
	s3 =	sshrl.u32 s3, $0x3  }
0xf: {  	[dreg:$0x7] =	wrdreg s12;
	s1 =	sor.u32 s25, s11;
	s30 =	sshrl.u32 s29, $0x3  }
0x10: {  	[dreg:$0x8] =	wrdreg s10;
	s1 =	sshrl.u32 s1, $0x3;
	s11 =	sadd.s32 s8, s30  }
0x11: {  	s0 =	sadd.s32 s3, s0;
	[dreg:$0x9] =	wrdreg s11;
	s1 =	sadd.s32 s8, s1  }
0x12: {  	s3 =	ssub.s32 s5, s26;
	s0 =	sadd.s32 $0x104C00, s0;
	[dreg:$0xa] =	wrdreg s1  }
0x13: {  	v2 =	vimm.f32 $0.0e+00;
	s15 =	sadd.s32 s10, s7;
	s31 =	smax.u32 s3, $0x1;
	[dreg:$0xb] =	wrdreg s0  }
0x14: {  	v3 =	vlaneseq.u32;
	v0 =	vmov s28;
	v1 =	vmov s9;
	s16 =	sadd.s32 s10, s24;
	[dreg:$0xc] =	wrdreg s31;
	s1 =	simm.s32 $0x0  }
.LBB2_1:
0x15: {  	[dreg:$0xd] =	wrdreg s1;
	s0 =	simm.s32 $0x0;
	s1 =	simm.s32 $0x200  }
.LBB2_2:
0x16: {  	p0 =	sne.s32 s1, $0xFE00;
	[tilespmem:s0+$0x8070] =	vst v2  }
0x17: {  	[tilespmem:s0+$0x8000] =	vst v2  }
0x18: {  	[tilespmem:s0+$0x8010] =	vst v2  }
.Ltmp0:
0x19: {  	[tilespmem:s0+$0x8020] =	vst v2;
	(pc) =	sbr.rel @p0 .LBB2_2-.Ltmp0, $4  }
0x1a: {  	[tilespmem:s0+$0x8030] =	vst v2  }
0x1b: {  	[tilespmem:s0+$0x8040] =	vst v2  }
0x1c: {  	[tilespmem:s0+$0x8050] =	vst v2  }
0x1d: {  	[tilespmem:s0+$0x8060] =	vst v2;
	s0 =	sshra.s32 s1, $0x2;
	s1 =	sadd.s32 $0x200, s1  }
0x1e: {  	[tilespmem:s0+$0x8070] =	vst v2  }
0x1f: {  	[tilespmem:s0+$0x8000] =	vst v2  }
0x20: {  	[tilespmem:s0+$0x8010] =	vst v2  }
0x21: {  	[tilespmem:s0+$0x8020] =	vst v2  }
0x22: {  	[tilespmem:s0+$0x8030] =	vst v2  }
0x23: {  	[tilespmem:s0+$0x8040] =	vst v2  }
0x24: {  	[tilespmem:s0+$0x8050] =	vst v2  }
0x25: {  	[tilespmem:s0+$0x8060] =	vst v2;
	s0 =	simm.s32 $0x200;
	s1 =	simm.s32 $0x0  }
.LBB2_4:
0x26: {  	p0 =	sne.s32 s0, $0x1FE00;
	[tilespmem:s1+$0xC000] =	vst v2;
	s1 =	smov.u32 s0;
	s0 =	sadd.s32 $0x200, s0  }
.Ltmp1:
0x27: {  	(pc) =	sbr.rel @p0 .LBB2_4-.Ltmp1, $2  }
0x28: {  	_ =	sdelay $0x2  }
0x29: {  	s1 =	sshra.s32 s1, $0x2  }
0x2a: {  	[tilespmem:s1+$0xC000] =	vst v2;
	s0 =	rddreg [dreg:$0x6]  }
0x2b: {  	[spmem:s0] =	stream.linear.scatter [tilespmem:s17], [sflag:$0x2], $0x4000, $0x38;
	[tilespmem:$0x14180] =	vst v63  }
0x2c: {  	_ =	swait.ge [sflag:s18], $0x4000  }
0x2d: {  	[sflag:s18] =	ssyncset.done $0x0  }
0x2e: {  	s31 =	rddreg [dreg:$0x7];
	[sflag:s18] =	ssyncadd.s32 $0xFFFFC000  }
0x2f: {  	[spmem:s31] =	stream.linear.scatter [tilespmem:s17], [sflag:$0x2], $0x4000, $0x38;
	[tilespmem:$0x14180] =	vst v63  }
.Ltmp2:
0x30: {  	_ =	swait.ge [sflag:s18], $0x4000;
	(pc) =	sbr.rel .LBB2_6-.Ltmp2, $4  }
0x31: {  	[sflag:s18] =	ssyncset.done $0x0  }
0x32: {  	[sflag:s18] =	ssyncadd.s32 $0xFFFFC000  }
0x33: {  	[bflag:$0x0] =	sbarrier.arrive $0xFFFF  }
0x34: {  	s3 =	simm.s32 $0x0;
	s28 =	simm.s32 $0x0  }
.LBB2_10:
0x35: {  	s28 =	sadd.s32 $0x1, s28  }
0x36: {  	p0 =	sne.s32 s28, $0x20  }
.Ltmp3:
0x37: {  	_ = 	snop;
	(pc) =	sbr.rel @!p0 .LBB2_11-.Ltmp3, $1  }
0x38: {  	_ =	sdelay $0x3  }
.LBB2_6:
0x39: {  	s0 =	sshll.u32 s28, $0x4  }
0x3a: {  	s0 =	sadd.s32 s10, s0  }
0x3b: {  	s1 =	sadd.s32 s24, s0  }
0x3c: {  	[tilespmem:s19], [sflag:$0x2] =	stream.linear.gather [hbm4b:s1+s3], $0x80, $0x38;
	[tilespmem:$0x14180] =	vst v63  }
0x3d: {  	_ =	swait.ge [sflag:s18], $0x80  }
0x3e: {  	[sflag:s18] =	ssyncset.done $0x0  }
0x3f: {  	s0 =	sadd.s32 s7, s0;
	[sflag:s18] =	ssyncadd.s32 $0xFFFFFF80  }
0x40: {  	[tilespmem:s20], [sflag:$0x2] =	stream.linear.gather [hbm4b:s0+s3], $0x80, $0x38;
	[tilespmem:$0x14180] =	vst v63  }
0x41: {  	_ =	swait.ge [sflag:s18], $0x80  }
0x42: {  	[sflag:s18] =	ssyncset.done $0x0  }
0x43: {  	[sflag:s18] =	ssyncadd.s32 $0xFFFFFF80  }
0x44: {  	v4 =	vld [tilespmem:$0x14000]  }
0x45: {  	v5 =	vld [tilespmem:$0x14010]  }
0x46: {  	v6 =	vld [tilespmem:$0x14020]  }
0x47: {  	v7 =	vld [tilespmem:$0x14030]  }
0x48: {  	v8 =	vld [tilespmem:$0x14040]  }
0x49: {  	v9 =	vld [tilespmem:$0x14050];
	v4 =	vshll.u32 v4, $0x2  }
0x4a: {  	v10 =	vld [tilespmem:$0x14060];
	v5 =	vshll.u32 v5, $0x2;
	v4 =	vor.u32 v0, v4  }
0x4b: {  	v63 =	vld [tilespmem:$0x14070];
	[tilespmem:$0x14100] =	vst v4;
	v4 =	vor.u32 v0, v5;
	v5 =	vshll.u32 v6, $0x2  }
0x4c: {  	[tilespmem:$0x14110] =	vst v4;
	v4 =	vor.u32 v0, v5;
	v5 =	vshll.u32 v7, $0x2  }
0x4d: {  	[tilespmem:$0x14120] =	vst v4;
	v4 =	vor.u32 v0, v5;
	v5 =	vshll.u32 v8, $0x2  }
0x4e: {  	[tilespmem:$0x14130] =	vst v4;
	v4 =	vor.u32 v0, v5;
	v5 =	vshll.u32 v9, $0x2  }
0x4f: {  	[tilespmem:$0x14140] =	vst v4;
	v4 =	vor.u32 v0, v5;
	v5 =	vshll.u32 v10, $0x2  }
0x50: {  	[tilespmem:$0x14150] =	vst v4;
	v4 =	vor.u32 v0, v5;
	v5 =	vshll.u32 v63, $0x2  }
0x51: {  	[tilespmem:$0x14160] =	vst v4;
	v4 =	vor.u32 v0, v5  }
0x52: {  	[tilespmem:$0x14170] =	vst v4  }
0x53: {  	[tilespmem:s17], [sflag:$0x1] =	stream.indirect.gather [hbm4b:s6+s21], $0x80, s22, s21, $0xb8;
	[tilespmem:$0x14180] =	vst v63  }
0x54: {  	s31 =	sand.u32 $0x1, s28;
	_ =	swait.ge [sflag:s23], $0x4000  }
0x55: {  	p0 =	sne.s32 s31, s14;
	[sflag:s23] =	ssyncset.done $0x0  }
.Ltmp4:
0x56: {  	[sflag:s23] =	ssyncadd.s32 $0xFFFFC000;
	(pc) =	sbr.rel @p0 .LBB2_10-.Ltmp4, $4  }
0x57: {  	[spmem:s2] =	stream.indirect.scatter.add.f32 [tilespmem:s17], [sflag:$0x2], $0x80, s20, s21, $0xb8;
	[tilespmem:$0x14180] =	vst v63  }
0x58: {  	_ =	swait.ge [sflag:s18], $0x4000  }
0x59: {  	[sflag:s18] =	ssyncset.done $0x0  }
0x5a: {  	[sflag:s18] =	ssyncadd.s32 $0xFFFFC000  }
0x5b: {  	s0 =	simm.s32 $0x0  }
0x5c: {  	v4 =	vld [tilespmem:s0+$0x14080];
	_ =	sdelay $0x4  }
0x5d: {  	(v2sf) =	vpush v4, $0x0;
	_ =	sdelay $0x7  }
0x5e: {  	(v2sf) =	vpush v4, $0x1;
	_ =	sdelay $0x6  }
0x5f: {  	s14 =	spop (v2sf)  }
0x60: {  	(v2sf) =	vpush v4, $0x2;
	s1 =	sshll.u32 s14, $0x3  }
0x61: {  	s1 =	sand.u32 $0xFFFFFF80, s1  }
0x62: {  	v5 =	vld [tilespmem:s1+$0xC000]  }
0x63: {  	s0 =	sand.u32 $0xF, s14  }
0x64: {  	v6 =	vmov s0  }
0x65: {  	vm0 =	veq.s32 v6, v3  }
0x66: {  	v6 =	vsel vm0, $0x3F800000, v2  }
0x67: {  	s24 =	spop (v2sf);
	v5 =	vadd.f32 v6, v5  }
0x68: {  	(v2sf) =	vpush v4, $0x3;
	s3 =	sshll.u32 s24, $0x3  }
0x69: {  	s25 =	sand.u32 $0xFFFFFF80, s3;
	[tilespmem:s1+$0xC000] =	vst v5  }
0x6a: {  	v5 =	vld [tilespmem:s25+$0xC000]  }
0x6b: {  	s0 =	sand.u32 $0xF, s24  }
0x6c: {  	v6 =	vmov s0  }
0x6d: {  	vm13 =	veq.s32 v6, v3  }
0x6e: {  	v6 =	vsel vm13, $0x3F800000, v2  }
0x6f: {  	s26 =	spop (v2sf);
	v5 =	vadd.f32 v6, v5  }
0x70: {  	(v2sf) =	vpush v4, $0x4;
	s31 =	sshll.u32 s26, $0x3  }
0x71: {  	s3 =	sand.u32 $0xFFFFFF80, s31;
	[tilespmem:s25+$0xC000] =	vst v5  }
0x72: {  	v5 =	vld [tilespmem:s3+$0xC000]  }
0x73: {  	s0 =	sand.u32 $0xF, s26  }
0x74: {  	v6 =	vmov s0  }
0x75: {  	vm14 =	veq.s32 v6, v3  }
0x76: {  	v6 =	vsel vm14, $0x3F800000, v2  }
0x77: {  	s5 =	spop (v2sf);
	v5 =	vadd.f32 v6, v5  }
0x78: {  	(v2sf) =	vpush v4, $0x5;
	s7 =	sshll.u32 s5, $0x3  }
0x79: {  	s8 =	sand.u32 $0xFFFFFF80, s7;
	[tilespmem:s3+$0xC000] =	vst v5  }
0x7a: {  	v5 =	vld [tilespmem:s8+$0xC000]  }
0x7b: {  	s0 =	sand.u32 $0xF, s5  }
0x7c: {  	v6 =	vmov s0  }
0x7d: {  	vm15 =	veq.s32 v6, v3  }
0x7e: {  	v6 =	vsel vm15, $0x3F800000, v2  }
0x7f: {  	s9 =	spop (v2sf);
	v5 =	vadd.f32 v5, v6  }
0x80: {  	(v2sf) =	vpush v4, $0x6;
	s10 =	sshll.u32 s9, $0x3  }
0x81: {  	s11 =	sand.u32 $0xFFFFFF80, s10;
	[tilespmem:s8+$0xC000] =	vst v5  }
0x82: {  	v5 =	vld [tilespmem:s11+$0xC000]  }
0x83: {  	s0 =	sand.u32 $0xF, s9  }
0x84: {  	v6 =	vmov s0  }
0x85: {  	vm4 =	veq.s32 v6, v3  }
0x86: {  	v6 =	vsel vm4, $0x3F800000, v2  }
0x87: {  	s12 =	spop (v2sf);
	v5 =	vadd.f32 v5, v6  }
0x88: {  	(v2sf) =	vpush v4, $0x7;
	s13 =	sshll.u32 s12, $0x3  }
0x89: {  	s14 =	sand.u32 $0xFFFFFF80, s13;
	[tilespmem:s11+$0xC000] =	vst v5  }
0x8a: {  	v5 =	vld [tilespmem:s14+$0xC000]  }
0x8b: {  	s0 =	sand.u32 $0xF, s12  }
0x8c: {  	v6 =	vmov s0  }
0x8d: {  	vm5 =	veq.s32 v6, v3  }
0x8e: {  	v6 =	vsel vm5, $0x3F800000, v2  }
0x8f: {  	s24 =	spop (v2sf);
	v5 =	vadd.f32 v5, v6  }
0x90: {  	(v2sf) =	vpush v4, $0x8;
	s25 =	sshll.u32 s24, $0x3  }
0x91: {  	s26 =	sand.u32 $0xFFFFFF80, s25;
	[tilespmem:s14+$0xC000] =	vst v5  }
0x92: {  	v5 =	vld [tilespmem:s26+$0xC000]  }
0x93: {  	s0 =	sand.u32 $0xF, s24  }
0x94: {  	v6 =	vmov s0  }
0x95: {  	vm6 =	veq.s32 v6, v3  }
0x96: {  	v6 =	vsel vm6, $0x3F800000, v2  }
0x97: {  	s31 =	spop (v2sf);
	v5 =	vadd.f32 v5, v6  }
0x98: {  	(v2sf) =	vpush v4, $0x9;
	s5 =	sshll.u32 s31, $0x3  }
0x99: {  	s7 =	sand.u32 $0xFFFFFF80, s5;
	[tilespmem:s26+$0xC000] =	vst v5  }
0x9a: {  	v5 =	vld [tilespmem:s7+$0xC000]  }
0x9b: {  	s0 =	sand.u32 $0xF, s31  }
0x9c: {  	v6 =	vmov s0  }
0x9d: {  	vm7 =	veq.s32 v6, v3  }
0x9e: {  	v6 =	vsel vm7, $0x3F800000, v2  }
0x9f: {  	s8 =	spop (v2sf);
	v5 =	vadd.f32 v5, v6  }
0xa0: {  	(v2sf) =	vpush v4, $0xA;
	s9 =	sshll.u32 s8, $0x3  }
0xa1: {  	s10 =	sand.u32 $0xFFFFFF80, s9;
	[tilespmem:s7+$0xC000] =	vst v5  }
0xa2: {  	v5 =	vld [tilespmem:s10+$0xC000]  }
0xa3: {  	s0 =	sand.u32 $0xF, s8  }
0xa4: {  	v6 =	vmov s0  }
0xa5: {  	vm8 =	veq.s32 v6, v3  }
0xa6: {  	v6 =	vsel vm8, $0x3F800000, v2  }
0xa7: {  	s11 =	spop (v2sf);
	v5 =	vadd.f32 v5, v6  }
0xa8: {  	(v2sf) =	vpush v4, $0xB;
	s12 =	sshll.u32 s11, $0x3  }
0xa9: {  	s13 =	sand.u32 $0xFFFFFF80, s12;
	[tilespmem:s10+$0xC000] =	vst v5  }
0xaa: {  	v5 =	vld [tilespmem:s13+$0xC000]  }
0xab: {  	s0 =	sand.u32 $0xF, s11  }
0xac: {  	v6 =	vmov s0  }
0xad: {  	vm9 =	veq.s32 v6, v3  }
0xae: {  	v6 =	vsel vm9, $0x3F800000, v2  }
0xaf: {  	s14 =	spop (v2sf);
	v5 =	vadd.f32 v5, v6  }
0xb0: {  	(v2sf) =	vpush v4, $0xC;
	s24 =	sshll.u32 s14, $0x3  }
0xb1: {  	s25 =	sand.u32 $0xFFFFFF80, s24;
	[tilespmem:s13+$0xC000] =	vst v5  }
0xb2: {  	v5 =	vld [tilespmem:s25+$0xC000]  }
0xb3: {  	s0 =	sand.u32 $0xF, s14  }
0xb4: {  	v6 =	vmov s0  }
0xb5: {  	vm10 =	veq.s32 v6, v3  }
0xb6: {  	v6 =	vsel vm10, $0x3F800000, v2  }
0xb7: {  	s26 =	spop (v2sf);
	v5 =	vadd.f32 v5, v6  }
0xb8: {  	(v2sf) =	vpush v4, $0xD;
	s31 =	sshll.u32 s26, $0x3  }
0xb9: {  	s5 =	sand.u32 $0xFFFFFF80, s31;
	[tilespmem:s25+$0xC000] =	vst v5  }
0xba: {  	v5 =	vld [tilespmem:s5+$0xC000]  }
0xbb: {  	s0 =	sand.u32 $0xF, s26  }
0xbc: {  	v6 =	vmov s0  }
0xbd: {  	vm11 =	veq.s32 v6, v3  }
0xbe: {  	v6 =	vsel vm11, $0x3F800000, v2  }
0xbf: {  	s7 =	spop (v2sf);
	v5 =	vadd.f32 v5, v6  }
0xc0: {  	(v2sf) =	vpush v4, $0xE;
	s8 =	sshll.u32 s7, $0x3  }
0xc1: {  	s9 =	sand.u32 $0xFFFFFF80, s8;
	[tilespmem:s5+$0xC000] =	vst v5  }
0xc2: {  	v5 =	vld [tilespmem:s9+$0xC000]  }
0xc3: {  	s0 =	sand.u32 $0xF, s7  }
0xc4: {  	v6 =	vmov s0  }
0xc5: {  	vm12 =	veq.s32 v6, v3  }
0xc6: {  	v6 =	vsel vm12, $0x3F800000, v2  }
0xc7: {  	s10 =	spop (v2sf);
	v5 =	vadd.f32 v5, v6  }
0xc8: {  	(v2sf) =	vpush v4, $0xF;
	s11 =	sshll.u32 s10, $0x3  }
0xc9: {  	s12 =	sand.u32 $0xFFFFFF80, s11;
	[tilespmem:s9+$0xC000] =	vst v5  }
0xca: {  	v4 =	vld [tilespmem:s12+$0xC000]  }
0xcb: {  	s0 =	sand.u32 $0xF, s10  }
0xcc: {  	v5 =	vmov s0  }
0xcd: {  	vm13 =	veq.s32 v5, v3  }
0xce: {  	v5 =	vsel vm13, $0x3F800000, v2  }
0xcf: {  	s13 =	spop (v2sf);
	v4 =	vadd.f32 v4, v5  }
0xd0: {  	s14 =	sshll.u32 s13, $0x3  }
0xd1: {  	s24 =	sand.u32 $0xFFFFFF80, s14;
	[tilespmem:s12+$0xC000] =	vst v4  }
0xd2: {  	v4 =	vld [tilespmem:s24+$0xC000]  }
0xd3: {  	s0 =	sand.u32 $0xF, s13  }
0xd4: {  	v5 =	vmov s0  }
0xd5: {  	vm14 =	veq.s32 v5, v3  }
0xd6: {  	v5 =	vsel vm14, $0x3F800000, v2  }
0xd7: {  	s25 =	spop (v2sf);
	v4 =	vadd.f32 v4, v5  }
0xd8: {  	s26 =	sshll.u32 s25, $0x3  }
0xd9: {  	s0 =	sand.u32 $0xFFFFFF80, s26;
	[tilespmem:s24+$0xC000] =	vst v4  }
0xda: {  	v4 =	vld [tilespmem:s0+$0xC000]  }
0xdb: {  	s31 =	sand.u32 $0xF, s25  }
0xdc: {  	v5 =	vmov s31  }
0xdd: {  	vm15 =	veq.s32 v5, v3  }
0xde: {  	v5 =	vsel vm15, $0x3F800000, v2  }
0xdf: {  	s29 =	simm.s32 $0x40;
	s30 =	simm.s32 $0x80;
	v4 =	vadd.f32 v4, v5  }
.LBB2_8:
0xe0: {  	p0 =	sne.s32 s30, $0x1C0  }
0xe1: {  	s1 =	sshra.s32 s29, $0x2;
	s29 =	smov.u32 s30;
	s30 =	sadd.s32 $0x40, s30;
	[tilespmem:s0+$0xC000] =	vst v4  }
0xe2: {  	v4 =	vld [tilespmem:s1+$0x14080];
	_ =	sdelay $0x4  }
0xe3: {  	(v2sf) =	vpush v4, $0x0  }
0xe4: {  	(v2sf) =	vpush v4, $0x1;
	_ =	sdelay $0x1  }
0xe5: {  	(v2sf) =	vpush v4, $0x2  }
0xe6: {  	(v2sf) =	vpush v4, $0x3  }
0xe7: {  	(v2sf) =	vpush v4, $0x4  }
0xe8: {  	(v2sf) =	vpush v4, $0x5  }
0xe9: {  	(v2sf) =	vpush v4, $0x6  }
0xea: {  	(v2sf) =	vpush v4, $0x7  }
0xeb: {  	(v2sf) =	vpush v4, $0x8;
	_ =	sdelay $0x1  }
0xec: {  	(v2sf) =	vpush v4, $0x9  }
0xed: {  	(v2sf) =	vpush v4, $0xA  }
0xee: {  	(v2sf) =	vpush v4, $0xB  }
0xef: {  	(v2sf) =	vpush v4, $0xC  }
0xf0: {  	s0 =	spop (v2sf);
	(v2sf) =	vpush v4, $0xD  }
0xf1: {  	s1 =	sand.u32 $0xF, s0;
	s0 =	sshll.u32 s0, $0x3;
	s3 =	spop (v2sf);
	(v2sf) =	vpush v4, $0xE  }
0xf2: {  	v5 =	vmov s1;
	s0 =	sand.u32 $0xFFFFFF80, s0;
	s1 =	sand.u32 $0xF, s3;
	s3 =	sshll.u32 s3, $0x3;
	(v2sf) =	vpush v4, $0xF  }
0xf3: {  	vm1 =	veq.s32 v5, v3;
	v4 =	vld [tilespmem:s0+$0xC000];
	v5 =	vmov s1;
	s1 =	spop (v2sf)  }
0xf4: {  	vm0 =	veq.s32 v5, v3;
	s5 =	sand.u32 $0xF, s1;
	s31 =	sshll.u32 s1, $0x3;
	s1 =	spop (v2sf)  }
0xf5: {  	v5 =	vmov s5;
	s8 =	sand.u32 $0xF, s1;
	s5 =	sshll.u32 s1, $0x3;
	s1 =	spop (v2sf)  }
0xf6: {  	vm13 =	veq.s32 v5, v3;
	v5 =	vmov s8;
	s8 =	sand.u32 $0xF, s1;
	s1 =	sshll.u32 s1, $0x3;
	s9 =	spop (v2sf)  }
0xf7: {  	v6 =	vsel vm1, $0x3F800000, v2;
	vm12 =	veq.s32 v5, v3;
	v5 =	vmov s8;
	s8 =	sand.u32 $0xF, s9;
	s25 =	sshll.u32 s9, $0x3;
	s9 =	spop (v2sf)  }
0xf8: {  	v4 =	vadd.f32 v6, v4;
	vm11 =	veq.s32 v5, v3;
	v5 =	vmov s8;
	s11 =	sand.u32 $0xF, s9;
	s8 =	sshll.u32 s9, $0x3;
	s9 =	spop (v2sf)  }
0xf9: {  	vm10 =	veq.s32 v5, v3;
	v5 =	vmov s11;
	s11 =	sand.u32 $0xF, s9;
	s9 =	sshll.u32 s9, $0x3;
	s12 =	spop (v2sf)  }
0xfa: {  	s7 =	sand.u32 $0xFFFFFF80, s3;
	[tilespmem:s0+$0xC000] =	vst v4;
	vm9 =	veq.s32 v5, v3;
	v4 =	vmov s11;
	s0 =	sand.u32 $0xF, s12;
	s14 =	sshll.u32 s12, $0x3  }
0xfb: {  	v5 =	vld [tilespmem:s7+$0xC000];
	vm8 =	veq.s32 v4, v3;
	v4 =	vmov s0;
	s0 =	spop (v2sf)  }
0xfc: {  	vm7 =	veq.s32 v4, v3;
	s3 =	sand.u32 $0xF, s0;
	s13 =	sshll.u32 s0, $0x3;
	s0 =	spop (v2sf)  }
0xfd: {  	v4 =	vmov s3;
	s3 =	sand.u32 $0xF, s0;
	s12 =	sshll.u32 s0, $0x3;
	s0 =	spop (v2sf)  }
0xfe: {  	vm6 =	veq.s32 v4, v3;
	v4 =	vmov s3;
	s3 =	sand.u32 $0xF, s0;
	s11 =	sshll.u32 s0, $0x3;
	s0 =	spop (v2sf)  }
0xff: {  	v6 =	vsel vm0, $0x3F800000, v2;
	vm5 =	veq.s32 v4, v3;
	v4 =	vmov s3;
	s24 =	sand.u32 $0xF, s0;
	s3 =	sshll.u32 s0, $0x3;
	s0 =	spop (v2sf)  }
0x100: {  	v5 =	vadd.f32 v6, v5;
	vm4 =	veq.s32 v4, v3;
	v4 =	vmov s24;
	s10 =	sand.u32 $0xF, s0;
	s24 =	sshll.u32 s0, $0x3;
	s0 =	spop (v2sf)  }
0x101: {  	vm3 =	veq.s32 v4, v3;
	v4 =	vmov s10;
	s10 =	sand.u32 $0xF, s0;
	s0 =	sshll.u32 s0, $0x3;
	s26 =	spop (v2sf)  }
0x102: {  	[tilespmem:s7+$0xC000] =	vst v5;
	s7 =	sand.u32 $0xFFFFFF80, s31;
	vm2 =	veq.s32 v4, v3;
	v4 =	vmov s10;
	s10 =	sand.u32 $0xF, s26;
	s31 =	sshll.u32 s26, $0x3  }
0x103: {  	v5 =	vld [tilespmem:s7+$0xC000];
	vm1 =	veq.s32 v4, v3;
	v4 =	vmov s10  }
0x104: {  	vm0 =	veq.s32 v4, v3;
	_ =	sdelay $0x2  }
0x105: {  	v4 =	vsel vm13, $0x3F800000, v2  }
0x106: {  	v4 =	vadd.f32 v4, v5;
	_ =	sdelay $0x1  }
0x107: {  	s5 =	sand.u32 $0xFFFFFF80, s5;
	[tilespmem:s7+$0xC000] =	vst v4  }
0x108: {  	v4 =	vld [tilespmem:s5+$0xC000];
	_ =	sdelay $0x3  }
0x109: {  	v5 =	vsel vm12, $0x3F800000, v2  }
0x10a: {  	v4 =	vadd.f32 v4, v5;
	_ =	sdelay $0x1  }
0x10b: {  	s1 =	sand.u32 $0xFFFFFF80, s1;
	[tilespmem:s5+$0xC000] =	vst v4  }
0x10c: {  	v4 =	vld [tilespmem:s1+$0xC000];
	_ =	sdelay $0x3  }
0x10d: {  	v5 =	vsel vm11, $0x3F800000, v2  }
0x10e: {  	v4 =	vadd.f32 v4, v5;
	_ =	sdelay $0x1  }
0x10f: {  	[tilespmem:s1+$0xC000] =	vst v4;
	s1 =	sand.u32 $0xFFFFFF80, s25  }
0x110: {  	v4 =	vld [tilespmem:s1+$0xC000];
	_ =	sdelay $0x3  }
0x111: {  	v5 =	vsel vm10, $0x3F800000, v2  }
0x112: {  	v4 =	vadd.f32 v4, v5;
	_ =	sdelay $0x1  }
0x113: {  	[tilespmem:s1+$0xC000] =	vst v4;
	s1 =	sand.u32 $0xFFFFFF80, s8  }
0x114: {  	v4 =	vld [tilespmem:s1+$0xC000];
	_ =	sdelay $0x3  }
0x115: {  	v5 =	vsel vm9, $0x3F800000, v2  }
0x116: {  	v4 =	vadd.f32 v4, v5;
	_ =	sdelay $0x1  }
0x117: {  	[tilespmem:s1+$0xC000] =	vst v4;
	s1 =	sand.u32 $0xFFFFFF80, s9  }
0x118: {  	v4 =	vld [tilespmem:s1+$0xC000];
	_ =	sdelay $0x3  }
0x119: {  	v5 =	vsel vm8, $0x3F800000, v2  }
0x11a: {  	v4 =	vadd.f32 v4, v5;
	_ =	sdelay $0x1  }
0x11b: {  	[tilespmem:s1+$0xC000] =	vst v4;
	s1 =	sand.u32 $0xFFFFFF80, s14  }
0x11c: {  	v4 =	vld [tilespmem:s1+$0xC000];
	_ =	sdelay $0x3  }
0x11d: {  	v5 =	vsel vm7, $0x3F800000, v2  }
0x11e: {  	v4 =	vadd.f32 v4, v5;
	_ =	sdelay $0x1  }
0x11f: {  	[tilespmem:s1+$0xC000] =	vst v4;
	s1 =	sand.u32 $0xFFFFFF80, s13  }
0x120: {  	v4 =	vld [tilespmem:s1+$0xC000];
	_ =	sdelay $0x3  }
0x121: {  	v5 =	vsel vm6, $0x3F800000, v2  }
0x122: {  	v4 =	vadd.f32 v4, v5;
	_ =	sdelay $0x1  }
0x123: {  	[tilespmem:s1+$0xC000] =	vst v4;
	s1 =	sand.u32 $0xFFFFFF80, s12  }
0x124: {  	v4 =	vld [tilespmem:s1+$0xC000];
	_ =	sdelay $0x3  }
0x125: {  	v5 =	vsel vm5, $0x3F800000, v2  }
0x126: {  	v4 =	vadd.f32 v4, v5;
	_ =	sdelay $0x1  }
0x127: {  	[tilespmem:s1+$0xC000] =	vst v4;
	s1 =	sand.u32 $0xFFFFFF80, s11  }
0x128: {  	v4 =	vld [tilespmem:s1+$0xC000];
	_ =	sdelay $0x3  }
0x129: {  	v5 =	vsel vm4, $0x3F800000, v2  }
0x12a: {  	v4 =	vadd.f32 v4, v5;
	_ =	sdelay $0x1  }
0x12b: {  	[tilespmem:s1+$0xC000] =	vst v4;
	s1 =	sand.u32 $0xFFFFFF80, s3  }
0x12c: {  	v4 =	vld [tilespmem:s1+$0xC000];
	_ =	sdelay $0x3  }
0x12d: {  	v5 =	vsel vm3, $0x3F800000, v2  }
0x12e: {  	v4 =	vadd.f32 v4, v5;
	_ =	sdelay $0x1  }
0x12f: {  	[tilespmem:s1+$0xC000] =	vst v4;
	s1 =	sand.u32 $0xFFFFFF80, s24  }
0x130: {  	v4 =	vld [tilespmem:s1+$0xC000];
	_ =	sdelay $0x3  }
0x131: {  	v5 =	vsel vm2, $0x3F800000, v2  }
0x132: {  	v4 =	vadd.f32 v4, v5;
	_ =	sdelay $0x1  }
0x133: {  	s0 =	sand.u32 $0xFFFFFF80, s0;
	[tilespmem:s1+$0xC000] =	vst v4  }
0x134: {  	v4 =	vld [tilespmem:s0+$0xC000];
	_ =	sdelay $0x3  }
0x135: {  	v5 =	vsel vm1, $0x3F800000, v2  }
0x136: {  	v4 =	vadd.f32 v4, v5;
	_ =	sdelay $0x1  }
0x137: {  	[tilespmem:s0+$0xC000] =	vst v4;
	s0 =	sand.u32 $0xFFFFFF80, s31  }
0x138: {  	v4 =	vld [tilespmem:s0+$0xC000]  }
.Ltmp5:
0x139: {  	(pc) =	sbr.rel @p0 .LBB2_8-.Ltmp5, $3  }
0x13a: {  	_ =	sdelay $0x1  }
0x13b: {  	v5 =	vsel vm0, $0x3F800000, v2  }
0x13c: {  	v4 =	vadd.f32 v4, v5  }
0x13d: {  	_ = 	snop  }
0x13e: {  	s1 =	sshra.s32 s29, $0x2;
	[tilespmem:s0+$0xC000] =	vst v4  }
0x13f: {  	v4 =	vld [tilespmem:s1+$0x14080];
	_ =	sdelay $0x4  }
0x140: {  	(v2sf) =	vpush v4, $0x0;
	_ =	sdelay $0x7  }
0x141: {  	(v2sf) =	vpush v4, $0x1;
	_ =	sdelay $0x6  }
0x142: {  	s5 =	spop (v2sf)  }
0x143: {  	(v2sf) =	vpush v4, $0x2;
	s7 =	sshll.u32 s5, $0x3  }
0x144: {  	s1 =	sand.u32 $0xFFFFFF80, s7  }
0x145: {  	v5 =	vld [tilespmem:s1+$0xC000]  }
0x146: {  	s0 =	sand.u32 $0xF, s5  }
0x147: {  	v6 =	vmov s0  }
0x148: {  	vm0 =	veq.s32 v6, v3  }
0x149: {  	v6 =	vsel vm0, $0x3F800000, v2  }
0x14a: {  	s8 =	spop (v2sf);
	v5 =	vadd.f32 v6, v5  }
0x14b: {  	(v2sf) =	vpush v4, $0x3;
	s3 =	sshll.u32 s8, $0x3  }
0x14c: {  	s9 =	sand.u32 $0xFFFFFF80, s3;
	[tilespmem:s1+$0xC000] =	vst v5  }
0x14d: {  	v5 =	vld [tilespmem:s9+$0xC000]  }
0x14e: {  	s0 =	sand.u32 $0xF, s8  }
0x14f: {  	v52 =	vmov s0  }
0x150: {  	vm13 =	veq.s32 v52, v3  }
0x151: {  	v6 =	vsel vm13, $0x3F800000, v2  }
0x152: {  	s10 =	spop (v2sf);
	v5 =	vadd.f32 v6, v5  }
0x153: {  	(v2sf) =	vpush v4, $0x4;
	s11 =	sshll.u32 s10, $0x3  }
0x154: {  	s12 =	sand.u32 $0xFFFFFF80, s11;
	[tilespmem:s9+$0xC000] =	vst v5  }
0x155: {  	v5 =	vld [tilespmem:s12+$0xC000]  }
0x156: {  	s0 =	sand.u32 $0xF, s10  }
0x157: {  	v53 =	vmov s0  }
0x158: {  	vm14 =	veq.s32 v53, v3  }
0x159: {  	v6 =	vsel vm14, $0x3F800000, v2  }
0x15a: {  	s13 =	spop (v2sf);
	v5 =	vadd.f32 v6, v5  }
0x15b: {  	(v2sf) =	vpush v4, $0x5;
	s14 =	sshll.u32 s13, $0x3  }
0x15c: {  	s24 =	sand.u32 $0xFFFFFF80, s14;
	[tilespmem:s12+$0xC000] =	vst v5  }
0x15d: {  	v5 =	vld [tilespmem:s24+$0xC000]  }
0x15e: {  	s0 =	sand.u32 $0xF, s13  }
0x15f: {  	v54 =	vmov s0  }
0x160: {  	vm15 =	veq.s32 v54, v3  }
0x161: {  	v6 =	vsel vm15, $0x3F800000, v2  }
0x162: {  	s25 =	spop (v2sf);
	v5 =	vadd.f32 v5, v6  }
0x163: {  	(v2sf) =	vpush v4, $0x6;
	s26 =	sshll.u32 s25, $0x3  }
0x164: {  	s29 =	sand.u32 $0xFFFFFF80, s26;
	[tilespmem:s24+$0xC000] =	vst v5  }
0x165: {  	v5 =	vld [tilespmem:s29+$0xC000]  }
0x166: {  	s0 =	sand.u32 $0xF, s25  }
0x167: {  	v55 =	vmov s0  }
0x168: {  	vm4 =	veq.s32 v55, v3  }
0x169: {  	v6 =	vsel vm4, $0x3F800000, v2  }
0x16a: {  	s30 =	spop (v2sf);
	v5 =	vadd.f32 v5, v6  }
0x16b: {  	(v2sf) =	vpush v4, $0x7;
	s31 =	sshll.u32 s30, $0x3  }
0x16c: {  	s5 =	sand.u32 $0xFFFFFF80, s31;
	[tilespmem:s29+$0xC000] =	vst v5  }
0x16d: {  	v5 =	vld [tilespmem:s5+$0xC000]  }
0x16e: {  	s0 =	sand.u32 $0xF, s30  }
0x16f: {  	v56 =	vmov s0  }
0x170: {  	vm5 =	veq.s32 v56, v3  }
0x171: {  	v6 =	vsel vm5, $0x3F800000, v2  }
0x172: {  	s7 =	spop (v2sf);
	v5 =	vadd.f32 v5, v6  }
0x173: {  	(v2sf) =	vpush v4, $0x8;
	s8 =	sshll.u32 s7, $0x3  }
0x174: {  	s9 =	sand.u32 $0xFFFFFF80, s8;
	[tilespmem:s5+$0xC000] =	vst v5  }
0x175: {  	v5 =	vld [tilespmem:s9+$0xC000]  }
0x176: {  	s0 =	sand.u32 $0xF, s7  }
0x177: {  	v57 =	vmov s0  }
0x178: {  	vm6 =	veq.s32 v57, v3  }
0x179: {  	v6 =	vsel vm6, $0x3F800000, v2  }
0x17a: {  	s10 =	spop (v2sf);
	v5 =	vadd.f32 v5, v6  }
0x17b: {  	(v2sf) =	vpush v4, $0x9;
	s11 =	sshll.u32 s10, $0x3  }
0x17c: {  	s12 =	sand.u32 $0xFFFFFF80, s11;
	[tilespmem:s9+$0xC000] =	vst v5  }
0x17d: {  	v5 =	vld [tilespmem:s12+$0xC000]  }
0x17e: {  	s0 =	sand.u32 $0xF, s10  }
0x17f: {  	v58 =	vmov s0  }
0x180: {  	vm7 =	veq.s32 v58, v3  }
0x181: {  	v6 =	vsel vm7, $0x3F800000, v2  }
0x182: {  	s13 =	spop (v2sf);
	v5 =	vadd.f32 v5, v6  }
0x183: {  	(v2sf) =	vpush v4, $0xA;
	s14 =	sshll.u32 s13, $0x3  }
0x184: {  	s24 =	sand.u32 $0xFFFFFF80, s14;
	[tilespmem:s12+$0xC000] =	vst v5  }
0x185: {  	v5 =	vld [tilespmem:s24+$0xC000]  }
0x186: {  	s0 =	sand.u32 $0xF, s13  }
0x187: {  	v59 =	vmov s0  }
0x188: {  	vm8 =	veq.s32 v59, v3  }
0x189: {  	v6 =	vsel vm8, $0x3F800000, v2  }
0x18a: {  	s25 =	spop (v2sf);
	v5 =	vadd.f32 v5, v6  }
0x18b: {  	(v2sf) =	vpush v4, $0xB;
	s26 =	sshll.u32 s25, $0x3  }
0x18c: {  	s29 =	sand.u32 $0xFFFFFF80, s26;
	[tilespmem:s24+$0xC000] =	vst v5  }
0x18d: {  	v5 =	vld [tilespmem:s29+$0xC000]  }
0x18e: {  	s0 =	sand.u32 $0xF, s25  }
0x18f: {  	v60 =	vmov s0  }
0x190: {  	vm9 =	veq.s32 v60, v3  }
0x191: {  	v6 =	vsel vm9, $0x3F800000, v2  }
0x192: {  	s30 =	spop (v2sf);
	v5 =	vadd.f32 v5, v6  }
0x193: {  	(v2sf) =	vpush v4, $0xC;
	s31 =	sshll.u32 s30, $0x3  }
0x194: {  	s3 =	sand.u32 $0xFFFFFF80, s31;
	[tilespmem:s29+$0xC000] =	vst v5  }
0x195: {  	v5 =	vld [tilespmem:s3+$0xC000]  }
0x196: {  	s0 =	sand.u32 $0xF, s30  }
0x197: {  	v61 =	vmov s0  }
0x198: {  	vm10 =	veq.s32 v61, v3  }
0x199: {  	v6 =	vsel vm10, $0x3F800000, v2  }
0x19a: {  	s5 =	spop (v2sf);
	v5 =	vadd.f32 v5, v6  }
0x19b: {  	(v2sf) =	vpush v4, $0xD;
	s7 =	sshll.u32 s5, $0x3  }
0x19c: {  	s8 =	sand.u32 $0xFFFFFF80, s7;
	[tilespmem:s3+$0xC000] =	vst v5  }
0x19d: {  	v5 =	vld [tilespmem:s8+$0xC000]  }
0x19e: {  	s0 =	sand.u32 $0xF, s5  }
0x19f: {  	v62 =	vmov s0  }
0x1a0: {  	vm11 =	veq.s32 v62, v3  }
0x1a1: {  	v6 =	vsel vm11, $0x3F800000, v2  }
0x1a2: {  	s9 =	spop (v2sf);
	v5 =	vadd.f32 v5, v6  }
0x1a3: {  	(v2sf) =	vpush v4, $0xE;
	s10 =	sshll.u32 s9, $0x3  }
0x1a4: {  	s11 =	sand.u32 $0xFFFFFF80, s10;
	[tilespmem:s8+$0xC000] =	vst v5  }
0x1a5: {  	v5 =	vld [tilespmem:s11+$0xC000]  }
0x1a6: {  	s0 =	sand.u32 $0xF, s9  }
0x1a7: {  	v63 =	vmov s0  }
0x1a8: {  	vm12 =	veq.s32 v63, v3  }
0x1a9: {  	v6 =	vsel vm12, $0x3F800000, v2  }
0x1aa: {  	s12 =	spop (v2sf);
	v5 =	vadd.f32 v5, v6  }
0x1ab: {  	(v2sf) =	vpush v4, $0xF;
	s13 =	sshll.u32 s12, $0x3  }
0x1ac: {  	s14 =	sand.u32 $0xFFFFFF80, s13;
	[tilespmem:s11+$0xC000] =	vst v5  }
0x1ad: {  	v4 =	vld [tilespmem:s14+$0xC000]  }
0x1ae: {  	s0 =	sand.u32 $0xF, s12  }
0x1af: {  	v5 =	vmov s0  }
0x1b0: {  	vm13 =	veq.s32 v5, v3  }
0x1b1: {  	v5 =	vsel vm13, $0x3F800000, v2  }
0x1b2: {  	s24 =	spop (v2sf);
	v4 =	vadd.f32 v4, v5  }
0x1b3: {  	s25 =	sshll.u32 s24, $0x3  }
0x1b4: {  	s26 =	sand.u32 $0xFFFFFF80, s25;
	[tilespmem:s14+$0xC000] =	vst v4  }
0x1b5: {  	v4 =	vld [tilespmem:s26+$0xC000]  }
0x1b6: {  	s0 =	sand.u32 $0xF, s24  }
0x1b7: {  	v5 =	vmov s0  }
0x1b8: {  	vm14 =	veq.s32 v5, v3  }
0x1b9: {  	v5 =	vsel vm14, $0x3F800000, v2  }
0x1ba: {  	s29 =	spop (v2sf);
	v4 =	vadd.f32 v4, v5  }
0x1bb: {  	s30 =	sshll.u32 s29, $0x3  }
0x1bc: {  	s31 =	sand.u32 $0xFFFFFF80, s30;
	[tilespmem:s26+$0xC000] =	vst v4  }
0x1bd: {  	v4 =	vld [tilespmem:s31+$0xC000]  }
0x1be: {  	s0 =	sand.u32 $0xF, s29  }
0x1bf: {  	v5 =	vmov s0  }
.Ltmp6:
0x1c0: {  	vm15 =	veq.s32 v5, v3;
	(pc) =	sbr.rel .LBB2_10-.Ltmp6, $4  }
0x1c1: {  	s7 =	rddreg [dreg:$0x1];
	v5 =	vsel vm15, $0x3F800000, v2  }
0x1c2: {  	s10 =	rddreg [dreg:$0x8];
	v4 =	vadd.f32 v4, v5  }
0x1c3: {  	s24 =	rddreg [dreg:$0x5]  }
0x1c4: {  	s3 =	simm.s32 $0x0;
	s14 =	rddreg [dreg:$0x4];
	[tilespmem:s31+$0xC000] =	vst v4  }
.LBB2_11:
0x1c5: {  	s0 =	stileid.u32;
	[bflag:$0x0] =	sbarrier.arrive $0xFFFF  }
0x1c6: {  	s0 =	sshll.u32 s0, $0x6;
	s30 =	rddreg [dreg:$0x6]  }
0x1c7: {  	s31 =	rddreg [dreg:$0x9];
	s26 =	sor.u32 $0x1C02, s0;
	s28 =	sshrl.u32 s30, $0x3  }
0x1c8: {  	[hbm:s31], [sflag:s26] =	dma.local [spmem:s28], $0x1000  }
0x1c9: {  	_ =	swait.ge [sflag:s18], $0x1000  }
0x1ca: {  	[sflag:s18] =	ssyncset.done $0x0  }
0x1cb: {  	s1 =	simm.s32 $0x200;
	s0 =	simm.s32 $0x0;
	[sflag:s18] =	ssyncadd.s32 $0xFFFFF000  }
.LBB2_12:
0x1cc: {  	p0 =	sne.s32 s1, $0xFE00;
	[tilespmem:s0+$0x8070] =	vst v2  }
0x1cd: {  	[tilespmem:s0+$0x8000] =	vst v2  }
0x1ce: {  	[tilespmem:s0+$0x8010] =	vst v2  }
.Ltmp7:
0x1cf: {  	[tilespmem:s0+$0x8020] =	vst v2;
	(pc) =	sbr.rel @p0 .LBB2_12-.Ltmp7, $4  }
0x1d0: {  	[tilespmem:s0+$0x8030] =	vst v2  }
0x1d1: {  	[tilespmem:s0+$0x8040] =	vst v2  }
0x1d2: {  	[tilespmem:s0+$0x8050] =	vst v2  }
0x1d3: {  	[tilespmem:s0+$0x8060] =	vst v2;
	s0 =	sshra.s32 s1, $0x2;
	s1 =	sadd.s32 $0x200, s1  }
0x1d4: {  	[tilespmem:s0+$0x8070] =	vst v2  }
0x1d5: {  	[tilespmem:s0+$0x8000] =	vst v2  }
0x1d6: {  	[tilespmem:s0+$0x8010] =	vst v2  }
0x1d7: {  	[tilespmem:s0+$0x8020] =	vst v2  }
0x1d8: {  	[tilespmem:s0+$0x8030] =	vst v2  }
0x1d9: {  	[tilespmem:s0+$0x8040] =	vst v2  }
0x1da: {  	[tilespmem:s0+$0x8050] =	vst v2  }
0x1db: {  	[tilespmem:s0+$0x8060] =	vst v2;
	s25 =	rddreg [dreg:$0x6]  }
0x1dc: {  	[spmem:s25] =	stream.linear.scatter [tilespmem:s17], [sflag:$0x2], $0x4000, $0x38;
	[tilespmem:$0x14180] =	vst v63  }
0x1dd: {  	_ =	swait.ge [sflag:s18], $0x4000  }
0x1de: {  	[sflag:s18] =	ssyncset.done $0x0  }
0x1df: {  	s29 =	rddreg [dreg:$0x7];
	[sflag:s18] =	ssyncadd.s32 $0xFFFFC000  }
0x1e0: {  	[spmem:s29] =	stream.linear.scatter [tilespmem:s17], [sflag:$0x2], $0x4000, $0x38;
	[tilespmem:$0x14180] =	vst v63  }
0x1e1: {  	_ =	swait.ge [sflag:s18], $0x4000  }
0x1e2: {  	[sflag:s18] =	ssyncset.done $0x0  }
0x1e3: {  	[sflag:s18] =	ssyncadd.s32 $0xFFFFC000  }
0x1e4: {  	s30 =	sadd.s32 $0x0, s16;
	[bflag:$0x0] =	sbarrier.arrive $0xFFFF  }
0x1e5: {  	[tilespmem:s19], [sflag:$0x2] =	stream.linear.gather [hbm4b:s30+s4], $0x80, $0x38;
	[tilespmem:$0x14180] =	vst v63  }
0x1e6: {  	_ =	swait.ge [sflag:s18], $0x80  }
0x1e7: {  	[sflag:s18] =	ssyncset.done $0x0  }
0x1e8: {  	s31 =	sadd.s32 $0x0, s15;
	[sflag:s18] =	ssyncadd.s32 $0xFFFFFF80  }
0x1e9: {  	[tilespmem:s20], [sflag:$0x2] =	stream.linear.gather [hbm4b:s31+s4], $0x80, $0x38;
	[tilespmem:$0x14180] =	vst v63  }
0x1ea: {  	_ =	swait.ge [sflag:s18], $0x80  }
0x1eb: {  	[sflag:s18] =	ssyncset.done $0x0  }
0x1ec: {  	[sflag:s18] =	ssyncadd.s32 $0xFFFFFF80  }
0x1ed: {  	v4 =	vld [tilespmem:$0x14050]  }
0x1ee: {  	v5 =	vld [tilespmem:$0x14030]  }
0x1ef: {  	v6 =	vld [tilespmem:$0x14020]  }
0x1f0: {  	v7 =	vld [tilespmem:$0x14010]  }
0x1f1: {  	v8 =	vld [tilespmem:$0x14040]  }
0x1f2: {  	v9 =	vld [tilespmem:$0x14000];
	v4 =	vshll.u32 v4, $0x2  }
0x1f3: {  	v10 =	vld [tilespmem:$0x14060];
	v5 =	vshll.u32 v5, $0x2;
	v4 =	vor.u32 v1, v4  }
0x1f4: {  	v11 =	vld [tilespmem:$0x14070];
	v6 =	vshll.u32 v6, $0x2;
	v5 =	vor.u32 v1, v5;
	[tilespmem:$0x14150] =	vst v4  }
0x1f5: {  	v6 =	vor.u32 v1, v6;
	v4 =	vshll.u32 v7, $0x2;
	[tilespmem:$0x14130] =	vst v5  }
0x1f6: {  	[tilespmem:$0x14120] =	vst v6;
	v5 =	vshll.u32 v8, $0x2;
	v4 =	vor.u32 v1, v4  }
0x1f7: {  	v6 =	vshll.u32 v9, $0x2;
	[tilespmem:$0x14110] =	vst v4;
	v4 =	vor.u32 v1, v5  }
0x1f8: {  	v5 =	vor.u32 v1, v6;
	[tilespmem:$0x14140] =	vst v4;
	v4 =	vshll.u32 v10, $0x2  }
0x1f9: {  	s0 =	simm.s32 $0x10;
	[tilespmem:$0x14100] =	vst v5;
	v5 =	vshll.u32 v11, $0x2;
	v4 =	vor.u32 v1, v4  }
.LBB2_14:
0x1fa: {  	p0 =	sne.s32 s0, $0x1F0;
	[tilespmem:$0x14160] =	vst v4;
	v4 =	vor.u32 v1, v5;
	s1 =	smov.u32 s0;
	s0 =	sadd.s32 $0x10, s0  }
0x1fb: {  	[tilespmem:$0x14170] =	vst v4  }
0x1fc: {  	[tilespmem:s17], [sflag:$0x1] =	stream.indirect.gather [hbm4b:s6+s21], $0x80, s22, s21, $0xb8;
	[tilespmem:$0x14180] =	vst v63  }
0x1fd: {  	_ =	swait.ge [sflag:s23], $0x4000  }
0x1fe: {  	[sflag:s23] =	ssyncset.done $0x0  }
0x1ff: {  	[sflag:s23] =	ssyncadd.s32 $0xFFFFC000  }
0x200: {  	[spmem:s2] =	stream.indirect.scatter.add.f32 [tilespmem:s17], [sflag:$0x2], $0x80, s20, s21, $0xb8;
	[tilespmem:$0x14180] =	vst v63  }
0x201: {  	s3 =	sadd.s32 s1, s16;
	_ =	swait.ge [sflag:s18], $0x4000  }
0x202: {  	[sflag:s18] =	ssyncset.done $0x0  }
0x203: {  	[sflag:s18] =	ssyncadd.s32 $0xFFFFC000  }
0x204: {  	[tilespmem:s19], [sflag:$0x2] =	stream.linear.gather [hbm4b:s3+s4], $0x80, $0x38;
	[tilespmem:$0x14180] =	vst v63  }
0x205: {  	_ =	swait.ge [sflag:s18], $0x80  }
0x206: {  	[sflag:s18] =	ssyncset.done $0x0  }
0x207: {  	s1 =	sadd.s32 s1, s15;
	[sflag:s18] =	ssyncadd.s32 $0xFFFFFF80  }
0x208: {  	[tilespmem:s20], [sflag:$0x2] =	stream.linear.gather [hbm4b:s1+s4], $0x80, $0x38;
	[tilespmem:$0x14180] =	vst v63  }
0x209: {  	_ =	swait.ge [sflag:s18], $0x80  }
0x20a: {  	[sflag:s18] =	ssyncset.done $0x0  }
0x20b: {  	[sflag:s18] =	ssyncadd.s32 $0xFFFFFF80  }
0x20c: {  	v4 =	vld [tilespmem:$0x14050]  }
0x20d: {  	v5 =	vld [tilespmem:$0x14030]  }
0x20e: {  	v6 =	vld [tilespmem:$0x14020]  }
0x20f: {  	v7 =	vld [tilespmem:$0x14010]  }
0x210: {  	v8 =	vld [tilespmem:$0x14040]  }
0x211: {  	v9 =	vld [tilespmem:$0x14000];
	v4 =	vshll.u32 v4, $0x2  }
0x212: {  	v5 =	vshll.u32 v5, $0x2;
	v4 =	vor.u32 v1, v4;
	v10 =	vld [tilespmem:$0x14060]  }
0x213: {  	v6 =	vshll.u32 v6, $0x2;
	v5 =	vor.u32 v1, v5;
	[tilespmem:$0x14150] =	vst v4;
	v11 =	vld [tilespmem:$0x14070]  }
.Ltmp8:
0x214: {  	v4 =	vshll.u32 v7, $0x2;
	v6 =	vor.u32 v1, v6;
	[tilespmem:$0x14130] =	vst v5;
	(pc) =	sbr.rel @p0 .LBB2_14-.Ltmp8, $4  }
0x215: {  	v4 =	vor.u32 v1, v4;
	[tilespmem:$0x14120] =	vst v6;
	v5 =	vshll.u32 v8, $0x2  }
0x216: {  	v6 =	vshll.u32 v9, $0x2;
	[tilespmem:$0x14110] =	vst v4;
	v4 =	vor.u32 v1, v5  }
0x217: {  	v5 =	vor.u32 v1, v6;
	[tilespmem:$0x14140] =	vst v4;
	v4 =	vshll.u32 v10, $0x2  }
0x218: {  	[tilespmem:$0x14100] =	vst v5;
	v4 =	vor.u32 v1, v4;
	v5 =	vshll.u32 v11, $0x2  }
0x219: {  	[tilespmem:$0x14160] =	vst v4;
	v4 =	vor.u32 v1, v5  }
0x21a: {  	[tilespmem:$0x14170] =	vst v4  }
0x21b: {  	[tilespmem:s17], [sflag:$0x1] =	stream.indirect.gather [hbm4b:s6+s21], $0x80, s22, s21, $0xb8;
	[tilespmem:$0x14180] =	vst v63  }
0x21c: {  	_ =	swait.ge [sflag:s23], $0x4000  }
0x21d: {  	[sflag:s23] =	ssyncset.done $0x0  }
0x21e: {  	[sflag:s23] =	ssyncadd.s32 $0xFFFFC000  }
0x21f: {  	[spmem:s2] =	stream.indirect.scatter.add.f32 [tilespmem:s17], [sflag:$0x2], $0x80, s20, s21, $0xb8;
	[tilespmem:$0x14180] =	vst v63  }
0x220: {  	_ =	swait.ge [sflag:s18], $0x4000  }
0x221: {  	[sflag:s18] =	ssyncset.done $0x0  }
0x222: {  	[sflag:s18] =	ssyncadd.s32 $0xFFFFC000  }
0x223: {  	[bflag:$0x0] =	sbarrier.arrive $0xFFFF  }
0x224: {  	s0 =	rddreg [dreg:$0xa]  }
0x225: {  	[hbm:s0], [sflag:s26] =	dma.local [spmem:s28], $0x1000  }
0x226: {  	_ =	swait.ge [sflag:s18], $0x1000  }
0x227: {  	[sflag:s18] =	ssyncset.done $0x0  }
0x228: {  	s1 =	simm.s32 $0xC000;
	s29 =	rddreg [dreg:$0xb];
	[sflag:s18] =	ssyncadd.s32 $0xFFFFF000  }
0x229: {  	[hbm4b:s29+s4] =	stream.linear.scatter [tilespmem:s1], [sflag:$0x2], $0x8000, $0x38;
	[tilespmem:$0x14180] =	vst v63  }
0x22a: {  	_ =	swait.ge [sflag:s18], $0x8000  }
0x22b: {  	s30 =	rddreg [dreg:$0xd]  }
0x22c: {  	s31 =	rddreg [dreg:$0xc];
	s1 =	sadd.s32 $0x1, s30  }
0x22d: {  	p0 =	sne.s32 s1, s31  }
.Ltmp9:
0x22e: {  	_ = 	snop;
	(pc) =	sbr.rel @p0 .LBB2_1-.Ltmp9, $3  }
0x22f: {  	_ =	sdelay $0x1  }
0x230: {  	[sflag:s18] =	ssyncset.done $0x0  }
0x231: {  	[sflag:s18] =	ssyncadd.s32 $0xFFFF8000  }
0x232: {  	_ =	sfence.sel $0x180000  }
0x233: {  	[bflag:$0x0] =	sbarrier.arrive $0xFFFF  }
0x234: {  	_ =	strace $0x90000047  }
0x235: {  	s0 =	stileid.u32;
	[bflag:$0x2] =	sbarrier.arrive $0xFFFF  }
0x236: {  	p0 =	sne.s32 s0, $0x0;
	s0 =	rddreg [dreg:$0x3]  }
0x237: {  	s0 =	sadd.s32 @!p0 $0x100000, s0  }
0x238: {  	[sflag:s0] =	ssyncadd.tile.s32 @!p0 $0x1;
	_ =	shalt  }
.Lfunc_end2:
_tile_overlayer_lowered:
.L_overlay_start_2:
0x239: {  	(tag) =	ssettag $0x2  }
0x23a: {  	s0 =	rddreg [dreg:$0x0];
	s2 =	stileid.u32  }
0x23b: {  	s1 =	rddreg [dreg:$0x1];
	p0 =	sne.s32 s2, $0x0  }
0x23c: {  	s3 =	rddreg [dreg:$0x2];
	[bflag:$0x3] =	sbarrier.arrive $0xFFFF;
	s2 =	simm.s32 @!p0 $0x1C02  }
0x23d: {  	[timem:s3], [sflag:s2] =	dma.local @!p0 [hbm:s0], s1  }
0x23e: {  	s0 =	simm.s32 @!p0 $0x2  }
0x23f: {  	_ =	swait.ge @!p0 [sflag:s0], s1  }
0x240: {  	s1 =	ssub.s32 @!p0 $0x0, s1;
	[sflag:s0] =	ssyncset.done @!p0 $0x0  }
0x241: {  	[sflag:s0] =	ssyncadd.s32 @!p0 s1  }
0x242: {  	[bflag:$0x3] =	sbarrier.arrive $0xFFFF  }
0x243: {  	_ =	shalt  }

// kernel: kernel.9.cloned.1.call-start
scs
__scs_entry_jumppad:
0x0: {  	(pc) =	sbr.rel $0x88, $3  }
0x1: {  	(tag) =	ssettag $0x0;
	lr =	simm.s32 $0x1  }
0x2: {  	[smem:$0x3F95] =	sst lr;
	_ =	strace $0xD0000000  }
0x3: {  	_ = 	snop  }
0x4: {  	_ = 	snop  }
0x5: {  	_ = 	snop  }
0x6: {  	_ = 	snop  }
0x7: {  	_ = 	snop  }
__scs_overlays_trampoline_lowered:
0x8: {  	[smem:$0x3FA4] =	sst s0  }
0x9: {  	[smem:$0x3FA5] =	sst s1  }
0xa: {  	[smem:$0x3FA6] =	sst s2  }
0xb: {  	[smem:$0x3FA7] =	sst s3  }
0xc: {  	[smem:$0x3FA8] =	sst s4  }
0xd: {  	[smem:$0x3FA9] =	sst s5  }
0xe: {  	[smem:$0x3FAA] =	sst s6  }
0xf: {  	[smem:$0x3FAB] =	sst s7  }
0x10: {  	[smem:$0x3FAC] =	sst s8  }
0x11: {  	[smem:$0x3FAD] =	sst s9;
	s0 =	simm.s32 @!p0 $0x0  }
0x12: {  	s1 =	sld [smem:$0x3F93];
	s0 =	simm.s32 @p0 $0x1  }
0x13: {  	[smem:$0x3FAE] =	sst s0;
	s0 =	simm.s32 @!p1 $0x0  }
0x14: {  	s2 =	sld [smem:$0x3F92];
	s0 =	simm.s32 @p1 $0x1  }
0x15: {  	[smem:$0x3FAF] =	sst s0;
	s0 =	simm.s32 @!p2 $0x0  }
0x16: {  	s3 =	sld [smem:$0x3FDB];
	s0 =	simm.s32 @p2 $0x1  }
0x17: {  	s4 =	simm.s32 $0x1BF5;
	[smem:$0x3FB1] =	sst s0  }
0x18: {  	s0 =	sld [smem:$0x3F94];
	_ =	swait.ge [sflag:s4], $0x0  }
0x19: {  	s7 =	sld [smem:$0x3F95]  }
0x1a: {  	s8 =	sadd.s32 $0xFFFFE003, lr  }
0x1b: {  	s9 =	sadd.s32 $0xFFFFFEF7, lr;
	s5 =	simm.s32 $0xFFFFFFFF;
	p2 =	slt.u32 s8, $0xFFFFF086  }
0x1c: {  	p1 =	slt.u32 s9, $0xF7A;
	s5 =	simm.s32 @!p2 $0x0  }
0x1d: {  	s5 =	simm.s32 @p1 $0x1;
	p0 =	seq.s32 s7, s2  }
0x1e: {  	s7 =	smul.u32 @!p0 $0xF7A, s2;
	p2 =	seq.s32 @!p0 s5, $0x0  }
0x1f: {  	s9 =	smul.u32 $0xF7A, s1;
	s8 =	simm.s32 @!p0 $0x1BF5;
	p2 =	por !p2, p0  }
0x20: {  	[sflag:s8] =	ssyncset.s32 @!p0 $0xFFFFF086;
	s6 =	sadd.s32 @!p0 s3, s7;
	s7 =	simm.s32 @!p0 $0x108  }
0x21: {  	s3 =	sadd.s32 s3, s9;
	s6 =	sadd.s32 @!p0 $0x88, s6;
	s7 =	simm.s32 @p2 $0x1082  }
0x22: {  	[simem:s7], [sflag:s8] =	dma.local @!p0 [hbm:s6], $0xF7A  }
0x23: {  	s9 =	sor.u32 $0xD0000000, s2;
	s6 =	simm.s32 $0x108;
	_ =	swait.ge @!p0 [sflag:s8], $0x0  }
0x24: {  	s3 =	sadd.s32 $0x88, s3;
	s6 =	simm.s32 @!p1 $0x1082;
	[sflag:s4] =	ssyncset.s32 $0xFFFFF086  }
0x25: {  	[simem:s6], [sflag:s4] =	dma.local [hbm:s3], $0xF7A  }
0x26: {  	[smem:$0x3F95] =	sst s1;
	(tag) =	ssettag s2;
	_ =	strace s9  }
0x27: {  	s1 =	sld [smem:$0x3FA5]  }
0x28: {  	s2 =	sld [smem:$0x3FA6]  }
0x29: {  	s4 =	sld [smem:$0x3FA8]  }
0x2a: {  	p0 =	seq.s32 s5, $0x0;
	s5 =	sld [smem:$0x3FA9]  }
0x2b: {  	s6 =	sld [smem:$0x3FAA]  }
0x2c: {  	s7 =	sld [smem:$0x3FAB]  }
0x2d: {  	s3 =	simm.s32 $0x108;
	s8 =	sld [smem:$0x3FAC]  }
0x2e: {  	s3 =	simm.s32 @!p0 $0x1082;
	s9 =	sld [smem:$0x3FAD]  }
0x2f: {  	lr =	sadd.s32 s0, s3;
	s0 =	sld [smem:$0x3FA4]  }
0x30: {  	s3 =	sld [smem:$0x3FA7]  }
0x31: {  	[smem:$0x3FB0] =	sst s10  }
0x32: {  	s10 =	sld [smem:$0x3FAE];
	_ =	sdelay $0x3  }
0x33: {  	p0 =	seq.s32 s10, $0x1;
	s10 =	sld [smem:$0x3FB0];
	_ =	sdelay $0x3  }
0x34: {  	[smem:$0x3FB0] =	sst s10  }
0x35: {  	s10 =	sld [smem:$0x3FAF];
	_ =	sdelay $0x3  }
0x36: {  	p1 =	seq.s32 s10, $0x1;
	s10 =	sld [smem:$0x3FB0];
	_ =	sdelay $0x3  }
0x37: {  	[smem:$0x3FB0] =	sst s10  }
0x38: {  	s10 =	sld [smem:$0x3FB1]  }
0x39: {  	_ = 	snop;
	(pc) =	sbr.ind lr, $3  }
0x3a: {  	_ = 	snop  }
0x3b: {  	_ = 	snop  }
0x3c: {  	p2 =	seq.s32 s10, $0x1;
	s10 =	sld [smem:$0x3FB0]  }
0x3d: {  	_ =	shalt  }
0x3e: {  	_ =	shalt  }
0x3f: {  	_ =	shalt  }
0x40: {  	_ =	shalt  }
0x41: {  	_ =	shalt  }
0x42: {  	_ =	shalt  }
0x43: {  	_ =	shalt  }
0x44: {  	_ =	shalt  }
0x45: {  	_ =	shalt  }
0x46: {  	_ =	shalt  }
0x47: {  	_ =	shalt  }
0x48: {  	_ =	shalt  }
0x49: {  	_ =	shalt  }
0x4a: {  	_ =	shalt  }
0x4b: {  	_ =	shalt  }
0x4c: {  	_ =	shalt  }
0x4d: {  	_ =	shalt  }
0x4e: {  	_ =	shalt  }
0x4f: {  	_ =	shalt  }
0x50: {  	_ =	shalt  }
0x51: {  	_ =	shalt  }
0x52: {  	_ =	shalt  }
0x53: {  	_ =	shalt  }
0x54: {  	_ =	shalt  }
0x55: {  	_ =	shalt  }
0x56: {  	_ =	shalt  }
0x57: {  	_ =	shalt  }
0x58: {  	_ =	shalt  }
0x59: {  	_ =	shalt  }
0x5a: {  	_ =	shalt  }
0x5b: {  	_ =	shalt  }
0x5c: {  	_ =	shalt  }
0x5d: {  	_ =	shalt  }
0x5e: {  	_ =	shalt  }
0x5f: {  	_ =	shalt  }
0x60: {  	_ =	shalt  }
0x61: {  	_ =	shalt  }
0x62: {  	_ =	shalt  }
0x63: {  	_ =	shalt  }
0x64: {  	_ =	shalt  }
0x65: {  	_ =	shalt  }
0x66: {  	_ =	shalt  }
0x67: {  	_ =	shalt  }
0x68: {  	_ =	shalt  }
0x69: {  	_ =	shalt  }
0x6a: {  	_ =	shalt  }
0x6b: {  	_ =	shalt  }
0x6c: {  	_ =	shalt  }
0x6d: {  	_ =	shalt  }
0x6e: {  	_ =	shalt  }
0x6f: {  	_ =	shalt  }
0x70: {  	_ =	shalt  }
0x71: {  	_ =	shalt  }
0x72: {  	_ =	shalt  }
0x73: {  	_ =	shalt  }
0x74: {  	_ =	shalt  }
0x75: {  	_ =	shalt  }
0x76: {  	_ =	shalt  }
0x77: {  	_ =	shalt  }
0x78: {  	_ =	shalt  }
0x79: {  	_ =	shalt  }
0x7a: {  	_ =	shalt  }
0x7b: {  	_ =	shalt  }
0x7c: {  	_ =	shalt  }
0x7d: {  	_ =	shalt  }
0x7e: {  	_ =	shalt  }
0x7f: {  	_ =	shalt  }
0x80: {  	_ =	shalt  }
0x81: {  	_ =	shalt  }
0x82: {  	_ =	shalt  }
0x83: {  	_ =	shalt  }
0x84: {  	_ =	shalt  }
0x85: {  	_ =	shalt  }
0x86: {  	_ =	shalt  }
0x87: {  	_ =	shalt  }
.Lfunc_end0:
.L_simem_size_0:
called_computation.1_lowered:
.L_overlay_start_0:
0x88: {  	s2 =	sld [smem:$0x3FD9]  }
0x89: {  	s3 =	sld [smem:$0x3FFE];
	_ =	sdelay $0x1  }
0x8a: {  	s1 =	srdreg.scid  }
0x8b: {  	s0 =	sand.u32 $0x1, s1  }
0x8c: {  	s16 =	sshll.u32 s0, $0xA;
	s2 =	sadd.s32 s3, s2  }
0x8d: {  	s2 =	sadd.s32 s2, s16  }
0x8e: {  	[smem:$0x3FBC] =	sst s2  }
0x8f: {  	_ = 	snop  }
0x90: {  	(tm) =	ssettm $0x1  }
0x91: {  	s17 =	sld [smem:$0x3FFB];
	_ =	sdelay $0x3  }
0x92: {  	_ =	strace s17  }
0x93: {  	s2 =	sld [smem:$0x3FFC];
	_ =	sdelay $0x3  }
0x94: {  	_ =	strace s2  }
0x95: {  	s2 =	sld [smem:$0x3FFD];
	_ =	sdelay $0x3  }
0x96: {  	_ =	strace s2  }
0x97: {  	_ =	strace $0x8FFFFFFF  }
0x98: {  	s18 =	sld [smem:$0x3FDB];
	_ =	sdelay $0x1  }
0x99: {  	s19 =	simm.s32 $_scs_section_size  }
0x9a: {  	s4 =	simm.s32 $_size__tile_overlayer_lowered;
	s5 =	simm.s32 $_tile_overlayer_lowered  }
0x9b: {  	s22 =	simm.s32 $0x1BFF;
	s21 =	sshll.u32 s5, $0x1;
	s2 =	sadd.s32 s19, s18  }
0x9c: {  	s6 =	simm.s32 $0x0;
	s20 =	sshll.u32 s4, $0x1;
	s4 =	sadd.s32 s21, s2  }
0x9d: {  	[timem:s6], [sflag:s22] =	dma.local [hbm:s4], s20  }
0x9e: {  	_ =	swait.ge [sflag:s22], s20  }
0x9f: {  	s3 =	ssub.s32 $0x0, s20;
	[sflag:s22] =	ssyncset.done $0x0  }
0xa0: {  	[sflag:s22] =	ssyncadd.s32 s3;
	_ =	sdelay $0x1  }
0xa1: {  	s23 =	simm.s32 $0x1B8B  }
0xa2: {  	_ =	swait.ge [sflag:s23], $0x1  }
0xa3: {  	[sflag:s23] =	ssyncset.done $0x0  }
0xa4: {  	s25 =	simm.s32 $0x1B8E;
	s24 =	sld [smem:$0x3FFE];
	[sflag:s23] =	ssyncadd.s32 $0xFFFFFFFF  }
0xa5: {  	s26 =	simm.s32 $execute0_lowered;
	[smem:$0x3FD2] =	sst s25  }
0xa6: {  	s4 =	sshll.u32 s26, $0x1;
	_ =	strace $0x80000049;
	[dreg:$0x1] =	wrdreg $0xFFFFFFFF  }
0xa7: {  	s28 =	simm.s32 $_size_execute0_lowered;
	s2 =	sadd.s32 s2, s4;
	[dreg:$0x0] =	wrdreg $0x0  }
0xa8: {  	s4 =	sshll.u32 s28, $0x1;
	[dreg:$0x2] =	wrdreg s2  }
0xa9: {  	[dreg:$0x3] =	wrdreg s4  }
0xaa: {  	[dreg:$0x4] =	wrdreg $0xC0  }
0xab: {  	_ =	task [dreg:s6], $0x5FFFF  }
0xac: {  	[dreg:$0x1] =	wrdreg $0xFFFFFFFF  }
0xad: {  	[dreg:$0x0] =	wrdreg $0x60  }
0xae: {  	[dreg:$0x2] =	wrdreg s24  }
0xaf: {  	[dreg:$0x3] =	wrdreg $0x0  }
0xb0: {  	[dreg:$0x4] =	wrdreg $0x9  }
0xb1: {  	_ =	task.clear_ibuf [dreg:s6], $0x5FFFF;
	_ =	strace $0x90000049  }
0xb2: {  	s29 =	simm.s32 $0x9;
	_ =	strace $0x8000004B  }
0xb3: {  	_ =	swait.ge [sflag:s29], $0x1  }
0xb4: {  	[sflag:s29] =	ssyncadd.s32 $0xFFFFFFFF  }
0xb5: {  	_ =	strace $0x9000004B  }
0xb6: {  	_ =	sfence  }
0xb7: {  	s30 =	sld [smem:$0x0];
	_ =	sdelay $0x2  }
0xb8: {  	s31 =	sshll.u32 s1, $0xD;
	s1 =	sshrl.u32 s1, $0x2  }
0xb9: {  	s3 =	sand.u32 $0x4000, s31;
	s1 =	sadd.s32 s1, s30  }
0xba: {  	s0 =	sor.u32 s3, s0;
	s1 =	sshll.u32 s1, $0x11  }
0xbb: {  	s0 =	sor.u32 s1, s0  }
0xbc: {  	s0 =	sadd.s32 $0x8F2B, s0  }
0xbd: {  	[sflag:s0] =	ssyncadd.remote.s32 $0x1  }
0xbe: {  	_ =	sfence.sel $0xFFFF  }
0xbf: {  	[dreg:$0x0] =	wrdreg $0xFFFFFFFF;
	(pc) =	sbr.abs _section_cstart, $3  }
0xc0: {  	[dreg:$0x1] =	wrdreg $0xFFFFFFFF  }
0xc1: {  	_ =	task.clear_ibuf [dreg:s6], $0x2FFFF;
	_ =	strace $0x9FFFFFFF  }
0xc2: {  	(tm) =	ssettm $0x7FFFFFFF  }
0xc3: {  	_ =	shalt  }
tec
execute0_lowered:
.L_overlay_start_1:
0x0: {  	(tag) =	ssettag $0x1  }
0x1: {  	s0 =	rddreg [dreg:$0x0]  }
0x2: {  	s1 =	rddreg [dreg:$0x1]  }
0x3: {  	s2 =	simm.s32 $0x0;
	s3 =	srdreg.scid;
	s7 =	stileid.u32  }
0x4: {  	s16 =	simm.s32 $0x2000;
	s17 =	simm.s32 $0x2;
	s18 =	simm.s32 $0x8000  }
0x5: {  	s19 =	simm.s32 $0x8080;
	s20 =	simm.s32 $0x80;
	[smem:$0x7FF] =	sst s2  }
0x6: {  	s4 =	sadd.s32 $0x2C00, s0;
	s13 =	sand.u32 $0x1, s3;
	s23 =	sadd.s32 $0x1A5400, s0  }
0x7: {  	s21 =	sshll.u32 s7, $0xD;
	s24 =	sadd.s32 $0x1A4C00, s0;
	s8 =	sadd.s32 $0x4AC00, s0  }
0x8: {  	s7 =	sshll.u32 s7, $0x7;
	_ =	strace $0x8000004A;
	s5 =	sshll.u32 s13, $0x11  }
0x9: {  	s6 =	ssub.s32 $0x2, s13;
	s25 =	sshllo.u32 s13, $0x1;
	[dreg:$0x3] =	wrdreg s13  }
0xa: {  	s10 =	sshll.u32 s13, $0x1;
	s26 =	sshll.u32 s13, $0x12;
	[dreg:$0x4] =	wrdreg s23  }
0xb: {  	s12 =	sadd.s32 s21, s1;
	s14 =	sadd.s32 s7, s24;
	[dreg:$0x5] =	wrdreg s24  }
0xc: {  	s15 =	sadd.s32 s7, s23;
	[dreg:$0x7] =	wrdreg s7;
	s5 =	sor.u32 s21, s5  }
0xd: {  	s9 =	sshrl.u32 s6, $0x1;
	s11 =	sshll.u32 s25, $0x11;
	s28 =	sor.u32 s21, s26  }
0xe: {  	[dreg:$0x6] =	wrdreg s12;
	s5 =	sshrl.u32 s5, $0x3;
	s29 =	sshrl.u32 s28, $0x3  }
0xf: {  	s22 =	ssub.s32 s6, s9;
	s3 =	sor.u32 s21, s11;
	s30 =	sadd.s32 s8, s29  }
0x10: {  	s3 =	sshrl.u32 s3, $0x3;
	s31 =	smax.u32 s22, $0x1;
	[dreg:$0x8] =	wrdreg s30  }
0x11: {  	s0 =	sadd.s32 s5, s0;
	s3 =	sadd.s32 s8, s3;
	[dreg:$0xb] =	wrdreg s31  }
0x12: {  	v2 =	vimm.f32 $0.0e+00;
	s21 =	simm.s32 $0x8100;
	s0 =	sadd.s32 $0x42C00, s0;
	[dreg:$0x9] =	wrdreg s3  }
0x13: {  	v3 =	vlaneseq.u32;
	v0 =	vmov s10;
	v1 =	vmov s25;
	s22 =	simm.s32 $0x1;
	[dreg:$0xa] =	wrdreg s0;
	s3 =	simm.s32 $0x0  }
.LBB2_1:
0x14: {  	[dreg:$0xc] =	wrdreg s3;
	s0 =	simm.s32 $0x0;
	s3 =	simm.s32 $0x200  }
.LBB2_2:
0x15: {  	p0 =	sne.s32 s3, $0xFE00;
	[tilespmem:s0+$0x2070] =	vst v2  }
0x16: {  	[tilespmem:s0+$0x2000] =	vst v2  }
0x17: {  	[tilespmem:s0+$0x2010] =	vst v2  }
.Ltmp0:
0x18: {  	[tilespmem:s0+$0x2020] =	vst v2;
	(pc) =	sbr.rel @p0 .LBB2_2-.Ltmp0, $4  }
0x19: {  	[tilespmem:s0+$0x2030] =	vst v2  }
0x1a: {  	[tilespmem:s0+$0x2040] =	vst v2  }
0x1b: {  	[tilespmem:s0+$0x2050] =	vst v2  }
0x1c: {  	[tilespmem:s0+$0x2060] =	vst v2;
	s0 =	sshra.s32 s3, $0x2;
	s3 =	sadd.s32 $0x200, s3  }
0x1d: {  	[tilespmem:s0+$0x2070] =	vst v2  }
0x1e: {  	[tilespmem:s0+$0x2000] =	vst v2  }
0x1f: {  	[tilespmem:s0+$0x2010] =	vst v2  }
0x20: {  	[tilespmem:s0+$0x2020] =	vst v2  }
0x21: {  	[tilespmem:s0+$0x2030] =	vst v2  }
0x22: {  	[tilespmem:s0+$0x2040] =	vst v2  }
0x23: {  	[tilespmem:s0+$0x2050] =	vst v2  }
0x24: {  	[tilespmem:s0+$0x2060] =	vst v2;
	s0 =	simm.s32 $0x200;
	s3 =	simm.s32 $0x0  }
.LBB2_4:
0x25: {  	p0 =	sne.s32 s0, $0x7E00;
	[tilespmem:s3+$0x6000] =	vst v2;
	s3 =	smov.u32 s0;
	s0 =	sadd.s32 $0x200, s0  }
.Ltmp1:
0x26: {  	(pc) =	sbr.rel @p0 .LBB2_4-.Ltmp1, $2  }
0x27: {  	_ =	sdelay $0x2  }
0x28: {  	s3 =	sshra.s32 s3, $0x2  }
0x29: {  	[tilespmem:s3+$0x6000] =	vst v2;
	s0 =	rddreg [dreg:$0x6]  }
0x2a: {  	[spmem:s0] =	stream.linear.scatter [tilespmem:s16], [sflag:$0x2], $0x2000, $0x38;
	[tilespmem:$0x8180] =	vst v63  }
.Ltmp2:
0x2b: {  	_ =	swait.ge [sflag:s17], $0x2000;
	(pc) =	sbr.rel .LBB2_6-.Ltmp2, $4  }
0x2c: {  	[sflag:s17] =	ssyncset.done $0x0  }
0x2d: {  	[sflag:s17] =	ssyncadd.s32 $0xFFFFE000  }
0x2e: {  	[bflag:$0x0] =	sbarrier.arrive $0xFFFF  }
0x2f: {  	s5 =	simm.s32 $0x0;
	s26 =	simm.s32 $0x0  }
.LBB2_10:
0x30: {  	s26 =	sadd.s32 $0x1, s26  }
0x31: {  	p0 =	sne.s32 s26, $0x8  }
.Ltmp3:
0x32: {  	_ = 	snop;
	(pc) =	sbr.rel @!p0 .LBB2_11-.Ltmp3, $1  }
0x33: {  	_ =	sdelay $0x3  }
.LBB2_6:
0x34: {  	s0 =	sshll.u32 s26, $0x4  }
0x35: {  	s0 =	sadd.s32 s7, s0  }
0x36: {  	s3 =	sadd.s32 s23, s0  }
0x37: {  	[tilespmem:s18], [sflag:$0x2] =	stream.linear.gather [hbm4b:s3+s5], $0x80, $0x38;
	[tilespmem:$0x8180] =	vst v63  }
0x38: {  	_ =	swait.ge [sflag:s17], $0x80  }
0x39: {  	[sflag:s17] =	ssyncset.done $0x0  }
0x3a: {  	s0 =	sadd.s32 s24, s0;
	[sflag:s17] =	ssyncadd.s32 $0xFFFFFF80  }
0x3b: {  	[tilespmem:s19], [sflag:$0x2] =	stream.linear.gather [hbm4b:s0+s5], $0x80, $0x38;
	[tilespmem:$0x8180] =	vst v63  }
0x3c: {  	_ =	swait.ge [sflag:s17], $0x80  }
0x3d: {  	[sflag:s17] =	ssyncset.done $0x0  }
0x3e: {  	[sflag:s17] =	ssyncadd.s32 $0xFFFFFF80  }
0x3f: {  	v4 =	vld [tilespmem:$0x8000]  }
0x40: {  	v5 =	vld [tilespmem:$0x8010]  }
0x41: {  	v6 =	vld [tilespmem:$0x8020]  }
0x42: {  	v7 =	vld [tilespmem:$0x8030]  }
0x43: {  	v8 =	vld [tilespmem:$0x8040]  }
0x44: {  	v9 =	vld [tilespmem:$0x8050];
	v4 =	vshll.u32 v4, $0x2  }
0x45: {  	v10 =	vld [tilespmem:$0x8060];
	v5 =	vshll.u32 v5, $0x2;
	v4 =	vor.u32 v0, v4  }
0x46: {  	v63 =	vld [tilespmem:$0x8070];
	[tilespmem:$0x8100] =	vst v4;
	v4 =	vor.u32 v0, v5;
	v5 =	vshll.u32 v6, $0x2  }
0x47: {  	[tilespmem:$0x8110] =	vst v4;
	v4 =	vor.u32 v0, v5;
	v5 =	vshll.u32 v7, $0x2  }
0x48: {  	[tilespmem:$0x8120] =	vst v4;
	v4 =	vor.u32 v0, v5;
	v5 =	vshll.u32 v8, $0x2  }
0x49: {  	[tilespmem:$0x8130] =	vst v4;
	v4 =	vor.u32 v0, v5;
	v5 =	vshll.u32 v9, $0x2  }
0x4a: {  	[tilespmem:$0x8140] =	vst v4;
	v4 =	vor.u32 v0, v5;
	v5 =	vshll.u32 v10, $0x2  }
0x4b: {  	[tilespmem:$0x8150] =	vst v4;
	v4 =	vor.u32 v0, v5;
	v5 =	vshll.u32 v63, $0x2  }
0x4c: {  	[tilespmem:$0x8160] =	vst v4;
	v4 =	vor.u32 v0, v5  }
0x4d: {  	[tilespmem:$0x8170] =	vst v4  }
0x4e: {  	[tilespmem:s16], [sflag:$0x1] =	stream.indirect.gather [hbm4b:s4+s20], $0x80, s21, s20, $0xb8;
	[tilespmem:$0x8180] =	vst v63  }
0x4f: {  	s31 =	sand.u32 $0x1, s26;
	_ =	swait.ge [sflag:s22], $0x4000  }
0x50: {  	p0 =	sne.s32 s31, s13;
	[sflag:s22] =	ssyncset.done $0x0  }
.Ltmp4:
0x51: {  	[sflag:s22] =	ssyncadd.s32 $0xFFFFC000;
	(pc) =	sbr.rel @p0 .LBB2_10-.Ltmp4, $4  }
0x52: {  	[spmem:s1] =	stream.indirect.scatter.add.f32 [tilespmem:s16], [sflag:$0x2], $0x80, s19, s20, $0xb8;
	[tilespmem:$0x8180] =	vst v63  }
0x53: {  	_ =	swait.ge [sflag:s17], $0x4000  }
0x54: {  	[sflag:s17] =	ssyncset.done $0x0  }
0x55: {  	[sflag:s17] =	ssyncadd.s32 $0xFFFFC000  }
0x56: {  	s0 =	simm.s32 $0x0  }
0x57: {  	v4 =	vld [tilespmem:s0+$0x8080];
	_ =	sdelay $0x4  }
0x58: {  	(v2sf) =	vpush v4, $0x0;
	_ =	sdelay $0x7  }
0x59: {  	(v2sf) =	vpush v4, $0x1;
	_ =	sdelay $0x6  }
0x5a: {  	s23 =	spop (v2sf)  }
0x5b: {  	(v2sf) =	vpush v4, $0x2;
	s3 =	sshll.u32 s23, $0x3  }
0x5c: {  	s3 =	sand.u32 $0xFFFFFF80, s3  }
0x5d: {  	v5 =	vld [tilespmem:s3+$0x6000]  }
0x5e: {  	s0 =	sand.u32 $0xF, s23  }
0x5f: {  	v6 =	vmov s0  }
0x60: {  	vm0 =	veq.s32 v6, v3  }
0x61: {  	v6 =	vsel vm0, $0x3F800000, v2  }
0x62: {  	s24 =	spop (v2sf);
	v5 =	vadd.f32 v6, v5  }
0x63: {  	(v2sf) =	vpush v4, $0x3;
	s5 =	sshll.u32 s24, $0x3  }
0x64: {  	s25 =	sand.u32 $0xFFFFFF80, s5;
	[tilespmem:s3+$0x6000] =	vst v5  }
0x65: {  	v5 =	vld [tilespmem:s25+$0x6000]  }
0x66: {  	s0 =	sand.u32 $0xF, s24  }
0x67: {  	v6 =	vmov s0  }
0x68: {  	vm13 =	veq.s32 v6, v3  }
0x69: {  	v6 =	vsel vm13, $0x3F800000, v2  }
0x6a: {  	s30 =	spop (v2sf);
	v5 =	vadd.f32 v6, v5  }
0x6b: {  	(v2sf) =	vpush v4, $0x4;
	s31 =	sshll.u32 s30, $0x3  }
0x6c: {  	s5 =	sand.u32 $0xFFFFFF80, s31;
	[tilespmem:s25+$0x6000] =	vst v5  }
0x6d: {  	v5 =	vld [tilespmem:s5+$0x6000]  }
0x6e: {  	s0 =	sand.u32 $0xF, s30  }
0x6f: {  	v6 =	vmov s0  }
0x70: {  	vm14 =	veq.s32 v6, v3  }
0x71: {  	v6 =	vsel vm14, $0x3F800000, v2  }
0x72: {  	s6 =	spop (v2sf);
	v5 =	vadd.f32 v6, v5  }
0x73: {  	(v2sf) =	vpush v4, $0x5;
	s7 =	sshll.u32 s6, $0x3  }
0x74: {  	s8 =	sand.u32 $0xFFFFFF80, s7;
	[tilespmem:s5+$0x6000] =	vst v5  }
0x75: {  	v5 =	vld [tilespmem:s8+$0x6000]  }
0x76: {  	s0 =	sand.u32 $0xF, s6  }
0x77: {  	v6 =	vmov s0  }
0x78: {  	vm15 =	veq.s32 v6, v3  }
0x79: {  	v6 =	vsel vm15, $0x3F800000, v2  }
0x7a: {  	s9 =	spop (v2sf);
	v5 =	vadd.f32 v5, v6  }
0x7b: {  	(v2sf) =	vpush v4, $0x6;
	s10 =	sshll.u32 s9, $0x3  }
0x7c: {  	s11 =	sand.u32 $0xFFFFFF80, s10;
	[tilespmem:s8+$0x6000] =	vst v5  }
0x7d: {  	v5 =	vld [tilespmem:s11+$0x6000]  }
0x7e: {  	s0 =	sand.u32 $0xF, s9  }
0x7f: {  	v6 =	vmov s0  }
0x80: {  	vm4 =	veq.s32 v6, v3  }
0x81: {  	v6 =	vsel vm4, $0x3F800000, v2  }
0x82: {  	s12 =	spop (v2sf);
	v5 =	vadd.f32 v5, v6  }
0x83: {  	(v2sf) =	vpush v4, $0x7;
	s13 =	sshll.u32 s12, $0x3  }
0x84: {  	s23 =	sand.u32 $0xFFFFFF80, s13;
	[tilespmem:s11+$0x6000] =	vst v5  }
0x85: {  	v5 =	vld [tilespmem:s23+$0x6000]  }
0x86: {  	s0 =	sand.u32 $0xF, s12  }
0x87: {  	v6 =	vmov s0  }
0x88: {  	vm5 =	veq.s32 v6, v3  }
0x89: {  	v6 =	vsel vm5, $0x3F800000, v2  }
0x8a: {  	s24 =	spop (v2sf);
	v5 =	vadd.f32 v5, v6  }
0x8b: {  	(v2sf) =	vpush v4, $0x8;
	s25 =	sshll.u32 s24, $0x3  }
0x8c: {  	s30 =	sand.u32 $0xFFFFFF80, s25;
	[tilespmem:s23+$0x6000] =	vst v5  }
0x8d: {  	v5 =	vld [tilespmem:s30+$0x6000]  }
0x8e: {  	s0 =	sand.u32 $0xF, s24  }
0x8f: {  	v6 =	vmov s0  }
0x90: {  	vm6 =	veq.s32 v6, v3  }
0x91: {  	v6 =	vsel vm6, $0x3F800000, v2  }
0x92: {  	s31 =	spop (v2sf);
	v5 =	vadd.f32 v5, v6  }
0x93: {  	(v2sf) =	vpush v4, $0x9;
	s6 =	sshll.u32 s31, $0x3  }
0x94: {  	s7 =	sand.u32 $0xFFFFFF80, s6;
	[tilespmem:s30+$0x6000] =	vst v5  }
0x95: {  	v5 =	vld [tilespmem:s7+$0x6000]  }
0x96: {  	s0 =	sand.u32 $0xF, s31  }
0x97: {  	v6 =	vmov s0  }
0x98: {  	vm7 =	veq.s32 v6, v3  }
0x99: {  	v6 =	vsel vm7, $0x3F800000, v2  }
0x9a: {  	s8 =	spop (v2sf);
	v5 =	vadd.f32 v5, v6  }
0x9b: {  	(v2sf) =	vpush v4, $0xA;
	s9 =	sshll.u32 s8, $0x3  }
0x9c: {  	s10 =	sand.u32 $0xFFFFFF80, s9;
	[tilespmem:s7+$0x6000] =	vst v5  }
0x9d: {  	v5 =	vld [tilespmem:s10+$0x6000]  }
0x9e: {  	s0 =	sand.u32 $0xF, s8  }
0x9f: {  	v6 =	vmov s0  }
0xa0: {  	vm8 =	veq.s32 v6, v3  }
0xa1: {  	v6 =	vsel vm8, $0x3F800000, v2  }
0xa2: {  	s11 =	spop (v2sf);
	v5 =	vadd.f32 v5, v6  }
0xa3: {  	(v2sf) =	vpush v4, $0xB;
	s12 =	sshll.u32 s11, $0x3  }
0xa4: {  	s13 =	sand.u32 $0xFFFFFF80, s12;
	[tilespmem:s10+$0x6000] =	vst v5  }
0xa5: {  	v5 =	vld [tilespmem:s13+$0x6000]  }
0xa6: {  	s0 =	sand.u32 $0xF, s11  }
0xa7: {  	v6 =	vmov s0  }
0xa8: {  	vm9 =	veq.s32 v6, v3  }
0xa9: {  	v6 =	vsel vm9, $0x3F800000, v2  }
0xaa: {  	s23 =	spop (v2sf);
	v5 =	vadd.f32 v5, v6  }
0xab: {  	(v2sf) =	vpush v4, $0xC;
	s24 =	sshll.u32 s23, $0x3  }
0xac: {  	s25 =	sand.u32 $0xFFFFFF80, s24;
	[tilespmem:s13+$0x6000] =	vst v5  }
0xad: {  	v5 =	vld [tilespmem:s25+$0x6000]  }
0xae: {  	s0 =	sand.u32 $0xF, s23  }
0xaf: {  	v6 =	vmov s0  }
0xb0: {  	vm10 =	veq.s32 v6, v3  }
0xb1: {  	v6 =	vsel vm10, $0x3F800000, v2  }
0xb2: {  	s30 =	spop (v2sf);
	v5 =	vadd.f32 v5, v6  }
0xb3: {  	(v2sf) =	vpush v4, $0xD;
	s31 =	sshll.u32 s30, $0x3  }
0xb4: {  	s6 =	sand.u32 $0xFFFFFF80, s31;
	[tilespmem:s25+$0x6000] =	vst v5  }
0xb5: {  	v5 =	vld [tilespmem:s6+$0x6000]  }
0xb6: {  	s0 =	sand.u32 $0xF, s30  }
0xb7: {  	v6 =	vmov s0  }
0xb8: {  	vm11 =	veq.s32 v6, v3  }
0xb9: {  	v6 =	vsel vm11, $0x3F800000, v2  }
0xba: {  	s7 =	spop (v2sf);
	v5 =	vadd.f32 v5, v6  }
0xbb: {  	(v2sf) =	vpush v4, $0xE;
	s8 =	sshll.u32 s7, $0x3  }
0xbc: {  	s9 =	sand.u32 $0xFFFFFF80, s8;
	[tilespmem:s6+$0x6000] =	vst v5  }
0xbd: {  	v5 =	vld [tilespmem:s9+$0x6000]  }
0xbe: {  	s0 =	sand.u32 $0xF, s7  }
0xbf: {  	v6 =	vmov s0  }
0xc0: {  	vm12 =	veq.s32 v6, v3  }
0xc1: {  	v6 =	vsel vm12, $0x3F800000, v2  }
0xc2: {  	s10 =	spop (v2sf);
	v5 =	vadd.f32 v5, v6  }
0xc3: {  	(v2sf) =	vpush v4, $0xF;
	s11 =	sshll.u32 s10, $0x3  }
0xc4: {  	s12 =	sand.u32 $0xFFFFFF80, s11;
	[tilespmem:s9+$0x6000] =	vst v5  }
0xc5: {  	v4 =	vld [tilespmem:s12+$0x6000]  }
0xc6: {  	s0 =	sand.u32 $0xF, s10  }
0xc7: {  	v5 =	vmov s0  }
0xc8: {  	vm13 =	veq.s32 v5, v3  }
0xc9: {  	v5 =	vsel vm13, $0x3F800000, v2  }
0xca: {  	s13 =	spop (v2sf);
	v4 =	vadd.f32 v4, v5  }
0xcb: {  	s23 =	sshll.u32 s13, $0x3  }
0xcc: {  	s24 =	sand.u32 $0xFFFFFF80, s23;
	[tilespmem:s12+$0x6000] =	vst v4  }
0xcd: {  	v4 =	vld [tilespmem:s24+$0x6000]  }
0xce: {  	s0 =	sand.u32 $0xF, s13  }
0xcf: {  	v5 =	vmov s0  }
0xd0: {  	vm14 =	veq.s32 v5, v3  }
0xd1: {  	v5 =	vsel vm14, $0x3F800000, v2  }
0xd2: {  	s25 =	spop (v2sf);
	v4 =	vadd.f32 v4, v5  }
0xd3: {  	s30 =	sshll.u32 s25, $0x3  }
0xd4: {  	s0 =	sand.u32 $0xFFFFFF80, s30;
	[tilespmem:s24+$0x6000] =	vst v4  }
0xd5: {  	v4 =	vld [tilespmem:s0+$0x6000]  }
0xd6: {  	s31 =	sand.u32 $0xF, s25  }
0xd7: {  	v5 =	vmov s31  }
0xd8: {  	vm15 =	veq.s32 v5, v3  }
0xd9: {  	v5 =	vsel vm15, $0x3F800000, v2  }
0xda: {  	s28 =	simm.s32 $0x40;
	s29 =	simm.s32 $0x80;
	v4 =	vadd.f32 v4, v5  }
.LBB2_8:
0xdb: {  	p0 =	sne.s32 s29, $0x1C0  }
0xdc: {  	s3 =	sshra.s32 s28, $0x2;
	s28 =	smov.u32 s29;
	s29 =	sadd.s32 $0x40, s29;
	[tilespmem:s0+$0x6000] =	vst v4  }
0xdd: {  	v4 =	vld [tilespmem:s3+$0x8080];
	_ =	sdelay $0x4  }
0xde: {  	(v2sf) =	vpush v4, $0x0  }
0xdf: {  	(v2sf) =	vpush v4, $0x1;
	_ =	sdelay $0x1  }
0xe0: {  	(v2sf) =	vpush v4, $0x2  }
0xe1: {  	(v2sf) =	vpush v4, $0x3  }
0xe2: {  	(v2sf) =	vpush v4, $0x4  }
0xe3: {  	(v2sf) =	vpush v4, $0x5  }
0xe4: {  	(v2sf) =	vpush v4, $0x6  }
0xe5: {  	(v2sf) =	vpush v4, $0x7  }
0xe6: {  	(v2sf) =	vpush v4, $0x8;
	_ =	sdelay $0x1  }
0xe7: {  	(v2sf) =	vpush v4, $0x9  }
0xe8: {  	(v2sf) =	vpush v4, $0xA  }
0xe9: {  	(v2sf) =	vpush v4, $0xB  }
0xea: {  	(v2sf) =	vpush v4, $0xC  }
0xeb: {  	s0 =	spop (v2sf);
	(v2sf) =	vpush v4, $0xD  }
0xec: {  	s3 =	sand.u32 $0xF, s0;
	s0 =	sshll.u32 s0, $0x3;
	s5 =	spop (v2sf);
	(v2sf) =	vpush v4, $0xE  }
0xed: {  	v5 =	vmov s3;
	s0 =	sand.u32 $0xFFFFFF80, s0;
	s3 =	sand.u32 $0xF, s5;
	s10 =	sshll.u32 s5, $0x3;
	(v2sf) =	vpush v4, $0xF  }
0xee: {  	vm1 =	veq.s32 v5, v3;
	v4 =	vld [tilespmem:s0+$0x6000];
	v5 =	vmov s3;
	s3 =	spop (v2sf)  }
0xef: {  	vm0 =	veq.s32 v5, v3;
	s5 =	sand.u32 $0xF, s3;
	s30 =	sshll.u32 s3, $0x3;
	s3 =	spop (v2sf)  }
0xf0: {  	v5 =	vmov s5;
	s6 =	sand.u32 $0xF, s3;
	s5 =	sshll.u32 s3, $0x3;
	s3 =	spop (v2sf)  }
0xf1: {  	vm13 =	veq.s32 v5, v3;
	v5 =	vmov s6;
	s8 =	sand.u32 $0xF, s3;
	s6 =	sshll.u32 s3, $0x3;
	s3 =	spop (v2sf)  }
0xf2: {  	v6 =	vsel vm1, $0x3F800000, v2;
	vm12 =	veq.s32 v5, v3;
	v5 =	vmov s8;
	s8 =	sand.u32 $0xF, s3;
	s24 =	sshll.u32 s3, $0x3;
	s3 =	spop (v2sf)  }
0xf3: {  	v4 =	vadd.f32 v6, v4;
	vm11 =	veq.s32 v5, v3;
	v5 =	vmov s8;
	s11 =	sand.u32 $0xF, s3;
	s8 =	sshll.u32 s3, $0x3;
	s3 =	spop (v2sf)  }
0xf4: {  	vm10 =	veq.s32 v5, v3;
	v5 =	vmov s11;
	s11 =	sand.u32 $0xF, s3;
	s13 =	sshll.u32 s3, $0x3;
	s3 =	spop (v2sf)  }
0xf5: {  	s7 =	sand.u32 $0xFFFFFF80, s10;
	[tilespmem:s0+$0x6000] =	vst v4;
	vm9 =	veq.s32 v5, v3;
	v4 =	vmov s11;
	s0 =	sand.u32 $0xF, s3;
	s12 =	sshll.u32 s3, $0x3  }
0xf6: {  	v5 =	vld [tilespmem:s7+$0x6000];
	vm8 =	veq.s32 v4, v3;
	v4 =	vmov s0;
	s0 =	spop (v2sf)  }
0xf7: {  	vm7 =	veq.s32 v4, v3;
	s3 =	sand.u32 $0xF, s0;
	s11 =	sshll.u32 s0, $0x3;
	s0 =	spop (v2sf)  }
0xf8: {  	v4 =	vmov s3;
	s3 =	sand.u32 $0xF, s0;
	s10 =	sshll.u32 s0, $0x3;
	s0 =	spop (v2sf)  }
0xf9: {  	vm6 =	veq.s32 v4, v3;
	v4 =	vmov s3;
	s23 =	sand.u32 $0xF, s0;
	s3 =	sshll.u32 s0, $0x3;
	s0 =	spop (v2sf)  }
0xfa: {  	v6 =	vsel vm0, $0x3F800000, v2;
	vm5 =	veq.s32 v4, v3;
	v4 =	vmov s23;
	s31 =	sand.u32 $0xF, s0;
	s23 =	sshll.u32 s0, $0x3;
	s0 =	spop (v2sf)  }
0xfb: {  	v5 =	vadd.f32 v6, v5;
	vm4 =	veq.s32 v4, v3;
	v4 =	vmov s31;
	s31 =	sand.u32 $0xF, s0;
	s0 =	sshll.u32 s0, $0x3;
	s9 =	spop (v2sf)  }
0xfc: {  	vm3 =	veq.s32 v4, v3;
	v4 =	vmov s31;
	s25 =	sand.u32 $0xF, s9;
	s31 =	sshll.u32 s9, $0x3;
	s9 =	spop (v2sf)  }
0xfd: {  	[tilespmem:s7+$0x6000] =	vst v5;
	s7 =	sand.u32 $0xFFFFFF80, s30;
	vm2 =	veq.s32 v4, v3;
	v4 =	vmov s25;
	s25 =	sand.u32 $0xF, s9;
	s30 =	sshll.u32 s9, $0x3  }
0xfe: {  	v5 =	vld [tilespmem:s7+$0x6000];
	vm1 =	veq.s32 v4, v3;
	v4 =	vmov s25  }
0xff: {  	vm0 =	veq.s32 v4, v3;
	_ =	sdelay $0x2  }
0x100: {  	v4 =	vsel vm13, $0x3F800000, v2  }
0x101: {  	v4 =	vadd.f32 v4, v5;
	_ =	sdelay $0x1  }
0x102: {  	s5 =	sand.u32 $0xFFFFFF80, s5;
	[tilespmem:s7+$0x6000] =	vst v4  }
0x103: {  	v4 =	vld [tilespmem:s5+$0x6000];
	_ =	sdelay $0x3  }
0x104: {  	v5 =	vsel vm12, $0x3F800000, v2  }
0x105: {  	v4 =	vadd.f32 v4, v5;
	_ =	sdelay $0x1  }
0x106: {  	[tilespmem:s5+$0x6000] =	vst v4;
	s5 =	sand.u32 $0xFFFFFF80, s6  }
0x107: {  	v4 =	vld [tilespmem:s5+$0x6000];
	_ =	sdelay $0x3  }
0x108: {  	v5 =	vsel vm11, $0x3F800000, v2  }
0x109: {  	v4 =	vadd.f32 v4, v5;
	_ =	sdelay $0x1  }
0x10a: {  	[tilespmem:s5+$0x6000] =	vst v4;
	s5 =	sand.u32 $0xFFFFFF80, s24  }
0x10b: {  	v4 =	vld [tilespmem:s5+$0x6000];
	_ =	sdelay $0x3  }
0x10c: {  	v5 =	vsel vm10, $0x3F800000, v2  }
0x10d: {  	v4 =	vadd.f32 v4, v5;
	_ =	sdelay $0x1  }
0x10e: {  	[tilespmem:s5+$0x6000] =	vst v4;
	s5 =	sand.u32 $0xFFFFFF80, s8  }
0x10f: {  	v4 =	vld [tilespmem:s5+$0x6000];
	_ =	sdelay $0x3  }
0x110: {  	v5 =	vsel vm9, $0x3F800000, v2  }
0x111: {  	v4 =	vadd.f32 v4, v5;
	_ =	sdelay $0x1  }
0x112: {  	[tilespmem:s5+$0x6000] =	vst v4;
	s5 =	sand.u32 $0xFFFFFF80, s13  }
0x113: {  	v4 =	vld [tilespmem:s5+$0x6000];
	_ =	sdelay $0x3  }
0x114: {  	v5 =	vsel vm8, $0x3F800000, v2  }
0x115: {  	v4 =	vadd.f32 v4, v5;
	_ =	sdelay $0x1  }
0x116: {  	[tilespmem:s5+$0x6000] =	vst v4;
	s5 =	sand.u32 $0xFFFFFF80, s12  }
0x117: {  	v4 =	vld [tilespmem:s5+$0x6000];
	_ =	sdelay $0x3  }
0x118: {  	v5 =	vsel vm7, $0x3F800000, v2  }
0x119: {  	v4 =	vadd.f32 v4, v5;
	_ =	sdelay $0x1  }
0x11a: {  	[tilespmem:s5+$0x6000] =	vst v4;
	s5 =	sand.u32 $0xFFFFFF80, s11  }
0x11b: {  	v4 =	vld [tilespmem:s5+$0x6000];
	_ =	sdelay $0x3  }
0x11c: {  	v5 =	vsel vm6, $0x3F800000, v2  }
0x11d: {  	v4 =	vadd.f32 v4, v5;
	_ =	sdelay $0x1  }
0x11e: {  	[tilespmem:s5+$0x6000] =	vst v4;
	s5 =	sand.u32 $0xFFFFFF80, s10  }
0x11f: {  	v4 =	vld [tilespmem:s5+$0x6000];
	_ =	sdelay $0x3  }
0x120: {  	v5 =	vsel vm5, $0x3F800000, v2  }
0x121: {  	v4 =	vadd.f32 v4, v5;
	_ =	sdelay $0x1  }
0x122: {  	s3 =	sand.u32 $0xFFFFFF80, s3;
	[tilespmem:s5+$0x6000] =	vst v4  }
0x123: {  	v4 =	vld [tilespmem:s3+$0x6000];
	_ =	sdelay $0x3  }
0x124: {  	v5 =	vsel vm4, $0x3F800000, v2  }
0x125: {  	v4 =	vadd.f32 v4, v5;
	_ =	sdelay $0x1  }
0x126: {  	[tilespmem:s3+$0x6000] =	vst v4;
	s3 =	sand.u32 $0xFFFFFF80, s23  }
0x127: {  	v4 =	vld [tilespmem:s3+$0x6000];
	_ =	sdelay $0x3  }
0x128: {  	v5 =	vsel vm3, $0x3F800000, v2  }
0x129: {  	v4 =	vadd.f32 v4, v5;
	_ =	sdelay $0x1  }
0x12a: {  	s0 =	sand.u32 $0xFFFFFF80, s0;
	[tilespmem:s3+$0x6000] =	vst v4  }
0x12b: {  	v4 =	vld [tilespmem:s0+$0x6000];
	_ =	sdelay $0x3  }
0x12c: {  	v5 =	vsel vm2, $0x3F800000, v2  }
0x12d: {  	v4 =	vadd.f32 v4, v5;
	_ =	sdelay $0x1  }
0x12e: {  	[tilespmem:s0+$0x6000] =	vst v4;
	s0 =	sand.u32 $0xFFFFFF80, s31  }
0x12f: {  	v4 =	vld [tilespmem:s0+$0x6000];
	_ =	sdelay $0x3  }
0x130: {  	v5 =	vsel vm1, $0x3F800000, v2  }
0x131: {  	v4 =	vadd.f32 v4, v5;
	_ =	sdelay $0x1  }
0x132: {  	[tilespmem:s0+$0x6000] =	vst v4;
	s0 =	sand.u32 $0xFFFFFF80, s30  }
0x133: {  	v4 =	vld [tilespmem:s0+$0x6000]  }
.Ltmp5:
0x134: {  	(pc) =	sbr.rel @p0 .LBB2_8-.Ltmp5, $3  }
0x135: {  	_ =	sdelay $0x1  }
0x136: {  	v5 =	vsel vm0, $0x3F800000, v2  }
0x137: {  	v4 =	vadd.f32 v4, v5  }
0x138: {  	_ = 	snop  }
0x139: {  	s3 =	sshra.s32 s28, $0x2;
	[tilespmem:s0+$0x6000] =	vst v4  }
0x13a: {  	v4 =	vld [tilespmem:s3+$0x8080];
	_ =	sdelay $0x4  }
0x13b: {  	(v2sf) =	vpush v4, $0x0;
	_ =	sdelay $0x7  }
0x13c: {  	(v2sf) =	vpush v4, $0x1;
	_ =	sdelay $0x6  }
0x13d: {  	s6 =	spop (v2sf)  }
0x13e: {  	(v2sf) =	vpush v4, $0x2;
	s7 =	sshll.u32 s6, $0x3  }
0x13f: {  	s3 =	sand.u32 $0xFFFFFF80, s7  }
0x140: {  	v5 =	vld [tilespmem:s3+$0x6000]  }
0x141: {  	s0 =	sand.u32 $0xF, s6  }
0x142: {  	v6 =	vmov s0  }
0x143: {  	vm0 =	veq.s32 v6, v3  }
0x144: {  	v6 =	vsel vm0, $0x3F800000, v2  }
0x145: {  	s8 =	spop (v2sf);
	v5 =	vadd.f32 v6, v5  }
0x146: {  	(v2sf) =	vpush v4, $0x3;
	s5 =	sshll.u32 s8, $0x3  }
0x147: {  	s9 =	sand.u32 $0xFFFFFF80, s5;
	[tilespmem:s3+$0x6000] =	vst v5  }
0x148: {  	v5 =	vld [tilespmem:s9+$0x6000]  }
0x149: {  	s0 =	sand.u32 $0xF, s8  }
0x14a: {  	v52 =	vmov s0  }
0x14b: {  	vm13 =	veq.s32 v52, v3  }
0x14c: {  	v6 =	vsel vm13, $0x3F800000, v2  }
0x14d: {  	s10 =	spop (v2sf);
	v5 =	vadd.f32 v6, v5  }
0x14e: {  	(v2sf) =	vpush v4, $0x4;
	s11 =	sshll.u32 s10, $0x3  }
0x14f: {  	s12 =	sand.u32 $0xFFFFFF80, s11;
	[tilespmem:s9+$0x6000] =	vst v5  }
0x150: {  	v5 =	vld [tilespmem:s12+$0x6000]  }
0x151: {  	s0 =	sand.u32 $0xF, s10  }
0x152: {  	v53 =	vmov s0  }
0x153: {  	vm14 =	veq.s32 v53, v3  }
0x154: {  	v6 =	vsel vm14, $0x3F800000, v2  }
0x155: {  	s13 =	spop (v2sf);
	v5 =	vadd.f32 v6, v5  }
0x156: {  	(v2sf) =	vpush v4, $0x5;
	s23 =	sshll.u32 s13, $0x3  }
0x157: {  	s24 =	sand.u32 $0xFFFFFF80, s23;
	[tilespmem:s12+$0x6000] =	vst v5  }
0x158: {  	v5 =	vld [tilespmem:s24+$0x6000]  }
0x159: {  	s0 =	sand.u32 $0xF, s13  }
0x15a: {  	v54 =	vmov s0  }
0x15b: {  	vm15 =	veq.s32 v54, v3  }
0x15c: {  	v6 =	vsel vm15, $0x3F800000, v2  }
0x15d: {  	s25 =	spop (v2sf);
	v5 =	vadd.f32 v5, v6  }
0x15e: {  	(v2sf) =	vpush v4, $0x6;
	s28 =	sshll.u32 s25, $0x3  }
0x15f: {  	s29 =	sand.u32 $0xFFFFFF80, s28;
	[tilespmem:s24+$0x6000] =	vst v5  }
0x160: {  	v5 =	vld [tilespmem:s29+$0x6000]  }
0x161: {  	s0 =	sand.u32 $0xF, s25  }
0x162: {  	v55 =	vmov s0  }
0x163: {  	vm4 =	veq.s32 v55, v3  }
0x164: {  	v6 =	vsel vm4, $0x3F800000, v2  }
0x165: {  	s30 =	spop (v2sf);
	v5 =	vadd.f32 v5, v6  }
0x166: {  	(v2sf) =	vpush v4, $0x7;
	s31 =	sshll.u32 s30, $0x3  }
0x167: {  	s6 =	sand.u32 $0xFFFFFF80, s31;
	[tilespmem:s29+$0x6000] =	vst v5  }
0x168: {  	v5 =	vld [tilespmem:s6+$0x6000]  }
0x169: {  	s0 =	sand.u32 $0xF, s30  }
0x16a: {  	v56 =	vmov s0  }
0x16b: {  	vm5 =	veq.s32 v56, v3  }
0x16c: {  	v6 =	vsel vm5, $0x3F800000, v2  }
0x16d: {  	s7 =	spop (v2sf);
	v5 =	vadd.f32 v5, v6  }
0x16e: {  	(v2sf) =	vpush v4, $0x8;
	s8 =	sshll.u32 s7, $0x3  }
0x16f: {  	s9 =	sand.u32 $0xFFFFFF80, s8;
	[tilespmem:s6+$0x6000] =	vst v5  }
0x170: {  	v5 =	vld [tilespmem:s9+$0x6000]  }
0x171: {  	s0 =	sand.u32 $0xF, s7  }
0x172: {  	v57 =	vmov s0  }
0x173: {  	vm6 =	veq.s32 v57, v3  }
0x174: {  	v6 =	vsel vm6, $0x3F800000, v2  }
0x175: {  	s10 =	spop (v2sf);
	v5 =	vadd.f32 v5, v6  }
0x176: {  	(v2sf) =	vpush v4, $0x9;
	s11 =	sshll.u32 s10, $0x3  }
0x177: {  	s12 =	sand.u32 $0xFFFFFF80, s11;
	[tilespmem:s9+$0x6000] =	vst v5  }
0x178: {  	v5 =	vld [tilespmem:s12+$0x6000]  }
0x179: {  	s0 =	sand.u32 $0xF, s10  }
0x17a: {  	v58 =	vmov s0  }
0x17b: {  	vm7 =	veq.s32 v58, v3  }
0x17c: {  	v6 =	vsel vm7, $0x3F800000, v2  }
0x17d: {  	s13 =	spop (v2sf);
	v5 =	vadd.f32 v5, v6  }
0x17e: {  	(v2sf) =	vpush v4, $0xA;
	s23 =	sshll.u32 s13, $0x3  }
0x17f: {  	s24 =	sand.u32 $0xFFFFFF80, s23;
	[tilespmem:s12+$0x6000] =	vst v5  }
0x180: {  	v5 =	vld [tilespmem:s24+$0x6000]  }
0x181: {  	s0 =	sand.u32 $0xF, s13  }
0x182: {  	v59 =	vmov s0  }
0x183: {  	vm8 =	veq.s32 v59, v3  }
0x184: {  	v6 =	vsel vm8, $0x3F800000, v2  }
0x185: {  	s25 =	spop (v2sf);
	v5 =	vadd.f32 v5, v6  }
0x186: {  	(v2sf) =	vpush v4, $0xB;
	s28 =	sshll.u32 s25, $0x3  }
0x187: {  	s29 =	sand.u32 $0xFFFFFF80, s28;
	[tilespmem:s24+$0x6000] =	vst v5  }
0x188: {  	v5 =	vld [tilespmem:s29+$0x6000]  }
0x189: {  	s0 =	sand.u32 $0xF, s25  }
0x18a: {  	v60 =	vmov s0  }
0x18b: {  	vm9 =	veq.s32 v60, v3  }
0x18c: {  	v6 =	vsel vm9, $0x3F800000, v2  }
0x18d: {  	s30 =	spop (v2sf);
	v5 =	vadd.f32 v5, v6  }
0x18e: {  	(v2sf) =	vpush v4, $0xC;
	s31 =	sshll.u32 s30, $0x3  }
0x18f: {  	s5 =	sand.u32 $0xFFFFFF80, s31;
	[tilespmem:s29+$0x6000] =	vst v5  }
0x190: {  	v5 =	vld [tilespmem:s5+$0x6000]  }
0x191: {  	s0 =	sand.u32 $0xF, s30  }
0x192: {  	v61 =	vmov s0  }
0x193: {  	vm10 =	veq.s32 v61, v3  }
0x194: {  	v6 =	vsel vm10, $0x3F800000, v2  }
0x195: {  	s6 =	spop (v2sf);
	v5 =	vadd.f32 v5, v6  }
0x196: {  	(v2sf) =	vpush v4, $0xD;
	s7 =	sshll.u32 s6, $0x3  }
0x197: {  	s8 =	sand.u32 $0xFFFFFF80, s7;
	[tilespmem:s5+$0x6000] =	vst v5  }
0x198: {  	v5 =	vld [tilespmem:s8+$0x6000]  }
0x199: {  	s0 =	sand.u32 $0xF, s6  }
0x19a: {  	v62 =	vmov s0  }
0x19b: {  	vm11 =	veq.s32 v62, v3  }
0x19c: {  	v6 =	vsel vm11, $0x3F800000, v2  }
0x19d: {  	s9 =	spop (v2sf);
	v5 =	vadd.f32 v5, v6  }
0x19e: {  	(v2sf) =	vpush v4, $0xE;
	s10 =	sshll.u32 s9, $0x3  }
0x19f: {  	s11 =	sand.u32 $0xFFFFFF80, s10;
	[tilespmem:s8+$0x6000] =	vst v5  }
0x1a0: {  	v5 =	vld [tilespmem:s11+$0x6000]  }
0x1a1: {  	s0 =	sand.u32 $0xF, s9  }
0x1a2: {  	v63 =	vmov s0  }
0x1a3: {  	vm12 =	veq.s32 v63, v3  }
0x1a4: {  	v6 =	vsel vm12, $0x3F800000, v2  }
0x1a5: {  	s12 =	spop (v2sf);
	v5 =	vadd.f32 v5, v6  }
0x1a6: {  	(v2sf) =	vpush v4, $0xF;
	s13 =	sshll.u32 s12, $0x3  }
0x1a7: {  	s23 =	sand.u32 $0xFFFFFF80, s13;
	[tilespmem:s11+$0x6000] =	vst v5  }
0x1a8: {  	v4 =	vld [tilespmem:s23+$0x6000]  }
0x1a9: {  	s0 =	sand.u32 $0xF, s12  }
0x1aa: {  	v5 =	vmov s0  }
0x1ab: {  	vm13 =	veq.s32 v5, v3  }
0x1ac: {  	v5 =	vsel vm13, $0x3F800000, v2  }
0x1ad: {  	s24 =	spop (v2sf);
	v4 =	vadd.f32 v4, v5  }
0x1ae: {  	s25 =	sshll.u32 s24, $0x3  }
0x1af: {  	s28 =	sand.u32 $0xFFFFFF80, s25;
	[tilespmem:s23+$0x6000] =	vst v4  }
0x1b0: {  	v4 =	vld [tilespmem:s28+$0x6000]  }
0x1b1: {  	s0 =	sand.u32 $0xF, s24  }
0x1b2: {  	v5 =	vmov s0  }
0x1b3: {  	vm14 =	veq.s32 v5, v3  }
0x1b4: {  	v5 =	vsel vm14, $0x3F800000, v2  }
0x1b5: {  	s29 =	spop (v2sf);
	v4 =	vadd.f32 v4, v5  }
0x1b6: {  	s30 =	sshll.u32 s29, $0x3  }
0x1b7: {  	s31 =	sand.u32 $0xFFFFFF80, s30;
	[tilespmem:s28+$0x6000] =	vst v4  }
0x1b8: {  	v4 =	vld [tilespmem:s31+$0x6000]  }
0x1b9: {  	s0 =	sand.u32 $0xF, s29  }
0x1ba: {  	v5 =	vmov s0  }
.Ltmp6:
0x1bb: {  	vm15 =	veq.s32 v5, v3;
	(pc) =	sbr.rel .LBB2_10-.Ltmp6, $4  }
0x1bc: {  	s7 =	rddreg [dreg:$0x7];
	v5 =	vsel vm15, $0x3F800000, v2  }
0x1bd: {  	s13 =	rddreg [dreg:$0x3];
	v4 =	vadd.f32 v4, v5  }
0x1be: {  	s24 =	rddreg [dreg:$0x5]  }
0x1bf: {  	s5 =	simm.s32 $0x0;
	s23 =	rddreg [dreg:$0x4];
	[tilespmem:s31+$0x6000] =	vst v4  }
.LBB2_11:
0x1c0: {  	s0 =	stileid.u32;
	[bflag:$0x0] =	sbarrier.arrive $0xFFFF  }
0x1c1: {  	s0 =	sshll.u32 s0, $0x6;
	s30 =	rddreg [dreg:$0x6]  }
0x1c2: {  	s31 =	rddreg [dreg:$0x8];
	s25 =	sor.u32 $0x1C02, s0;
	s26 =	sshrl.u32 s30, $0x3  }
0x1c3: {  	[hbm:s31], [sflag:s25] =	dma.local [spmem:s26], $0x400  }
0x1c4: {  	_ =	swait.ge [sflag:s17], $0x400  }
0x1c5: {  	[sflag:s17] =	ssyncset.done $0x0  }
0x1c6: {  	s3 =	simm.s32 $0x200;
	s0 =	simm.s32 $0x0;
	[sflag:s17] =	ssyncadd.s32 $0xFFFFFC00  }
.LBB2_12:
0x1c7: {  	p0 =	sne.s32 s3, $0xFE00;
	[tilespmem:s0+$0x2070] =	vst v2  }
0x1c8: {  	[tilespmem:s0+$0x2000] =	vst v2  }
0x1c9: {  	[tilespmem:s0+$0x2010] =	vst v2  }
.Ltmp7:
0x1ca: {  	[tilespmem:s0+$0x2020] =	vst v2;
	(pc) =	sbr.rel @p0 .LBB2_12-.Ltmp7, $4  }
0x1cb: {  	[tilespmem:s0+$0x2030] =	vst v2  }
0x1cc: {  	[tilespmem:s0+$0x2040] =	vst v2  }
0x1cd: {  	[tilespmem:s0+$0x2050] =	vst v2  }
0x1ce: {  	[tilespmem:s0+$0x2060] =	vst v2;
	s0 =	sshra.s32 s3, $0x2;
	s3 =	sadd.s32 $0x200, s3  }
0x1cf: {  	[tilespmem:s0+$0x2070] =	vst v2  }
0x1d0: {  	[tilespmem:s0+$0x2000] =	vst v2  }
0x1d1: {  	[tilespmem:s0+$0x2010] =	vst v2  }
0x1d2: {  	[tilespmem:s0+$0x2020] =	vst v2  }
0x1d3: {  	[tilespmem:s0+$0x2030] =	vst v2  }
0x1d4: {  	[tilespmem:s0+$0x2040] =	vst v2  }
0x1d5: {  	[tilespmem:s0+$0x2050] =	vst v2  }
0x1d6: {  	[tilespmem:s0+$0x2060] =	vst v2;
	s29 =	rddreg [dreg:$0x6]  }
0x1d7: {  	[spmem:s29] =	stream.linear.scatter [tilespmem:s16], [sflag:$0x2], $0x2000, $0x38;
	[tilespmem:$0x8180] =	vst v63  }
0x1d8: {  	_ =	swait.ge [sflag:s17], $0x2000  }
0x1d9: {  	[sflag:s17] =	ssyncset.done $0x0  }
0x1da: {  	[sflag:s17] =	ssyncadd.s32 $0xFFFFE000  }
0x1db: {  	s30 =	sadd.s32 $0x0, s15;
	[bflag:$0x0] =	sbarrier.arrive $0xFFFF  }
0x1dc: {  	[tilespmem:s18], [sflag:$0x2] =	stream.linear.gather [hbm4b:s30+s2], $0x80, $0x38;
	[tilespmem:$0x8180] =	vst v63  }
0x1dd: {  	_ =	swait.ge [sflag:s17], $0x80  }
0x1de: {  	[sflag:s17] =	ssyncset.done $0x0  }
0x1df: {  	s31 =	sadd.s32 $0x0, s14;
	[sflag:s17] =	ssyncadd.s32 $0xFFFFFF80  }
0x1e0: {  	[tilespmem:s19], [sflag:$0x2] =	stream.linear.gather [hbm4b:s31+s2], $0x80, $0x38;
	[tilespmem:$0x8180] =	vst v63  }
0x1e1: {  	_ =	swait.ge [sflag:s17], $0x80  }
0x1e2: {  	[sflag:s17] =	ssyncset.done $0x0  }
0x1e3: {  	[sflag:s17] =	ssyncadd.s32 $0xFFFFFF80  }
0x1e4: {  	v4 =	vld [tilespmem:$0x8050]  }
0x1e5: {  	v5 =	vld [tilespmem:$0x8030]  }
0x1e6: {  	v6 =	vld [tilespmem:$0x8020]  }
0x1e7: {  	v7 =	vld [tilespmem:$0x8010]  }
0x1e8: {  	v8 =	vld [tilespmem:$0x8040]  }
0x1e9: {  	v9 =	vld [tilespmem:$0x8000];
	v4 =	vshll.u32 v4, $0x2  }
0x1ea: {  	v10 =	vld [tilespmem:$0x8060];
	v5 =	vshll.u32 v5, $0x2;
	v4 =	vor.u32 v1, v4  }
0x1eb: {  	v11 =	vld [tilespmem:$0x8070];
	v6 =	vshll.u32 v6, $0x2;
	v5 =	vor.u32 v1, v5;
	[tilespmem:$0x8150] =	vst v4  }
0x1ec: {  	v6 =	vor.u32 v1, v6;
	v4 =	vshll.u32 v7, $0x2;
	[tilespmem:$0x8130] =	vst v5  }
0x1ed: {  	[tilespmem:$0x8120] =	vst v6;
	v5 =	vshll.u32 v8, $0x2;
	v4 =	vor.u32 v1, v4  }
0x1ee: {  	v6 =	vshll.u32 v9, $0x2;
	[tilespmem:$0x8110] =	vst v4;
	v4 =	vor.u32 v1, v5  }
0x1ef: {  	v5 =	vor.u32 v1, v6;
	[tilespmem:$0x8140] =	vst v4;
	v4 =	vshll.u32 v10, $0x2  }
0x1f0: {  	s0 =	simm.s32 $0x10;
	[tilespmem:$0x8100] =	vst v5;
	v5 =	vshll.u32 v11, $0x2;
	v4 =	vor.u32 v1, v4  }
.LBB2_14:
0x1f1: {  	p0 =	sne.s32 s0, $0x70;
	[tilespmem:$0x8160] =	vst v4;
	v4 =	vor.u32 v1, v5;
	s3 =	smov.u32 s0;
	s0 =	sadd.s32 $0x10, s0  }
0x1f2: {  	[tilespmem:$0x8170] =	vst v4  }
0x1f3: {  	[tilespmem:s16], [sflag:$0x1] =	stream.indirect.gather [hbm4b:s4+s20], $0x80, s21, s20, $0xb8;
	[tilespmem:$0x8180] =	vst v63  }
0x1f4: {  	_ =	swait.ge [sflag:s22], $0x4000  }
0x1f5: {  	[sflag:s22] =	ssyncset.done $0x0  }
0x1f6: {  	[sflag:s22] =	ssyncadd.s32 $0xFFFFC000  }
0x1f7: {  	[spmem:s1] =	stream.indirect.scatter.add.f32 [tilespmem:s16], [sflag:$0x2], $0x80, s19, s20, $0xb8;
	[tilespmem:$0x8180] =	vst v63  }
0x1f8: {  	s5 =	sadd.s32 s3, s15;
	_ =	swait.ge [sflag:s17], $0x4000  }
0x1f9: {  	[sflag:s17] =	ssyncset.done $0x0  }
0x1fa: {  	[sflag:s17] =	ssyncadd.s32 $0xFFFFC000  }
0x1fb: {  	[tilespmem:s18], [sflag:$0x2] =	stream.linear.gather [hbm4b:s5+s2], $0x80, $0x38;
	[tilespmem:$0x8180] =	vst v63  }
0x1fc: {  	_ =	swait.ge [sflag:s17], $0x80  }
0x1fd: {  	[sflag:s17] =	ssyncset.done $0x0  }
0x1fe: {  	s3 =	sadd.s32 s3, s14;
	[sflag:s17] =	ssyncadd.s32 $0xFFFFFF80  }
0x1ff: {  	[tilespmem:s19], [sflag:$0x2] =	stream.linear.gather [hbm4b:s3+s2], $0x80, $0x38;
	[tilespmem:$0x8180] =	vst v63  }
0x200: {  	_ =	swait.ge [sflag:s17], $0x80  }
0x201: {  	[sflag:s17] =	ssyncset.done $0x0  }
0x202: {  	[sflag:s17] =	ssyncadd.s32 $0xFFFFFF80  }
0x203: {  	v4 =	vld [tilespmem:$0x8050]  }
0x204: {  	v5 =	vld [tilespmem:$0x8030]  }
0x205: {  	v6 =	vld [tilespmem:$0x8020]  }
0x206: {  	v7 =	vld [tilespmem:$0x8010]  }
0x207: {  	v8 =	vld [tilespmem:$0x8040]  }
0x208: {  	v9 =	vld [tilespmem:$0x8000];
	v4 =	vshll.u32 v4, $0x2  }
0x209: {  	v5 =	vshll.u32 v5, $0x2;
	v4 =	vor.u32 v1, v4;
	v10 =	vld [tilespmem:$0x8060]  }
0x20a: {  	v6 =	vshll.u32 v6, $0x2;
	v5 =	vor.u32 v1, v5;
	[tilespmem:$0x8150] =	vst v4;
	v11 =	vld [tilespmem:$0x8070]  }
.Ltmp8:
0x20b: {  	v4 =	vshll.u32 v7, $0x2;
	v6 =	vor.u32 v1, v6;
	[tilespmem:$0x8130] =	vst v5;
	(pc) =	sbr.rel @p0 .LBB2_14-.Ltmp8, $4  }
0x20c: {  	v4 =	vor.u32 v1, v4;
	[tilespmem:$0x8120] =	vst v6;
	v5 =	vshll.u32 v8, $0x2  }
0x20d: {  	v6 =	vshll.u32 v9, $0x2;
	[tilespmem:$0x8110] =	vst v4;
	v4 =	vor.u32 v1, v5  }
0x20e: {  	v5 =	vor.u32 v1, v6;
	[tilespmem:$0x8140] =	vst v4;
	v4 =	vshll.u32 v10, $0x2  }
0x20f: {  	[tilespmem:$0x8100] =	vst v5;
	v4 =	vor.u32 v1, v4;
	v5 =	vshll.u32 v11, $0x2  }
0x210: {  	[tilespmem:$0x8160] =	vst v4;
	v4 =	vor.u32 v1, v5  }
0x211: {  	[tilespmem:$0x8170] =	vst v4  }
0x212: {  	[tilespmem:s16], [sflag:$0x1] =	stream.indirect.gather [hbm4b:s4+s20], $0x80, s21, s20, $0xb8;
	[tilespmem:$0x8180] =	vst v63  }
0x213: {  	_ =	swait.ge [sflag:s22], $0x4000  }
0x214: {  	[sflag:s22] =	ssyncset.done $0x0  }
0x215: {  	[sflag:s22] =	ssyncadd.s32 $0xFFFFC000  }
0x216: {  	[spmem:s1] =	stream.indirect.scatter.add.f32 [tilespmem:s16], [sflag:$0x2], $0x80, s19, s20, $0xb8;
	[tilespmem:$0x8180] =	vst v63  }
0x217: {  	_ =	swait.ge [sflag:s17], $0x4000  }
0x218: {  	[sflag:s17] =	ssyncset.done $0x0  }
0x219: {  	[sflag:s17] =	ssyncadd.s32 $0xFFFFC000  }
0x21a: {  	[bflag:$0x0] =	sbarrier.arrive $0xFFFF  }
0x21b: {  	s0 =	rddreg [dreg:$0x9]  }
0x21c: {  	[hbm:s0], [sflag:s25] =	dma.local [spmem:s26], $0x400  }
0x21d: {  	_ =	swait.ge [sflag:s17], $0x400  }
0x21e: {  	[sflag:s17] =	ssyncset.done $0x0  }
0x21f: {  	s3 =	simm.s32 $0x6000;
	s29 =	rddreg [dreg:$0xa];
	[sflag:s17] =	ssyncadd.s32 $0xFFFFFC00  }
0x220: {  	[hbm4b:s29+s2] =	stream.linear.scatter [tilespmem:s3], [sflag:$0x2], $0x2000, $0x38;
	[tilespmem:$0x8180] =	vst v63  }
0x221: {  	_ =	swait.ge [sflag:s17], $0x2000  }
0x222: {  	s30 =	rddreg [dreg:$0xc]  }
0x223: {  	s31 =	rddreg [dreg:$0xb];
	s3 =	sadd.s32 $0x1, s30  }
0x224: {  	p0 =	sne.s32 s3, s31  }
.Ltmp9:
0x225: {  	_ = 	snop;
	(pc) =	sbr.rel @p0 .LBB2_1-.Ltmp9, $3  }
0x226: {  	_ =	sdelay $0x1  }
0x227: {  	[sflag:s17] =	ssyncset.done $0x0  }
0x228: {  	[sflag:s17] =	ssyncadd.s32 $0xFFFFE000  }
0x229: {  	_ =	sfence.sel $0x180000  }
0x22a: {  	[bflag:$0x0] =	sbarrier.arrive $0xFFFF  }
0x22b: {  	_ =	strace $0x9000004A  }
0x22c: {  	s0 =	stileid.u32;
	[bflag:$0x2] =	sbarrier.arrive $0xFFFF  }
0x22d: {  	p0 =	sne.s32 s0, $0x0;
	s0 =	rddreg [dreg:$0x2]  }
0x22e: {  	s0 =	sadd.s32 @!p0 $0x100000, s0  }
0x22f: {  	[sflag:s0] =	ssyncadd.tile.s32 @!p0 $0x1;
	_ =	shalt  }
.Lfunc_end2:
_tile_overlayer_lowered:
.L_overlay_start_2:
0x230: {  	(tag) =	ssettag $0x2  }
0x231: {  	s0 =	rddreg [dreg:$0x0];
	s2 =	stileid.u32  }
0x232: {  	s1 =	rddreg [dreg:$0x1];
	p0 =	sne.s32 s2, $0x0  }
0x233: {  	s3 =	rddreg [dreg:$0x2];
	[bflag:$0x3] =	sbarrier.arrive $0xFFFF;
	s2 =	simm.s32 @!p0 $0x1C02  }
0x234: {  	[timem:s3], [sflag:s2] =	dma.local @!p0 [hbm:s0], s1  }
0x235: {  	s0 =	simm.s32 @!p0 $0x2  }
0x236: {  	_ =	swait.ge @!p0 [sflag:s0], s1  }
0x237: {  	s1 =	ssub.s32 @!p0 $0x0, s1;
	[sflag:s0] =	ssyncset.done @!p0 $0x0  }
0x238: {  	[sflag:s0] =	ssyncadd.s32 @!p0 s1  }
0x239: {  	[bflag:$0x3] =	sbarrier.arrive $0xFFFF  }
0x23a: {  	_ =	shalt  }

</sc_bundles>
